<compile_context>
chip_gen: v7x
topology: tpu7x:2x2x1
jax: 0.10.2.dev20260603
libtpu: 0.0.44.dev20260713+nightly
codegen_flags: <defaults>
</compile_context>

<pallas_src>
import functools
import math

import jax
import jax.numpy as jnp
import numpy as np
from jax import lax
from jax.experimental import pallas as pl
from jax.experimental.pallas import tpu as pltpu
from jax.experimental.pallas import tpu_sc as plsc

B = 1
T = 2048
C = 768
H = 12
NOPE = 32
ROPE = 64
HD = 96
VHD = 32
QL = 96
KVL = 32
BS = 16
KEEP = 256
CTX = 2048
EPS = 1e-6
NB = T // BS

QBLK = 1024
NQB = T // QBLK

_INV_SQRT_HD = 1.0 / math.sqrt(HD)


def _freqs_cis(dim, end, theta=10000.0):
    freqs = 1.0 / (theta ** (np.arange(0, dim, 2, dtype=np.float32) / dim))
    t = np.arange(end, dtype=np.float32)
    f = np.outer(t, freqs)
    return np.cos(f), np.sin(f)


_COS_NP, _SIN_NP = _freqs_cis(ROPE, CTX)


def _rms(v, g, eps=EPS):
    return v * lax.rsqrt(jnp.mean(v * v, axis=-1, keepdims=True) + eps) * g


def _scores_body(x_ref, wimp_ref, wgate_ref, sc_ref, gs_ref):
    xb = x_ref[...]
    sc_ref[...] = jnp.dot(xb, wimp_ref[...], preferred_element_type=jnp.float32)
    gs_ref[...] = jnp.sum(jnp.dot(xb, wgate_ref[...],
                                  preferred_element_type=jnp.float32),
                          axis=0, keepdims=True)


def _scores(x2d, W_imp, W_gate):
    full = lambda shp: pl.BlockSpec(shp, lambda: tuple(0 for _ in shp))
    return pl.pallas_call(
        _scores_body,
        in_specs=[full((T, C)), full((C, 1)), full((C, 3))],
        out_specs=[full((T, 1)), full((1, 3))],
        out_shape=[
            jax.ShapeDtypeStruct((T, 1), jnp.float32),
            jax.ShapeDtypeStruct((1, 3), jnp.float32),
        ],
    )(x2d, W_imp, W_gate)


def _proj_body(x_ref, wcq_ref, gqn_ref, wdqn_ref, wdqr_ref, wwk_ref, wwv_ref,
               cos_ref, sin_ref, q_ref, kwf_ref, vwf_ref):
    xb = x_ref[...].astype(jnp.bfloat16)
    nq = _rms(jnp.dot(xb, wcq_ref[...].astype(jnp.bfloat16),
                      preferred_element_type=jnp.float32),
              gqn_ref[...]).astype(jnp.bfloat16)
    c = cos_ref[...]
    s = sin_ref[...]
    for h in range(H):
        qn = jnp.dot(nq, wdqn_ref[h].astype(jnp.bfloat16),
                     preferred_element_type=jnp.float32)
        qro = jnp.dot(nq, wdqr_ref[h].astype(jnp.bfloat16),
                      preferred_element_type=jnp.float32)
        xr = qro[:, :ROPE // 2]
        xi = qro[:, ROPE // 2:]
        q = jnp.concatenate([qn, xr * c - xi * s, xr * s + xi * c], axis=1)
        q_ref[h] = (q * _INV_SQRT_HD).astype(jnp.bfloat16)
    kwf_ref[...] = jnp.dot(xb, wwk_ref[...].astype(jnp.bfloat16),
                           preferred_element_type=jnp.float32
                           ).astype(jnp.bfloat16)
    vwf_ref[...] = jnp.dot(xb, wwv_ref[...].astype(jnp.bfloat16),
                           preferred_element_type=jnp.float32
                           ).astype(jnp.bfloat16)


def _projections(x2d, W_cq, g_qn, wdqn, wdqr, W_wink, W_winv, cosq, sinq):
    full = lambda shp: pl.BlockSpec(shp, lambda i: tuple(0 for _ in shp))
    return pl.pallas_call(
        _proj_body,
        grid=(NQB,),
        in_specs=[
            pl.BlockSpec((QBLK, C), lambda i: (i, 0)),
            full((C, QL)),
            full((1, QL)),
            full((H, QL, NOPE)),
            full((H, QL, ROPE)),
            full((C, H * HD)),
            full((C, H * VHD)),
            pl.BlockSpec((QBLK, ROPE // 2), lambda i: (i, 0)),
            pl.BlockSpec((QBLK, ROPE // 2), lambda i: (i, 0)),
        ],
        out_specs=[
            pl.BlockSpec((H, QBLK, HD), lambda i: (0, i, 0)),
            pl.BlockSpec((QBLK, H * HD), lambda i: (i, 0)),
            pl.BlockSpec((QBLK, H * VHD), lambda i: (i, 0)),
        ],
        out_shape=[
            jax.ShapeDtypeStruct((H, T, HD), jnp.bfloat16),
            jax.ShapeDtypeStruct((T, H * HD), jnp.bfloat16),
            jax.ShapeDtypeStruct((T, H * VHD), jnp.bfloat16),
        ],
    )(x2d, W_cq, g_qn, wdqn, wdqr, W_wink, W_winv, cosq, sinq)


_L = 16
_NV = T // _L
_NTILES = 32
_RPT = KEEP // _NTILES


def _sc_topk_body(scores_hbm, x_hbm, out_hbm, sval_v, keys_v, idx_v, rows_v,
                  cnt_loc, loc2d, shared, sem):
    pltpu.sync_copy(scores_hbm, sval_v)

    def keyxf(j, carry):
        v = sval_v[pl.ds(j * _L, _L)]
        b = plsc.bitcast(v, jnp.int32)
        m = jnp.right_shift(b, 31)
        keyi = b ^ (m | jnp.int32(-2147483648))
        keys_v[pl.ds(j * _L, _L)] = plsc.bitcast(keyi, jnp.uint32)
        return carry

    lax.fori_loop(0, _NV, keyxf, jnp.int32(0))

    def count_ge(thr):
        def body(j, cnt):
            kv = keys_v[pl.ds(j * _L, _L)]
            return cnt + plsc.all_reduce_population_count(kv >= thr)

        return lax.fori_loop(0, _NV, body,
                             jnp.zeros((_L,), jnp.int32))

    sid = lax.axis_index("s")
    iota16 = lax.iota(jnp.int32, _L)
    splat = lambda v: lax.broadcast_in_dim(v, (_L,), ())
    prefix = jnp.zeros((_L,), jnp.uint32)
    for lvl, sh in enumerate(range(28, -1, -4)):
        cand = prefix + splat(
            lax.convert_element_type(lax.shift_left(sid, sh), jnp.uint32))
        cnt_loc[...] = count_ge(cand)
        pltpu.sync_copy(cnt_loc, shared.at[lvl, sid])
        plsc.subcore_barrier()
        pltpu.sync_copy(shared.at[lvl], loc2d)
        cv = plsc.load_gather(loc2d, [iota16, iota16])
        tstar = jnp.max(jnp.where(cv >= KEEP, iota16, 0))
        prefix = prefix + splat(
            lax.convert_element_type(lax.shift_left(tstar, sh), jnp.uint32))
    thr = prefix

    def count_gt(j, cnt):
        kv = keys_v[pl.ds(j * _L, _L)]
        return cnt + plsc.all_reduce_population_count(kv > thr)

    n_gt = lax.fori_loop(0, _NV, count_gt, jnp.zeros((_L,), jnp.int32))
    need_eq = jnp.int32(KEEP) - n_gt

    lane = lax.iota(jnp.int32, _L)

    def selbody(j, carry):
        offv, eqc = carry
        kv = keys_v[pl.ds(j * _L, _L)]
        gt = kv > thr
        eq = kv == thr
        eqpre = plsc.cumsum(eq.astype(jnp.int32))
        sel = jnp.logical_or(gt, jnp.logical_and(eq, (eqc + eqpre) <= need_eq))
        pos = offv + plsc.cumsum(sel.astype(jnp.int32)) - 1
        plsc.store_scatter(idx_v, [pos], lane + j * _L, mask=sel)
        offv = offv + plsc.all_reduce_population_count(sel)
        eqc = eqc + plsc.all_reduce_population_count(eq)
        return offv, eqc

    lax.fori_loop(0, _NV, selbody,
                  (jnp.zeros((_L,), jnp.int32), jnp.zeros((_L,), jnp.int32)))

    wid = lax.axis_index("c") * 16 + lax.axis_index("s")
    pltpu.async_copy(x_hbm.at[idx_v.at[pl.ds(wid * _RPT, _RPT)]], rows_v,
                     sem).wait()
    pltpu.sync_copy(rows_v, out_hbm.at[pl.ds(wid * _RPT, _RPT)])


def _sc_topk_gather(scores, x2d):
    mesh = plsc.VectorSubcoreMesh(core_axis_name="c", subcore_axis_name="s")
    fn = functools.partial(
        pl.kernel,
        mesh=mesh,
        compiler_params=pltpu.CompilerParams(needs_layout_passes=False),
        out_type=jax.ShapeDtypeStruct((KEEP, C), jnp.float32),
        scratch_types=[
            pltpu.VMEM((T,), jnp.float32),
            pltpu.VMEM((T,), jnp.uint32),
            pltpu.VMEM((KEEP,), jnp.int32),
            pltpu.VMEM((_RPT, C), jnp.float32),
            pltpu.VMEM((_L,), jnp.int32),
            pltpu.VMEM((_L, _L), jnp.int32),
            pltpu.VMEM_SHARED((8, _L, _L), jnp.int32),
            pltpu.SemaphoreType.DMA,
        ],
    )(_sc_topk_body)
    return fn(scores, x2d)


NBLK_BC = 256
_KBC = BS * C


def _bc1_body(a_ref, pos_ref, w_ref, o_ref):
    z = jnp.dot((a_ref[...] + pos_ref[...]).astype(jnp.bfloat16),
                w_ref[...].astype(jnp.bfloat16),
                preferred_element_type=jnp.float32)
    o_ref[...] = 0.5 * z * (1.0 + lax.erf(z * (1.0 / math.sqrt(2.0))))


def _bc1(blocks_flat, pos_flat, W_bc1):
    n_n = (4 * C) // NBLK_BC
    return pl.pallas_call(
        _bc1_body,
        grid=(n_n,),
        in_specs=[
            pl.BlockSpec((NB, _KBC), lambda n: (0, 0)),
            pl.BlockSpec((1, _KBC), lambda n: (0, 0)),
            pl.BlockSpec((_KBC, NBLK_BC), lambda n: (0, n)),
        ],
        out_specs=pl.BlockSpec((NB, NBLK_BC), lambda n: (0, n)),
        out_shape=jax.ShapeDtypeStruct((NB, 4 * C), jnp.float32),
    )(blocks_flat, pos_flat, W_bc1)


def _bc2_body(h1_ref, wbc2_ref, wckv_ref, gkvn_ref, wdk_ref, wdv_ref, wkr_ref,
              cos_ref, sin_ref, kc_ref, vc_ref):
    comp = jnp.dot(h1_ref[...], wbc2_ref[...],
                   preferred_element_type=jnp.float32)
    ckv = _rms(jnp.dot(comp, wckv_ref[...], preferred_element_type=jnp.float32),
               gkvn_ref[...])
    kr = jnp.dot(comp, wkr_ref[...], preferred_element_type=jnp.float32)
    xr = kr[:, :ROPE // 2]
    xi = kr[:, ROPE // 2:]
    c = cos_ref[...]
    s = sin_ref[...]
    r1 = xr * c - xi * s
    r2 = xr * s + xi * c
    for h in range(H):
        kcn = jnp.dot(ckv, wdk_ref[h], preferred_element_type=jnp.float32)
        kc_ref[h] = jnp.concatenate([kcn, r1, r2], axis=1)
        vc_ref[h] = jnp.dot(ckv, wdv_ref[h], preferred_element_type=jnp.float32)


def _bc2(h1, W_bc2, W_ckv, gkvn, wdk, wdv, W_krope, cosb, sinb):
    full = lambda shp: pl.BlockSpec(shp, lambda: tuple(0 for _ in shp))
    return pl.pallas_call(
        _bc2_body,
        in_specs=[
            full((NB, 4 * C)),
            full((4 * C, C)),
            full((C, KVL)),
            full((1, KVL)),
            full((H, KVL, NOPE)),
            full((H, KVL, VHD)),
            full((C, ROPE)),
            full((NB, ROPE // 2)),
            full((NB, ROPE // 2)),
        ],
        out_specs=[full((H, NB, HD)), full((H, NB, VHD))],
        out_shape=[
            jax.ShapeDtypeStruct((H, NB, HD), jnp.float32),
            jax.ShapeDtypeStruct((H, NB, VHD), jnp.float32),
        ],
    )(h1, W_bc2, W_ckv, gkvn, wdk, wdv, W_krope, cosb, sinb)


def _selproj_body(sel_ref, wsk_ref, wsv_ref, ks_ref, vs_ref):
    sel = sel_ref[...].astype(jnp.bfloat16)
    ks_ref[...] = jnp.dot(sel, wsk_ref[...].astype(jnp.bfloat16),
                          preferred_element_type=jnp.float32
                          ).astype(jnp.bfloat16)
    vs_ref[...] = jnp.dot(sel, wsv_ref[...].astype(jnp.bfloat16),
                          preferred_element_type=jnp.float32
                          ).astype(jnp.bfloat16)


def _selproj(sel, W_selk, W_selv):
    full = lambda shp: pl.BlockSpec(shp, lambda: tuple(0 for _ in shp))
    return pl.pallas_call(
        _selproj_body,
        in_specs=[full((KEEP, C)), full((C, H * HD)), full((C, H * VHD))],
        out_specs=[full((KEEP, H * HD)), full((KEEP, H * VHD))],
        out_shape=[
            jax.ShapeDtypeStruct((KEEP, H * HD), jnp.bfloat16),
            jax.ShapeDtypeStruct((KEEP, H * VHD), jnp.bfloat16),
        ],
    )(sel, W_selk, W_selv)


KTOT = NB + KEEP + T
NV160 = 160


def _attn_body(q_ref, kc_ref, ks_ref, kw_ref, vc_ref, vs_ref, vw_ref, gs_ref,
               o_ref):
    g = gs_ref[...] * (1.0 / T)
    g = g - jnp.max(g)
    e = jnp.exp(g)
    w = e / jnp.sum(e)
    q = q_ref[0]
    nt = (((1,), (1,)), ((), ()))
    pc = jnp.exp(lax.dot_general(q, kc_ref[0], nt,
                                 preferred_element_type=jnp.float32)
                 ).astype(jnp.bfloat16)
    ps = jnp.exp(lax.dot_general(q, ks_ref[0], nt,
                                 preferred_element_type=jnp.float32)
                 ).astype(jnp.bfloat16)
    pw = jnp.exp(lax.dot_general(q, kw_ref[0], nt,
                                 preferred_element_type=jnp.float32)
                 ).astype(jnp.bfloat16)
    oc = jnp.dot(pc, vc_ref[0], preferred_element_type=jnp.float32)
    os_ = jnp.dot(ps, vs_ref[0], preferred_element_type=jnp.float32)
    ow = jnp.dot(pw, vw_ref[0], preferred_element_type=jnp.float32)
    o = (oc[:, :VHD] * (w[:, 0:1] / oc[:, 128:129])
         + os_[:, :VHD] * (w[:, 1:2] / os_[:, 128:129])
         + ow[:, :VHD] * (w[:, 2:3] / ow[:, 128:129]))
    o_ref[0] = o.astype(jnp.bfloat16)


def _attention(q, kc, ks, kw, vc, vs, vw, gsum):
    return pl.pallas_call(
        _attn_body,
        grid=(H, NQB),
        in_specs=[
            pl.BlockSpec((1, QBLK, HD), lambda h, i: (h, i, 0)),
            pl.BlockSpec((1, NB, HD), lambda h, i: (h, 0, 0)),
            pl.BlockSpec((1, KEEP, HD), lambda h, i: (h, 0, 0)),
            pl.BlockSpec((1, T, HD), lambda h, i: (h, 0, 0)),
            pl.BlockSpec((1, NB, NV160), lambda h, i: (h, 0, 0)),
            pl.BlockSpec((1, KEEP, NV160), lambda h, i: (h, 0, 0)),
            pl.BlockSpec((1, T, NV160), lambda h, i: (h, 0, 0)),
            pl.BlockSpec((1, 3), lambda h, i: (0, 0)),
        ],
        out_specs=pl.BlockSpec((1, QBLK, VHD), lambda h, i: (h, i, 0)),
        out_shape=jax.ShapeDtypeStruct((H, T, VHD), jnp.bfloat16),
    )(q, kc, ks, kw, vc, vs, vw, gsum)


def _outproj_body(o_ref, wp_ref, out_ref):
    ocat = jnp.concatenate([o_ref[h] for h in range(H)], axis=1)
    out_ref[...] = jnp.dot(ocat, wp_ref[...].astype(jnp.bfloat16),
                           preferred_element_type=jnp.float32)


def _outproj(o, wp2d):
    full = lambda shp: pl.BlockSpec(shp, lambda: tuple(0 for _ in shp))
    return pl.pallas_call(
        _outproj_body,
        in_specs=[full((H, T, VHD)), full((H * VHD, C))],
        out_specs=full((T, C)),
        out_shape=jax.ShapeDtypeStruct((T, C), jnp.float32),
    )(o, wp2d)


def kernel(x, W_cq, g_qn, W_dq_nope, W_dq_rope, W_ckv, g_kvn, W_dk_nope, W_dv,
           W_krope, W_imp, W_selk, W_selv, W_wink, W_winv, W_bc1, W_bc2,
           pos_enc, W_gate, W_proj):
    x2d = x.reshape(T, C)
    cos_t = jnp.asarray(_COS_NP)
    sin_t = jnp.asarray(_SIN_NP)

    ph = lambda w, d: w.reshape(w.shape[0], H, d).transpose(1, 0, 2)
    wdqn = ph(W_dq_nope, NOPE)
    wdqr = ph(W_dq_rope, ROPE)
    wdk = ph(W_dk_nope, NOPE)
    wdv = ph(W_dv, VHD)

    scores, gsum = _scores(x2d, W_imp, W_gate)
    sel = _sc_topk_gather(scores.reshape(T), x2d)

    q, kwf, vwf = _projections(x2d, W_cq, g_qn.reshape(1, QL), wdqn, wdqr,
                               W_wink, W_winv, cos_t[:T], sin_t[:T])

    h1 = _bc1(x2d.reshape(NB, _KBC), pos_enc.reshape(1, _KBC), W_bc1)
    kc, vc = _bc2(h1, W_bc2, W_ckv, g_kvn.reshape(1, KVL), wdk, wdv, W_krope,
                  cos_t[:NB], sin_t[:NB])

    ksf, vsf = _selproj(sel, W_selk, W_selv)

    bf = jnp.bfloat16
    per_head = lambda a, d: a.reshape(a.shape[0], H, d).transpose(1, 0, 2)
    ks = per_head(ksf, HD)
    kw = per_head(kwf, HD)
    pad160 = lambda v, r: jnp.concatenate(
        [v, jnp.zeros((H, r, 128 - VHD), bf), jnp.ones((H, r, 1), bf),
         jnp.zeros((H, r, NV160 - 129), bf)], axis=2)
    vc160 = pad160(vc.astype(bf), NB)
    vs160 = pad160(per_head(vsf, VHD), KEEP)
    vw160 = pad160(per_head(vwf, VHD), T)

    o = _attention(q, kc.astype(bf), ks, kw, vc160, vs160, vw160, gsum)
    out = _outproj(o, W_proj)
    return out.reshape(B, T, C)

# --- scband reference (transcript-rebuilt; emitter-appended) ---
"""Pipeline reference for scband-attn-40029095198891 (READ-ONLY COPY).

The authoritative reference and input builder live on the scoring server;
editing this copy changes nothing except your own understanding.
"""

import jax, jax.numpy as jnp
import numpy as np

B=1; T=2048; C=768; H=12
NOPE=32; ROPE=64; HD=96; VHD=32
QL=96; KVL=32
BS=16; KEEP=256; CTX=2048
EPS=1e-6

def precompute_freqs_cis(dim, end, theta=10000.0):
    freqs = 1.0/(theta ** (np.arange(0,dim,2,dtype=np.float32)/dim))
    t = np.arange(end, dtype=np.float32)
    f = np.outer(t, freqs)
    return jnp.asarray(np.cos(f)), jnp.asarray(np.sin(f))

COS, SIN = precompute_freqs_cis(ROPE, CTX)

def apply_rope(x):
    s = x.shape[-2]
    c = COS[:s][None,None]; sn = SIN[:s][None,None]
    xr, xi = jnp.split(x, 2, axis=-1)
    return jnp.concatenate([xr*c - xi*sn, xr*sn + xi*c], axis=-1)

def rmsnorm(v, w, eps=EPS):
    return v * jax.lax.rsqrt(jnp.mean(v*v, axis=-1, keepdims=True)+eps) * w

def _attend(q, k, v):
    s = jnp.einsum('bhqd,bhkd->bhqk', q, k) / np.sqrt(HD)
    a = jax.nn.softmax(s, axis=-1)
    return jnp.einsum('bhqk,bhkd->bhqd', a, v)

def setup_inputs(seed: int = 0):
    key = jax.random.key(seed)
    ks = jax.random.split(key, 20)
    def w(k, shape):
        return jax.random.normal(k, shape, dtype=jnp.float32) * 0.02
    return {
        'x': jax.random.normal(ks[0], (B, T, C), dtype=jnp.float32),
        'W_cq': w(ks[1], (C, QL)),
        'g_qn': jnp.ones((QL,), jnp.float32),
        'W_dq_nope': w(ks[2], (QL, H*NOPE)),
        'W_dq_rope': w(ks[3], (QL, H*ROPE)),
        'W_ckv': w(ks[4], (C, KVL)),
        'g_kvn': jnp.ones((KVL,), jnp.float32),
        'W_dk_nope': w(ks[5], (KVL, H*NOPE)),
        'W_dv': w(ks[6], (KVL, H*VHD)),
        'W_krope': w(ks[7], (C, ROPE)),
        'W_imp': w(ks[8], (C, 1)),
        'W_selk': w(ks[9], (C, H*HD)),
        'W_selv': w(ks[10], (C, H*VHD)),
        'W_wink': w(ks[11], (C, H*HD)),
        'W_winv': w(ks[12], (C, H*VHD)),
        'W_bc1': w(ks[13], (BS*C, 4*C)),
        'W_bc2': w(ks[14], (4*C, C)),
        'pos_enc': jax.random.normal(ks[15], (1, BS, C), dtype=jnp.float32),
        'W_gate': w(ks[16], (C, 3)),
        'W_proj': w(ks[17], (H*VHD, C)),
    }

def reference(x, W_cq, g_qn, W_dq_nope, W_dq_rope, W_ckv, g_kvn, W_dk_nope, W_dv, W_krope, W_imp, W_selk, W_selv, W_wink, W_winv, W_bc1, W_bc2, pos_enc, W_gate, W_proj):
    B_, T_, C_ = x.shape
    # MLA query path
    nq = rmsnorm(x @ W_cq, g_qn)
    qn = (nq @ W_dq_nope).reshape(B_, T_, H, NOPE).transpose(0, 2, 1, 3)
    qr = apply_rope((nq @ W_dq_rope).reshape(B_, T_, H, ROPE).transpose(0, 2, 1, 3))
    q = jnp.concatenate([qn, qr], axis=-1)
    # branch gating
    bw = jax.nn.softmax(jnp.mean(x @ W_gate, axis=1), axis=-1)
    # branch 1: compressed blocks (NSA compression)
    nb = T_ // BS
    blocks = x.reshape(B_, nb, BS, C_) + pos_enc
    comp = jax.nn.gelu(blocks.reshape(B_, nb, BS * C_) @ W_bc1, approximate=False) @ W_bc2
    ckv = rmsnorm(comp @ W_ckv, g_kvn)
    kcn = (ckv @ W_dk_nope).reshape(B_, nb, H, NOPE).transpose(0, 2, 1, 3)
    kcr = apply_rope((comp @ W_krope)[:, None, :, :])
    kcr = jnp.broadcast_to(kcr, (B_, H, nb, ROPE))
    kc = jnp.concatenate([kcn, kcr], axis=-1)
    vc = (ckv @ W_dv).reshape(B_, nb, H, VHD).transpose(0, 2, 1, 3)
    oc = _attend(q, kc, vc)
    # branch 2: top-k important token selection
    scores = (x @ W_imp)[..., 0]
    _, idx = jax.lax.top_k(scores, KEEP)
    idx = jnp.sort(idx, axis=1)
    sel = jnp.take_along_axis(x, idx[..., None], axis=1)
    ks_ = (sel @ W_selk).reshape(B_, KEEP, H, HD).transpose(0, 2, 1, 3)
    vs = (sel @ W_selv).reshape(B_, KEEP, H, VHD).transpose(0, 2, 1, 3)
    osel = _attend(q, ks_, vs)
    # branch 3: sliding-window (training path: full sequence)
    kw = (x @ W_wink).reshape(B_, T_, H, HD).transpose(0, 2, 1, 3)
    vw = (x @ W_winv).reshape(B_, T_, H, VHD).transpose(0, 2, 1, 3)
    ow = _attend(q, kw, vw)
    out = (bw[:, 0][:, None, None, None] * oc
           + bw[:, 1][:, None, None, None] * osel
           + bw[:, 2][:, None, None, None] * ow)
    out = out.transpose(0, 2, 1, 3).reshape(B_, T_, H * VHD)
    return out @ W_proj

if __name__ == "__main__":
    import jax
    _d = setup_inputs()
    print(jax.jit(kernel)(*tuple(_d.values())))

</pallas_src>

<mosaic_0001>
#map = affine_map<(d0, d1) -> (0)>
#map1 = affine_map<(d0, d1) -> (0, 0)>
module attributes {stable_mosaic.version = 14 : i64} {
  func.func @_sc_topk_body(%arg0: i32, %arg1: i32, %arg2: memref<2048xf32, #tpu.memory_space<hbm>>, %arg3: memref<2048x768xf32, #tpu.memory_space<hbm>>, %arg4: memref<256x768xf32, #tpu.memory_space<hbm>>, %arg5: memref<2048xf32, #tpu.memory_space<vmem>>, %arg6: memref<2048xi32, #tpu.memory_space<vmem>>, %arg7: memref<256xi32, #tpu.memory_space<vmem>>, %arg8: memref<8x768xf32, #tpu.memory_space<vmem>>, %arg9: memref<16xi32, #tpu.memory_space<vmem>>, %arg10: memref<16x16xi32, #tpu.memory_space<vmem>>, %arg11: memref<8x16x16xi32, #tpu.memory_space<vmem_shared>>, %arg12: memref<!tpu.dma_semaphore, #tpu.memory_space<semaphore_mem>>) attributes {dimension_semantics = [#tpu.dimension_semantics<core_parallel>, #tpu.dimension_semantics<subcore_parallel>], iteration_bounds = array<i64: 2, 16>, scalar_prefetch = 0 : i64, scratch_operands = 8 : i64, tpu.core_type = #tpu.core_type<sc_vector_subcore>, window_params = [{transform_indices = #map}, {transform_indices = #map1}, {transform_indices = #map1}]} {
    "tpu.region"() ({
      %run_scoped3A_317 = tpu.sem_alloc : memref<!tpu.dma_semaphore, #tpu.memory_space<semaphore_mem>>
      tpu.enqueue_dma source(%arg2 : memref<2048xf32, #tpu.memory_space<hbm>>) target(%arg5 : memref<2048xf32, #tpu.memory_space<vmem>>) target_semaphore(%run_scoped3A_317 : memref<!tpu.dma_semaphore, #tpu.memory_space<semaphore_mem>>)
      tpu.wait_dma2 semaphore(%run_scoped3A_317 : memref<!tpu.dma_semaphore, #tpu.memory_space<semaphore_mem>>) src(%arg2 : memref<2048xf32, #tpu.memory_space<hbm>>) dst(%arg5 : memref<2048xf32, #tpu.memory_space<vmem>>)
      tpu.yield
    }) : () -> ()
    %scan3A = arith.constant 0 : i32
    %scan3A_0 = arith.constant 0 : i32
    %scan3A_1 = arith.constant 128 : i32
    %scan3A_2 = arith.addi %scan3A_0, %scan3A_1 : i32
    %scan3A_3 = arith.constant 1 : i32
    scf.for %scan3A_317 = %scan3A_0 to %scan3A_2 step %scan3A_3  : i32 {
      %mul3A_318 = arith.constant 16 : i32
      %mul3A_319 = arith.muli %scan3A_317, %mul3A_318 : i32
      %get3A = arith.index_cast %mul3A_319 : i32 to index
      %get3A_320 = tpu.vector_load %arg5[%get3A] {strides = array<i32>} : memref<2048xf32, #tpu.memory_space<vmem>>, vector<16xf32>,
      %bitcast3A = vector.bitcast %get3A_320 : vector<16xf32> to vector<16xi32>
      %shift_right_arithmetic3A = arith.constant 31 : i32
      %shift_right_arithmetic3A_321 = vector.broadcast %shift_right_arithmetic3A : i32 to vector<16xi32>
      %shift_right_arithmetic3A_322 = arith.shrsi %bitcast3A, %shift_right_arithmetic3A_321 : vector<16xi32>
      %or3A = arith.constant -2147483648 : i32
      %or3A_323 = vector.broadcast %or3A : i32 to vector<16xi32>
      %or3A_324 = arith.ori %shift_right_arithmetic3A_322, %or3A_323 : vector<16xi32>
      %xor3A = arith.xori %bitcast3A, %or3A_324 : vector<16xi32>
      %bitcast3A_325 = vector.bitcast %xor3A : vector<16xi32> to vector<16xi32>
      %mul3A_326 = arith.constant 16 : i32
      %mul3A_327 = arith.muli %scan3A_317, %mul3A_326 : i32
      %swap3A_328 = arith.index_cast %mul3A_327 : i32 to index
      %swap3A_329 = tpu.vector_load %arg6[%swap3A_328] {strides = array<i32>} : memref<2048xi32, #tpu.memory_space<vmem>>, vector<16xi32>,
      tpu.vector_store %arg6[%swap3A_328], %bitcast3A_325 {strides = array<i32>} : memref<2048xi32, #tpu.memory_space<vmem>>, vector<16xi32>,
    }
    %scan3A_4 = arith.constant 128 : i32
    %iota3A = tpu.iota {dimensions = array<i32: 0>} : vector<16xi32>
    %broadcast_in_dim3A = arith.constant 0 : i32
    %broadcast_in_dim3A_5 = vector.broadcast %broadcast_in_dim3A : i32 to vector<16xi32>
    %shift_left3A = arith.constant 28 : i32
    %shift_left3A_6 = arith.shli %arg1, %shift_left3A : i32
    %broadcast_in_dim3A_7 = vector.broadcast %shift_left3A_6 : i32 to vector<16xi32>
    %add3A = arith.addi %broadcast_in_dim3A_5, %broadcast_in_dim3A_7 : vector<16xi32>
    %broadcast_in_dim3A_8 = arith.constant 0 : i32
    %broadcast_in_dim3A_9 = vector.broadcast %broadcast_in_dim3A_8 : i32 to vector<16xi32>
    %scan3A_10 = arith.constant 0 : i32
    %scan3A_11 = arith.constant 128 : i32
    %scan3A_12 = arith.addi %scan3A_10, %scan3A_11 : i32
    %scan3A_13 = arith.constant 1 : i32
    %scan3A_14 = scf.for %scan3A_317 = %scan3A_10 to %scan3A_12 step %scan3A_13 iter_args(%scan3A_318 = %broadcast_in_dim3A_9) -> (vector<16xi32>)  : i32 {
      %mul3A_319 = arith.constant 16 : i32
      %mul3A_320 = arith.muli %scan3A_317, %mul3A_319 : i32
      %get3A = arith.index_cast %mul3A_320 : i32 to index
      %get3A_321 = tpu.vector_load %arg6[%get3A] {strides = array<i32>} : memref<2048xi32, #tpu.memory_space<vmem>>, vector<16xi32>,
      %ge3A_322 = arith.cmpi uge, %get3A_321, %add3A : vector<16xi32>
      %all_reduce_population_count3A = tpu.all_reduce %ge3A_322 {dim = 0 : i64, kind = #tpu.reduction_kind<sum>} : vector<16xi1> -> vector<16xi32>
      %add3A_323 = arith.addi %scan3A_318, %all_reduce_population_count3A : vector<16xi32>
      scf.yield %add3A_323 : vector<16xi32>
    }
    %scan3A_15 = arith.constant 128 : i32
    %swap3A = arith.constant 0 : index
    %swap3A_16 = tpu.vector_load %arg9[%swap3A] {strides = array<i32>} : memref<16xi32, #tpu.memory_space<vmem>>, vector<16xi32>,
    tpu.vector_store %arg9[%swap3A], %scan3A_14 {strides = array<i32>} : memref<16xi32, #tpu.memory_space<vmem>>, vector<16xi32>,
    %run_scoped3A = arith.constant 0 : i32
    "tpu.region"() ({
      %run_scoped3A_317 = tpu.sem_alloc : memref<!tpu.dma_semaphore, #tpu.memory_space<semaphore_mem>>
      %dma_start3A_318 = arith.constant 0 : i32
      %dma_start3A_319 = tpu.memref_slice %arg11[%run_scoped3A, %arg1, %dma_start3A_318] : memref<8x16x16xi32, #tpu.memory_space<vmem_shared>> -> memref<1x1x16xi32, #tpu.memory_space<vmem_shared>>
      %dma_start3A_320 = tpu.memref_squeeze %dma_start3A_319 : memref<1x1x16xi32, #tpu.memory_space<vmem_shared>> -> memref<16xi32, #tpu.memory_space<vmem_shared>>
      %dma_start3A_321 = arith.constant 0 : i32
      %dma_start3A_322 = tpu.memref_slice %arg11[%run_scoped3A, %arg1, %dma_start3A_321] : memref<8x16x16xi32, #tpu.memory_space<vmem_shared>> -> memref<1x1x16xi32, #tpu.memory_space<vmem_shared>>
      %dma_start3A_323 = tpu.memref_squeeze %dma_start3A_322 : memref<1x1x16xi32, #tpu.memory_space<vmem_shared>> -> memref<16xi32, #tpu.memory_space<vmem_shared>>
      tpu.enqueue_dma source(%arg9 : memref<16xi32, #tpu.memory_space<vmem>>) target(%dma_start3A_323 : memref<16xi32, #tpu.memory_space<vmem_shared>>) target_semaphore(%run_scoped3A_317 : memref<!tpu.dma_semaphore, #tpu.memory_space<semaphore_mem>>)
      %dma_wait3A_324 = arith.constant 0 : i32
      %dma_wait3A_325 = tpu.memref_slice %arg11[%run_scoped3A, %arg1, %dma_wait3A_324] : memref<8x16x16xi32, #tpu.memory_space<vmem_shared>> -> memref<1x1x16xi32, #tpu.memory_space<vmem_shared>>
      %dma_wait3A_326 = tpu.memref_squeeze %dma_wait3A_325 : memref<1x1x16xi32, #tpu.memory_space<vmem_shared>> -> memref<16xi32, #tpu.memory_space<vmem_shared>>
      %dma_wait3A_327 = arith.constant 0 : i32
      %dma_wait3A_328 = tpu.memref_slice %arg11[%run_scoped3A, %arg1, %dma_wait3A_327] : memref<8x16x16xi32, #tpu.memory_space<vmem_shared>> -> memref<1x1x16xi32, #tpu.memory_space<vmem_shared>>
      %dma_wait3A_329 = tpu.memref_squeeze %dma_wait3A_328 : memref<1x1x16xi32, #tpu.memory_space<vmem_shared>> -> memref<16xi32, #tpu.memory_space<vmem_shared>>
      tpu.wait_dma2 semaphore(%run_scoped3A_317 : memref<!tpu.dma_semaphore, #tpu.memory_space<semaphore_mem>>) src(%arg9 : memref<16xi32, #tpu.memory_space<vmem>>) dst(%dma_wait3A_329 : memref<16xi32, #tpu.memory_space<vmem_shared>>)
      tpu.yield
    }) : () -> ()
    %barrier3A = arith.constant 0 : index
    tpu.barrier barrier_id(%barrier3A)
    %run_scoped3A_17 = arith.constant 0 : i32
    "tpu.region"() ({
      %run_scoped3A_317 = tpu.sem_alloc : memref<!tpu.dma_semaphore, #tpu.memory_space<semaphore_mem>>
      %dma_start3A_318 = arith.constant 0 : i32
      %dma_start3A_319 = arith.constant 0 : i32
      %dma_start3A_320 = tpu.memref_slice %arg11[%run_scoped3A_17, %dma_start3A_318, %dma_start3A_319] : memref<8x16x16xi32, #tpu.memory_space<vmem_shared>> -> memref<1x16x16xi32, #tpu.memory_space<vmem_shared>>
      %dma_start3A_321 = tpu.memref_squeeze %dma_start3A_320 : memref<1x16x16xi32, #tpu.memory_space<vmem_shared>> -> memref<16x16xi32, #tpu.memory_space<vmem_shared>>
      %dma_start3A_322 = arith.constant 0 : i32
      %dma_start3A_323 = arith.constant 0 : i32
      %dma_start3A_324 = tpu.memref_slice %arg11[%run_scoped3A_17, %dma_start3A_322, %dma_start3A_323] : memref<8x16x16xi32, #tpu.memory_space<vmem_shared>> -> memref<1x16x16xi32, #tpu.memory_space<vmem_shared>>
      %dma_start3A_325 = tpu.memref_squeeze %dma_start3A_324 : memref<1x16x16xi32, #tpu.memory_space<vmem_shared>> -> memref<16x16xi32, #tpu.memory_space<vmem_shared>>
      tpu.enqueue_dma source(%dma_start3A_325 : memref<16x16xi32, #tpu.memory_space<vmem_shared>>) target(%arg10 : memref<16x16xi32, #tpu.memory_space<vmem>>) target_semaphore(%run_scoped3A_317 : memref<!tpu.dma_semaphore, #tpu.memory_space<semaphore_mem>>)
      %dma_wait3A_326 = arith.constant 0 : i32
      %dma_wait3A_327 = arith.constant 0 : i32
      %dma_wait3A_328 = tpu.memref_slice %arg11[%run_scoped3A_17, %dma_wait3A_326, %dma_wait3A_327] : memref<8x16x16xi32, #tpu.memory_space<vmem_shared>> -> memref<1x16x16xi32, #tpu.memory_space<vmem_shared>>
      %dma_wait3A_329 = tpu.memref_squeeze %dma_wait3A_328 : memref<1x16x16xi32, #tpu.memory_space<vmem_shared>> -> memref<16x16xi32, #tpu.memory_space<vmem_shared>>
      %dma_wait3A_330 = arith.constant 0 : i32
      %dma_wait3A_331 = arith.constant 0 : i32
      %dma_wait3A_332 = tpu.memref_slice %arg11[%run_scoped3A_17, %dma_wait3A_330, %dma_wait3A_331] : memref<8x16x16xi32, #tpu.memory_space<vmem_shared>> -> memref<1x16x16xi32, #tpu.memory_space<vmem_shared>>
      %dma_wait3A_333 = tpu.memref_squeeze %dma_wait3A_332 : memref<1x16x16xi32, #tpu.memory_space<vmem_shared>> -> memref<16x16xi32, #tpu.memory_space<vmem_shared>>
      tpu.wait_dma2 semaphore(%run_scoped3A_317 : memref<!tpu.dma_semaphore, #tpu.memory_space<semaphore_mem>>) src(%dma_wait3A_333 : memref<16x16xi32, #tpu.memory_space<vmem_shared>>) dst(%arg10 : memref<16x16xi32, #tpu.memory_space<vmem>>)
      tpu.yield
    }) : () -> ()
    %gather3A = tpu.vector_load_idx %arg10[%iota3A, %iota3A] : memref<16x16xi32, #tpu.memory_space<vmem>>[vector<16xi32>, vector<16xi32>], vector<16xi32>,
    %ge3A = arith.constant 256 : i32
    %ge3A_18 = vector.broadcast %ge3A : i32 to vector<16xi32>
    %ge3A_19 = arith.cmpi sge, %gather3A, %ge3A_18 : vector<16xi32>
    %jit3A = arith.constant 0 : i32
    %broadcast_in_dim3A_20 = vector.broadcast %jit3A : i32 to vector<16xi32>
    %select_n3A = arith.select %ge3A_19, %iota3A, %broadcast_in_dim3A_20 : vector<16xi1>, vector<16xi32>
    %reduce_max3A = arith.constant true
    %reduce_max3A_21 = vector.broadcast %reduce_max3A : i1 to vector<16xi1>
    %reduce_max3A_22 = arith.constant -2147483648 : i32
    %reduce_max3A_23 = vector.broadcast %reduce_max3A_22 : i32 to vector<16xi32>
    %reduce_max3A_24 = arith.xori %select_n3A, %reduce_max3A_23 : vector<16xi32>
    %reduce_max3A_25 = tpu.scan <max>, %reduce_max3A_24 masked %reduce_max3A_21 : vector<16xi32>, vector<16xi1> -> vector<16xi32>
    %reduce_max3A_26 = arith.xori %reduce_max3A_25, %reduce_max3A_23 : vector<16xi32>
    %reduce_max3A_27 = vector.extract %reduce_max3A_26[15] : i32 from vector<16xi32>
    %shift_left3A_28 = arith.constant 28 : i32
    %shift_left3A_29 = arith.shli %reduce_max3A_27, %shift_left3A_28 : i32
    %broadcast_in_dim3A_30 = vector.broadcast %shift_left3A_29 : i32 to vector<16xi32>
    %add3A_31 = arith.addi %broadcast_in_dim3A_5, %broadcast_in_dim3A_30 : vector<16xi32>
    %shift_left3A_32 = arith.constant 24 : i32
    %shift_left3A_33 = arith.shli %arg1, %shift_left3A_32 : i32
    %broadcast_in_dim3A_34 = vector.broadcast %shift_left3A_33 : i32 to vector<16xi32>
    %add3A_35 = arith.addi %add3A_31, %broadcast_in_dim3A_34 : vector<16xi32>
    %broadcast_in_dim3A_36 = arith.constant 0 : i32
    %broadcast_in_dim3A_37 = vector.broadcast %broadcast_in_dim3A_36 : i32 to vector<16xi32>
    %scan3A_38 = arith.constant 0 : i32
    %scan3A_39 = arith.constant 128 : i32
    %scan3A_40 = arith.addi %scan3A_38, %scan3A_39 : i32
    %scan3A_41 = arith.constant 1 : i32
    %scan3A_42 = scf.for %scan3A_317 = %scan3A_38 to %scan3A_40 step %scan3A_41 iter_args(%scan3A_318 = %broadcast_in_dim3A_37) -> (vector<16xi32>)  : i32 {
      %mul3A_319 = arith.constant 16 : i32
      %mul3A_320 = arith.muli %scan3A_317, %mul3A_319 : i32
      %get3A = arith.index_cast %mul3A_320 : i32 to index
      %get3A_321 = tpu.vector_load %arg6[%get3A] {strides = array<i32>} : memref<2048xi32, #tpu.memory_space<vmem>>, vector<16xi32>,
      %ge3A_322 = arith.cmpi uge, %get3A_321, %add3A_35 : vector<16xi32>
      %all_reduce_population_count3A = tpu.all_reduce %ge3A_322 {dim = 0 : i64, kind = #tpu.reduction_kind<sum>} : vector<16xi1> -> vector<16xi32>
      %add3A_323 = arith.addi %scan3A_318, %all_reduce_population_count3A : vector<16xi32>
      scf.yield %add3A_323 : vector<16xi32>
    }
    %scan3A_43 = arith.constant 128 : i32
    %swap3A_44 = arith.constant 0 : index
    %swap3A_45 = tpu.vector_load %arg9[%swap3A_44] {strides = array<i32>} : memref<16xi32, #tpu.memory_space<vmem>>, vector<16xi32>,
    tpu.vector_store %arg9[%swap3A_44], %scan3A_42 {strides = array<i32>} : memref<16xi32, #tpu.memory_space<vmem>>, vector<16xi32>,
    %run_scoped3A_46 = arith.constant 1 : i32
    "tpu.region"() ({
      %run_scoped3A_317 = tpu.sem_alloc : memref<!tpu.dma_semaphore, #tpu.memory_space<semaphore_mem>>
      %dma_start3A_318 = arith.constant 0 : i32
      %dma_start3A_319 = tpu.memref_slice %arg11[%run_scoped3A_46, %arg1, %dma_start3A_318] : memref<8x16x16xi32, #tpu.memory_space<vmem_shared>> -> memref<1x1x16xi32, #tpu.memory_space<vmem_shared>>
      %dma_start3A_320 = tpu.memref_squeeze %dma_start3A_319 : memref<1x1x16xi32, #tpu.memory_space<vmem_shared>> -> memref<16xi32, #tpu.memory_space<vmem_shared>>
      %dma_start3A_321 = arith.constant 0 : i32
      %dma_start3A_322 = tpu.memref_slice %arg11[%run_scoped3A_46, %arg1, %dma_start3A_321] : memref<8x16x16xi32, #tpu.memory_space<vmem_shared>> -> memref<1x1x16xi32, #tpu.memory_space<vmem_shared>>
      %dma_start3A_323 = tpu.memref_squeeze %dma_start3A_322 : memref<1x1x16xi32, #tpu.memory_space<vmem_shared>> -> memref<16xi32, #tpu.memory_space<vmem_shared>>
      tpu.enqueue_dma source(%arg9 : memref<16xi32, #tpu.memory_space<vmem>>) target(%dma_start3A_323 : memref<16xi32, #tpu.memory_space<vmem_shared>>) target_semaphore(%run_scoped3A_317 : memref<!tpu.dma_semaphore, #tpu.memory_space<semaphore_mem>>)
      %dma_wait3A_324 = arith.constant 0 : i32
      %dma_wait3A_325 = tpu.memref_slice %arg11[%run_scoped3A_46, %arg1, %dma_wait3A_324] : memref<8x16x16xi32, #tpu.memory_space<vmem_shared>> -> memref<1x1x16xi32, #tpu.memory_space<vmem_shared>>
      %dma_wait3A_326 = tpu.memref_squeeze %dma_wait3A_325 : memref<1x1x16xi32, #tpu.memory_space<vmem_shared>> -> memref<16xi32, #tpu.memory_space<vmem_shared>>
      %dma_wait3A_327 = arith.constant 0 : i32
      %dma_wait3A_328 = tpu.memref_slice %arg11[%run_scoped3A_46, %arg1, %dma_wait3A_327] : memref<8x16x16xi32, #tpu.memory_space<vmem_shared>> -> memref<1x1x16xi32, #tpu.memory_space<vmem_shared>>
      %dma_wait3A_329 = tpu.memref_squeeze %dma_wait3A_328 : memref<1x1x16xi32, #tpu.memory_space<vmem_shared>> -> memref<16xi32, #tpu.memory_space<vmem_shared>>
      tpu.wait_dma2 semaphore(%run_scoped3A_317 : memref<!tpu.dma_semaphore, #tpu.memory_space<semaphore_mem>>) src(%arg9 : memref<16xi32, #tpu.memory_space<vmem>>) dst(%dma_wait3A_329 : memref<16xi32, #tpu.memory_space<vmem_shared>>)
      tpu.yield
    }) : () -> ()
    %barrier3A_47 = arith.constant 0 : index
    tpu.barrier barrier_id(%barrier3A_47)
    %run_scoped3A_48 = arith.constant 1 : i32
    "tpu.region"() ({
      %run_scoped3A_317 = tpu.sem_alloc : memref<!tpu.dma_semaphore, #tpu.memory_space<semaphore_mem>>
      %dma_start3A_318 = arith.constant 0 : i32
      %dma_start3A_319 = arith.constant 0 : i32
      %dma_start3A_320 = tpu.memref_slice %arg11[%run_scoped3A_48, %dma_start3A_318, %dma_start3A_319] : memref<8x16x16xi32, #tpu.memory_space<vmem_shared>> -> memref<1x16x16xi32, #tpu.memory_space<vmem_shared>>
      %dma_start3A_321 = tpu.memref_squeeze %dma_start3A_320 : memref<1x16x16xi32, #tpu.memory_space<vmem_shared>> -> memref<16x16xi32, #tpu.memory_space<vmem_shared>>
      %dma_start3A_322 = arith.constant 0 : i32
      %dma_start3A_323 = arith.constant 0 : i32
      %dma_start3A_324 = tpu.memref_slice %arg11[%run_scoped3A_48, %dma_start3A_322, %dma_start3A_323] : memref<8x16x16xi32, #tpu.memory_space<vmem_shared>> -> memref<1x16x16xi32, #tpu.memory_space<vmem_shared>>
      %dma_start3A_325 = tpu.memref_squeeze %dma_start3A_324 : memref<1x16x16xi32, #tpu.memory_space<vmem_shared>> -> memref<16x16xi32, #tpu.memory_space<vmem_shared>>
      tpu.enqueue_dma source(%dma_start3A_325 : memref<16x16xi32, #tpu.memory_space<vmem_shared>>) target(%arg10 : memref<16x16xi32, #tpu.memory_space<vmem>>) target_semaphore(%run_scoped3A_317 : memref<!tpu.dma_semaphore, #tpu.memory_space<semaphore_mem>>)
      %dma_wait3A_326 = arith.constant 0 : i32
      %dma_wait3A_327 = arith.constant 0 : i32
      %dma_wait3A_328 = tpu.memref_slice %arg11[%run_scoped3A_48, %dma_wait3A_326, %dma_wait3A_327] : memref<8x16x16xi32, #tpu.memory_space<vmem_shared>> -> memref<1x16x16xi32, #tpu.memory_space<vmem_shared>>
      %dma_wait3A_329 = tpu.memref_squeeze %dma_wait3A_328 : memref<1x16x16xi32, #tpu.memory_space<vmem_shared>> -> memref<16x16xi32, #tpu.memory_space<vmem_shared>>
      %dma_wait3A_330 = arith.constant 0 : i32
      %dma_wait3A_331 = arith.constant 0 : i32
      %dma_wait3A_332 = tpu.memref_slice %arg11[%run_scoped3A_48, %dma_wait3A_330, %dma_wait3A_331] : memref<8x16x16xi32, #tpu.memory_space<vmem_shared>> -> memref<1x16x16xi32, #tpu.memory_space<vmem_shared>>
      %dma_wait3A_333 = tpu.memref_squeeze %dma_wait3A_332 : memref<1x16x16xi32, #tpu.memory_space<vmem_shared>> -> memref<16x16xi32, #tpu.memory_space<vmem_shared>>
      tpu.wait_dma2 semaphore(%run_scoped3A_317 : memref<!tpu.dma_semaphore, #tpu.memory_space<semaphore_mem>>) src(%dma_wait3A_333 : memref<16x16xi32, #tpu.memory_space<vmem_shared>>) dst(%arg10 : memref<16x16xi32, #tpu.memory_space<vmem>>)
      tpu.yield
    }) : () -> ()
    %gather3A_49 = tpu.vector_load_idx %arg10[%iota3A, %iota3A] : memref<16x16xi32, #tpu.memory_space<vmem>>[vector<16xi32>, vector<16xi32>], vector<16xi32>,
    %ge3A_50 = arith.constant 256 : i32
    %ge3A_51 = vector.broadcast %ge3A_50 : i32 to vector<16xi32>
    %ge3A_52 = arith.cmpi sge, %gather3A_49, %ge3A_51 : vector<16xi32>
    %jit3A_53 = arith.constant 0 : i32
    %broadcast_in_dim3A_54 = vector.broadcast %jit3A_53 : i32 to vector<16xi32>
    %select_n3A_55 = arith.select %ge3A_52, %iota3A, %broadcast_in_dim3A_54 : vector<16xi1>, vector<16xi32>
    %reduce_max3A_56 = arith.constant true
    %reduce_max3A_57 = vector.broadcast %reduce_max3A_56 : i1 to vector<16xi1>
    %reduce_max3A_58 = arith.constant -2147483648 : i32
    %reduce_max3A_59 = vector.broadcast %reduce_max3A_58 : i32 to vector<16xi32>
    %reduce_max3A_60 = arith.xori %select_n3A_55, %reduce_max3A_59 : vector<16xi32>
    %reduce_max3A_61 = tpu.scan <max>, %reduce_max3A_60 masked %reduce_max3A_57 : vector<16xi32>, vector<16xi1> -> vector<16xi32>
    %reduce_max3A_62 = arith.xori %reduce_max3A_61, %reduce_max3A_59 : vector<16xi32>
    %reduce_max3A_63 = vector.extract %reduce_max3A_62[15] : i32 from vector<16xi32>
    %shift_left3A_64 = arith.constant 24 : i32
    %shift_left3A_65 = arith.shli %reduce_max3A_63, %shift_left3A_64 : i32
    %broadcast_in_dim3A_66 = vector.broadcast %shift_left3A_65 : i32 to vector<16xi32>
    %add3A_67 = arith.addi %add3A_31, %broadcast_in_dim3A_66 : vector<16xi32>
    %shift_left3A_68 = arith.constant 20 : i32
    %shift_left3A_69 = arith.shli %arg1, %shift_left3A_68 : i32
    %broadcast_in_dim3A_70 = vector.broadcast %shift_left3A_69 : i32 to vector<16xi32>
    %add3A_71 = arith.addi %add3A_67, %broadcast_in_dim3A_70 : vector<16xi32>
    %broadcast_in_dim3A_72 = arith.constant 0 : i32
    %broadcast_in_dim3A_73 = vector.broadcast %broadcast_in_dim3A_72 : i32 to vector<16xi32>
    %scan3A_74 = arith.constant 0 : i32
    %scan3A_75 = arith.constant 128 : i32
    %scan3A_76 = arith.addi %scan3A_74, %scan3A_75 : i32
    %scan3A_77 = arith.constant 1 : i32
    %scan3A_78 = scf.for %scan3A_317 = %scan3A_74 to %scan3A_76 step %scan3A_77 iter_args(%scan3A_318 = %broadcast_in_dim3A_73) -> (vector<16xi32>)  : i32 {
      %mul3A_319 = arith.constant 16 : i32
      %mul3A_320 = arith.muli %scan3A_317, %mul3A_319 : i32
      %get3A = arith.index_cast %mul3A_320 : i32 to index
      %get3A_321 = tpu.vector_load %arg6[%get3A] {strides = array<i32>} : memref<2048xi32, #tpu.memory_space<vmem>>, vector<16xi32>,
      %ge3A_322 = arith.cmpi uge, %get3A_321, %add3A_71 : vector<16xi32>
      %all_reduce_population_count3A = tpu.all_reduce %ge3A_322 {dim = 0 : i64, kind = #tpu.reduction_kind<sum>} : vector<16xi1> -> vector<16xi32>
      %add3A_323 = arith.addi %scan3A_318, %all_reduce_population_count3A : vector<16xi32>
      scf.yield %add3A_323 : vector<16xi32>
    }
    %scan3A_79 = arith.constant 128 : i32
    %swap3A_80 = arith.constant 0 : index
    %swap3A_81 = tpu.vector_load %arg9[%swap3A_80] {strides = array<i32>} : memref<16xi32, #tpu.memory_space<vmem>>, vector<16xi32>,
    tpu.vector_store %arg9[%swap3A_80], %scan3A_78 {strides = array<i32>} : memref<16xi32, #tpu.memory_space<vmem>>, vector<16xi32>,
    %run_scoped3A_82 = arith.constant 2 : i32
    "tpu.region"() ({
      %run_scoped3A_317 = tpu.sem_alloc : memref<!tpu.dma_semaphore, #tpu.memory_space<semaphore_mem>>
      %dma_start3A_318 = arith.constant 0 : i32
      %dma_start3A_319 = tpu.memref_slice %arg11[%run_scoped3A_82, %arg1, %dma_start3A_318] : memref<8x16x16xi32, #tpu.memory_space<vmem_shared>> -> memref<1x1x16xi32, #tpu.memory_space<vmem_shared>>
      %dma_start3A_320 = tpu.memref_squeeze %dma_start3A_319 : memref<1x1x16xi32, #tpu.memory_space<vmem_shared>> -> memref<16xi32, #tpu.memory_space<vmem_shared>>
      %dma_start3A_321 = arith.constant 0 : i32
      %dma_start3A_322 = tpu.memref_slice %arg11[%run_scoped3A_82, %arg1, %dma_start3A_321] : memref<8x16x16xi32, #tpu.memory_space<vmem_shared>> -> memref<1x1x16xi32, #tpu.memory_space<vmem_shared>>
      %dma_start3A_323 = tpu.memref_squeeze %dma_start3A_322 : memref<1x1x16xi32, #tpu.memory_space<vmem_shared>> -> memref<16xi32, #tpu.memory_space<vmem_shared>>
      tpu.enqueue_dma source(%arg9 : memref<16xi32, #tpu.memory_space<vmem>>) target(%dma_start3A_323 : memref<16xi32, #tpu.memory_space<vmem_shared>>) target_semaphore(%run_scoped3A_317 : memref<!tpu.dma_semaphore, #tpu.memory_space<semaphore_mem>>)
      %dma_wait3A_324 = arith.constant 0 : i32
      %dma_wait3A_325 = tpu.memref_slice %arg11[%run_scoped3A_82, %arg1, %dma_wait3A_324] : memref<8x16x16xi32, #tpu.memory_space<vmem_shared>> -> memref<1x1x16xi32, #tpu.memory_space<vmem_shared>>
      %dma_wait3A_326 = tpu.memref_squeeze %dma_wait3A_325 : memref<1x1x16xi32, #tpu.memory_space<vmem_shared>> -> memref<16xi32, #tpu.memory_space<vmem_shared>>
      %dma_wait3A_327 = arith.constant 0 : i32
      %dma_wait3A_328 = tpu.memref_slice %arg11[%run_scoped3A_82, %arg1, %dma_wait3A_327] : memref<8x16x16xi32, #tpu.memory_space<vmem_shared>> -> memref<1x1x16xi32, #tpu.memory_space<vmem_shared>>
      %dma_wait3A_329 = tpu.memref_squeeze %dma_wait3A_328 : memref<1x1x16xi32, #tpu.memory_space<vmem_shared>> -> memref<16xi32, #tpu.memory_space<vmem_shared>>
      tpu.wait_dma2 semaphore(%run_scoped3A_317 : memref<!tpu.dma_semaphore, #tpu.memory_space<semaphore_mem>>) src(%arg9 : memref<16xi32, #tpu.memory_space<vmem>>) dst(%dma_wait3A_329 : memref<16xi32, #tpu.memory_space<vmem_shared>>)
      tpu.yield
    }) : () -> ()
    %barrier3A_83 = arith.constant 0 : index
    tpu.barrier barrier_id(%barrier3A_83)
    %run_scoped3A_84 = arith.constant 2 : i32
    "tpu.region"() ({
      %run_scoped3A_317 = tpu.sem_alloc : memref<!tpu.dma_semaphore, #tpu.memory_space<semaphore_mem>>
      %dma_start3A_318 = arith.constant 0 : i32
      %dma_start3A_319 = arith.constant 0 : i32
      %dma_start3A_320 = tpu.memref_slice %arg11[%run_scoped3A_84, %dma_start3A_318, %dma_start3A_319] : memref<8x16x16xi32, #tpu.memory_space<vmem_shared>> -> memref<1x16x16xi32, #tpu.memory_space<vmem_shared>>
      %dma_start3A_321 = tpu.memref_squeeze %dma_start3A_320 : memref<1x16x16xi32, #tpu.memory_space<vmem_shared>> -> memref<16x16xi32, #tpu.memory_space<vmem_shared>>
      %dma_start3A_322 = arith.constant 0 : i32
      %dma_start3A_323 = arith.constant 0 : i32
      %dma_start3A_324 = tpu.memref_slice %arg11[%run_scoped3A_84, %dma_start3A_322, %dma_start3A_323] : memref<8x16x16xi32, #tpu.memory_space<vmem_shared>> -> memref<1x16x16xi32, #tpu.memory_space<vmem_shared>>
      %dma_start3A_325 = tpu.memref_squeeze %dma_start3A_324 : memref<1x16x16xi32, #tpu.memory_space<vmem_shared>> -> memref<16x16xi32, #tpu.memory_space<vmem_shared>>
      tpu.enqueue_dma source(%dma_start3A_325 : memref<16x16xi32, #tpu.memory_space<vmem_shared>>) target(%arg10 : memref<16x16xi32, #tpu.memory_space<vmem>>) target_semaphore(%run_scoped3A_317 : memref<!tpu.dma_semaphore, #tpu.memory_space<semaphore_mem>>)
      %dma_wait3A_326 = arith.constant 0 : i32
      %dma_wait3A_327 = arith.constant 0 : i32
      %dma_wait3A_328 = tpu.memref_slice %arg11[%run_scoped3A_84, %dma_wait3A_326, %dma_wait3A_327] : memref<8x16x16xi32, #tpu.memory_space<vmem_shared>> -> memref<1x16x16xi32, #tpu.memory_space<vmem_shared>>
      %dma_wait3A_329 = tpu.memref_squeeze %dma_wait3A_328 : memref<1x16x16xi32, #tpu.memory_space<vmem_shared>> -> memref<16x16xi32, #tpu.memory_space<vmem_shared>>
      %dma_wait3A_330 = arith.constant 0 : i32
      %dma_wait3A_331 = arith.constant 0 : i32
      %dma_wait3A_332 = tpu.memref_slice %arg11[%run_scoped3A_84, %dma_wait3A_330, %dma_wait3A_331] : memref<8x16x16xi32, #tpu.memory_space<vmem_shared>> -> memref<1x16x16xi32, #tpu.memory_space<vmem_shared>>
      %dma_wait3A_333 = tpu.memref_squeeze %dma_wait3A_332 : memref<1x16x16xi32, #tpu.memory_space<vmem_shared>> -> memref<16x16xi32, #tpu.memory_space<vmem_shared>>
      tpu.wait_dma2 semaphore(%run_scoped3A_317 : memref<!tpu.dma_semaphore, #tpu.memory_space<semaphore_mem>>) src(%dma_wait3A_333 : memref<16x16xi32, #tpu.memory_space<vmem_shared>>) dst(%arg10 : memref<16x16xi32, #tpu.memory_space<vmem>>)
      tpu.yield
    }) : () -> ()
    %gather3A_85 = tpu.vector_load_idx %arg10[%iota3A, %iota3A] : memref<16x16xi32, #tpu.memory_space<vmem>>[vector<16xi32>, vector<16xi32>], vector<16xi32>,
    %ge3A_86 = arith.constant 256 : i32
    %ge3A_87 = vector.broadcast %ge3A_86 : i32 to vector<16xi32>
    %ge3A_88 = arith.cmpi sge, %gather3A_85, %ge3A_87 : vector<16xi32>
    %jit3A_89 = arith.constant 0 : i32
    %broadcast_in_dim3A_90 = vector.broadcast %jit3A_89 : i32 to vector<16xi32>
    %select_n3A_91 = arith.select %ge3A_88, %iota3A, %broadcast_in_dim3A_90 : vector<16xi1>, vector<16xi32>
    %reduce_max3A_92 = arith.constant true
    %reduce_max3A_93 = vector.broadcast %reduce_max3A_92 : i1 to vector<16xi1>
    %reduce_max3A_94 = arith.constant -2147483648 : i32
    %reduce_max3A_95 = vector.broadcast %reduce_max3A_94 : i32 to vector<16xi32>
    %reduce_max3A_96 = arith.xori %select_n3A_91, %reduce_max3A_95 : vector<16xi32>
    %reduce_max3A_97 = tpu.scan <max>, %reduce_max3A_96 masked %reduce_max3A_93 : vector<16xi32>, vector<16xi1> -> vector<16xi32>
    %reduce_max3A_98 = arith.xori %reduce_max3A_97, %reduce_max3A_95 : vector<16xi32>
    %reduce_max3A_99 = vector.extract %reduce_max3A_98[15] : i32 from vector<16xi32>
    %shift_left3A_100 = arith.constant 20 : i32
    %shift_left3A_101 = arith.shli %reduce_max3A_99, %shift_left3A_100 : i32
    %broadcast_in_dim3A_102 = vector.broadcast %shift_left3A_101 : i32 to vector<16xi32>
    %add3A_103 = arith.addi %add3A_67, %broadcast_in_dim3A_102 : vector<16xi32>
    %shift_left3A_104 = arith.constant 16 : i32
    %shift_left3A_105 = arith.shli %arg1, %shift_left3A_104 : i32
    %broadcast_in_dim3A_106 = vector.broadcast %shift_left3A_105 : i32 to vector<16xi32>
    %add3A_107 = arith.addi %add3A_103, %broadcast_in_dim3A_106 : vector<16xi32>
    %broadcast_in_dim3A_108 = arith.constant 0 : i32
    %broadcast_in_dim3A_109 = vector.broadcast %broadcast_in_dim3A_108 : i32 to vector<16xi32>
    %scan3A_110 = arith.constant 0 : i32
    %scan3A_111 = arith.constant 128 : i32
    %scan3A_112 = arith.addi %scan3A_110, %scan3A_111 : i32
    %scan3A_113 = arith.constant 1 : i32
    %scan3A_114 = scf.for %scan3A_317 = %scan3A_110 to %scan3A_112 step %scan3A_113 iter_args(%scan3A_318 = %broadcast_in_dim3A_109) -> (vector<16xi32>)  : i32 {
      %mul3A_319 = arith.constant 16 : i32
      %mul3A_320 = arith.muli %scan3A_317, %mul3A_319 : i32
      %get3A = arith.index_cast %mul3A_320 : i32 to index
      %get3A_321 = tpu.vector_load %arg6[%get3A] {strides = array<i32>} : memref<2048xi32, #tpu.memory_space<vmem>>, vector<16xi32>,
      %ge3A_322 = arith.cmpi uge, %get3A_321, %add3A_107 : vector<16xi32>
      %all_reduce_population_count3A = tpu.all_reduce %ge3A_322 {dim = 0 : i64, kind = #tpu.reduction_kind<sum>} : vector<16xi1> -> vector<16xi32>
      %add3A_323 = arith.addi %scan3A_318, %all_reduce_population_count3A : vector<16xi32>
      scf.yield %add3A_323 : vector<16xi32>
    }
    %scan3A_115 = arith.constant 128 : i32
    %swap3A_116 = arith.constant 0 : index
    %swap3A_117 = tpu.vector_load %arg9[%swap3A_116] {strides = array<i32>} : memref<16xi32, #tpu.memory_space<vmem>>, vector<16xi32>,
    tpu.vector_store %arg9[%swap3A_116], %scan3A_114 {strides = array<i32>} : memref<16xi32, #tpu.memory_space<vmem>>, vector<16xi32>,
    %run_scoped3A_118 = arith.constant 3 : i32
    "tpu.region"() ({
      %run_scoped3A_317 = tpu.sem_alloc : memref<!tpu.dma_semaphore, #tpu.memory_space<semaphore_mem>>
      %dma_start3A_318 = arith.constant 0 : i32
      %dma_start3A_319 = tpu.memref_slice %arg11[%run_scoped3A_118, %arg1, %dma_start3A_318] : memref<8x16x16xi32, #tpu.memory_space<vmem_shared>> -> memref<1x1x16xi32, #tpu.memory_space<vmem_shared>>
      %dma_start3A_320 = tpu.memref_squeeze %dma_start3A_319 : memref<1x1x16xi32, #tpu.memory_space<vmem_shared>> -> memref<16xi32, #tpu.memory_space<vmem_shared>>
      %dma_start3A_321 = arith.constant 0 : i32
      %dma_start3A_322 = tpu.memref_slice %arg11[%run_scoped3A_118, %arg1, %dma_start3A_321] : memref<8x16x16xi32, #tpu.memory_space<vmem_shared>> -> memref<1x1x16xi32, #tpu.memory_space<vmem_shared>>
      %dma_start3A_323 = tpu.memref_squeeze %dma_start3A_322 : memref<1x1x16xi32, #tpu.memory_space<vmem_shared>> -> memref<16xi32, #tpu.memory_space<vmem_shared>>
      tpu.enqueue_dma source(%arg9 : memref<16xi32, #tpu.memory_space<vmem>>) target(%dma_start3A_323 : memref<16xi32, #tpu.memory_space<vmem_shared>>) target_semaphore(%run_scoped3A_317 : memref<!tpu.dma_semaphore, #tpu.memory_space<semaphore_mem>>)
      %dma_wait3A_324 = arith.constant 0 : i32
      %dma_wait3A_325 = tpu.memref_slice %arg11[%run_scoped3A_118, %arg1, %dma_wait3A_324] : memref<8x16x16xi32, #tpu.memory_space<vmem_shared>> -> memref<1x1x16xi32, #tpu.memory_space<vmem_shared>>
      %dma_wait3A_326 = tpu.memref_squeeze %dma_wait3A_325 : memref<1x1x16xi32, #tpu.memory_space<vmem_shared>> -> memref<16xi32, #tpu.memory_space<vmem_shared>>
      %dma_wait3A_327 = arith.constant 0 : i32
      %dma_wait3A_328 = tpu.memref_slice %arg11[%run_scoped3A_118, %arg1, %dma_wait3A_327] : memref<8x16x16xi32, #tpu.memory_space<vmem_shared>> -> memref<1x1x16xi32, #tpu.memory_space<vmem_shared>>
      %dma_wait3A_329 = tpu.memref_squeeze %dma_wait3A_328 : memref<1x1x16xi32, #tpu.memory_space<vmem_shared>> -> memref<16xi32, #tpu.memory_space<vmem_shared>>
      tpu.wait_dma2 semaphore(%run_scoped3A_317 : memref<!tpu.dma_semaphore, #tpu.memory_space<semaphore_mem>>) src(%arg9 : memref<16xi32, #tpu.memory_space<vmem>>) dst(%dma_wait3A_329 : memref<16xi32, #tpu.memory_space<vmem_shared>>)
      tpu.yield
    }) : () -> ()
    %barrier3A_119 = arith.constant 0 : index
    tpu.barrier barrier_id(%barrier3A_119)
    %run_scoped3A_120 = arith.constant 3 : i32
    "tpu.region"() ({
      %run_scoped3A_317 = tpu.sem_alloc : memref<!tpu.dma_semaphore, #tpu.memory_space<semaphore_mem>>
      %dma_start3A_318 = arith.constant 0 : i32
      %dma_start3A_319 = arith.constant 0 : i32
      %dma_start3A_320 = tpu.memref_slice %arg11[%run_scoped3A_120, %dma_start3A_318, %dma_start3A_319] : memref<8x16x16xi32, #tpu.memory_space<vmem_shared>> -> memref<1x16x16xi32, #tpu.memory_space<vmem_shared>>
      %dma_start3A_321 = tpu.memref_squeeze %dma_start3A_320 : memref<1x16x16xi32, #tpu.memory_space<vmem_shared>> -> memref<16x16xi32, #tpu.memory_space<vmem_shared>>
      %dma_start3A_322 = arith.constant 0 : i32
      %dma_start3A_323 = arith.constant 0 : i32
      %dma_start3A_324 = tpu.memref_slice %arg11[%run_scoped3A_120, %dma_start3A_322, %dma_start3A_323] : memref<8x16x16xi32, #tpu.memory_space<vmem_shared>> -> memref<1x16x16xi32, #tpu.memory_space<vmem_shared>>
      %dma_start3A_325 = tpu.memref_squeeze %dma_start3A_324 : memref<1x16x16xi32, #tpu.memory_space<vmem_shared>> -> memref<16x16xi32, #tpu.memory_space<vmem_shared>>
      tpu.enqueue_dma source(%dma_start3A_325 : memref<16x16xi32, #tpu.memory_space<vmem_shared>>) target(%arg10 : memref<16x16xi32, #tpu.memory_space<vmem>>) target_semaphore(%run_scoped3A_317 : memref<!tpu.dma_semaphore, #tpu.memory_space<semaphore_mem>>)
      %dma_wait3A_326 = arith.constant 0 : i32
      %dma_wait3A_327 = arith.constant 0 : i32
      %dma_wait3A_328 = tpu.memref_slice %arg11[%run_scoped3A_120, %dma_wait3A_326, %dma_wait3A_327] : memref<8x16x16xi32, #tpu.memory_space<vmem_shared>> -> memref<1x16x16xi32, #tpu.memory_space<vmem_shared>>
      %dma_wait3A_329 = tpu.memref_squeeze %dma_wait3A_328 : memref<1x16x16xi32, #tpu.memory_space<vmem_shared>> -> memref<16x16xi32, #tpu.memory_space<vmem_shared>>
      %dma_wait3A_330 = arith.constant 0 : i32
      %dma_wait3A_331 = arith.constant 0 : i32
      %dma_wait3A_332 = tpu.memref_slice %arg11[%run_scoped3A_120, %dma_wait3A_330, %dma_wait3A_331] : memref<8x16x16xi32, #tpu.memory_space<vmem_shared>> -> memref<1x16x16xi32, #tpu.memory_space<vmem_shared>>
      %dma_wait3A_333 = tpu.memref_squeeze %dma_wait3A_332 : memref<1x16x16xi32, #tpu.memory_space<vmem_shared>> -> memref<16x16xi32, #tpu.memory_space<vmem_shared>>
      tpu.wait_dma2 semaphore(%run_scoped3A_317 : memref<!tpu.dma_semaphore, #tpu.memory_space<semaphore_mem>>) src(%dma_wait3A_333 : memref<16x16xi32, #tpu.memory_space<vmem_shared>>) dst(%arg10 : memref<16x16xi32, #tpu.memory_space<vmem>>)
      tpu.yield
    }) : () -> ()
    %gather3A_121 = tpu.vector_load_idx %arg10[%iota3A, %iota3A] : memref<16x16xi32, #tpu.memory_space<vmem>>[vector<16xi32>, vector<16xi32>], vector<16xi32>,
    %ge3A_122 = arith.constant 256 : i32
    %ge3A_123 = vector.broadcast %ge3A_122 : i32 to vector<16xi32>
    %ge3A_124 = arith.cmpi sge, %gather3A_121, %ge3A_123 : vector<16xi32>
    %jit3A_125 = arith.constant 0 : i32
    %broadcast_in_dim3A_126 = vector.broadcast %jit3A_125 : i32 to vector<16xi32>
    %select_n3A_127 = arith.select %ge3A_124, %iota3A, %broadcast_in_dim3A_126 : vector<16xi1>, vector<16xi32>
    %reduce_max3A_128 = arith.constant true
    %reduce_max3A_129 = vector.broadcast %reduce_max3A_128 : i1 to vector<16xi1>
    %reduce_max3A_130 = arith.constant -2147483648 : i32
    %reduce_max3A_131 = vector.broadcast %reduce_max3A_130 : i32 to vector<16xi32>
    %reduce_max3A_132 = arith.xori %select_n3A_127, %reduce_max3A_131 : vector<16xi32>
    %reduce_max3A_133 = tpu.scan <max>, %reduce_max3A_132 masked %reduce_max3A_129 : vector<16xi32>, vector<16xi1> -> vector<16xi32>
    %reduce_max3A_134 = arith.xori %reduce_max3A_133, %reduce_max3A_131 : vector<16xi32>
    %reduce_max3A_135 = vector.extract %reduce_max3A_134[15] : i32 from vector<16xi32>
    %shift_left3A_136 = arith.constant 16 : i32
    %shift_left3A_137 = arith.shli %reduce_max3A_135, %shift_left3A_136 : i32
    %broadcast_in_dim3A_138 = vector.broadcast %shift_left3A_137 : i32 to vector<16xi32>
    %add3A_139 = arith.addi %add3A_103, %broadcast_in_dim3A_138 : vector<16xi32>
    %shift_left3A_140 = arith.constant 12 : i32
    %shift_left3A_141 = arith.shli %arg1, %shift_left3A_140 : i32
    %broadcast_in_dim3A_142 = vector.broadcast %shift_left3A_141 : i32 to vector<16xi32>
    %add3A_143 = arith.addi %add3A_139, %broadcast_in_dim3A_142 : vector<16xi32>
    %broadcast_in_dim3A_144 = arith.constant 0 : i32
    %broadcast_in_dim3A_145 = vector.broadcast %broadcast_in_dim3A_144 : i32 to vector<16xi32>
    %scan3A_146 = arith.constant 0 : i32
    %scan3A_147 = arith.constant 128 : i32
    %scan3A_148 = arith.addi %scan3A_146, %scan3A_147 : i32
    %scan3A_149 = arith.constant 1 : i32
    %scan3A_150 = scf.for %scan3A_317 = %scan3A_146 to %scan3A_148 step %scan3A_149 iter_args(%scan3A_318 = %broadcast_in_dim3A_145) -> (vector<16xi32>)  : i32 {
      %mul3A_319 = arith.constant 16 : i32
      %mul3A_320 = arith.muli %scan3A_317, %mul3A_319 : i32
      %get3A = arith.index_cast %mul3A_320 : i32 to index
      %get3A_321 = tpu.vector_load %arg6[%get3A] {strides = array<i32>} : memref<2048xi32, #tpu.memory_space<vmem>>, vector<16xi32>,
      %ge3A_322 = arith.cmpi uge, %get3A_321, %add3A_143 : vector<16xi32>
      %all_reduce_population_count3A = tpu.all_reduce %ge3A_322 {dim = 0 : i64, kind = #tpu.reduction_kind<sum>} : vector<16xi1> -> vector<16xi32>
      %add3A_323 = arith.addi %scan3A_318, %all_reduce_population_count3A : vector<16xi32>
      scf.yield %add3A_323 : vector<16xi32>
    }
    %scan3A_151 = arith.constant 128 : i32
    %swap3A_152 = arith.constant 0 : index
    %swap3A_153 = tpu.vector_load %arg9[%swap3A_152] {strides = array<i32>} : memref<16xi32, #tpu.memory_space<vmem>>, vector<16xi32>,
    tpu.vector_store %arg9[%swap3A_152], %scan3A_150 {strides = array<i32>} : memref<16xi32, #tpu.memory_space<vmem>>, vector<16xi32>,
    %run_scoped3A_154 = arith.constant 4 : i32
    "tpu.region"() ({
      %run_scoped3A_317 = tpu.sem_alloc : memref<!tpu.dma_semaphore, #tpu.memory_space<semaphore_mem>>
      %dma_start3A_318 = arith.constant 0 : i32
      %dma_start3A_319 = tpu.memref_slice %arg11[%run_scoped3A_154, %arg1, %dma_start3A_318] : memref<8x16x16xi32, #tpu.memory_space<vmem_shared>> -> memref<1x1x16xi32, #tpu.memory_space<vmem_shared>>
      %dma_start3A_320 = tpu.memref_squeeze %dma_start3A_319 : memref<1x1x16xi32, #tpu.memory_space<vmem_shared>> -> memref<16xi32, #tpu.memory_space<vmem_shared>>
      %dma_start3A_321 = arith.constant 0 : i32
      %dma_start3A_322 = tpu.memref_slice %arg11[%run_scoped3A_154, %arg1, %dma_start3A_321] : memref<8x16x16xi32, #tpu.memory_space<vmem_shared>> -> memref<1x1x16xi32, #tpu.memory_space<vmem_shared>>
      %dma_start3A_323 = tpu.memref_squeeze %dma_start3A_322 : memref<1x1x16xi32, #tpu.memory_space<vmem_shared>> -> memref<16xi32, #tpu.memory_space<vmem_shared>>
      tpu.enqueue_dma source(%arg9 : memref<16xi32, #tpu.memory_space<vmem>>) target(%dma_start3A_323 : memref<16xi32, #tpu.memory_space<vmem_shared>>) target_semaphore(%run_scoped3A_317 : memref<!tpu.dma_semaphore, #tpu.memory_space<semaphore_mem>>)
      %dma_wait3A_324 = arith.constant 0 : i32
      %dma_wait3A_325 = tpu.memref_slice %arg11[%run_scoped3A_154, %arg1, %dma_wait3A_324] : memref<8x16x16xi32, #tpu.memory_space<vmem_shared>> -> memref<1x1x16xi32, #tpu.memory_space<vmem_shared>>
      %dma_wait3A_326 = tpu.memref_squeeze %dma_wait3A_325 : memref<1x1x16xi32, #tpu.memory_space<vmem_shared>> -> memref<16xi32, #tpu.memory_space<vmem_shared>>
      %dma_wait3A_327 = arith.constant 0 : i32
      %dma_wait3A_328 = tpu.memref_slice %arg11[%run_scoped3A_154, %arg1, %dma_wait3A_327] : memref<8x16x16xi32, #tpu.memory_space<vmem_shared>> -> memref<1x1x16xi32, #tpu.memory_space<vmem_shared>>
      %dma_wait3A_329 = tpu.memref_squeeze %dma_wait3A_328 : memref<1x1x16xi32, #tpu.memory_space<vmem_shared>> -> memref<16xi32, #tpu.memory_space<vmem_shared>>
      tpu.wait_dma2 semaphore(%run_scoped3A_317 : memref<!tpu.dma_semaphore, #tpu.memory_space<semaphore_mem>>) src(%arg9 : memref<16xi32, #tpu.memory_space<vmem>>) dst(%dma_wait3A_329 : memref<16xi32, #tpu.memory_space<vmem_shared>>)
      tpu.yield
    }) : () -> ()
    %barrier3A_155 = arith.constant 0 : index
    tpu.barrier barrier_id(%barrier3A_155)
    %run_scoped3A_156 = arith.constant 4 : i32
    "tpu.region"() ({
      %run_scoped3A_317 = tpu.sem_alloc : memref<!tpu.dma_semaphore, #tpu.memory_space<semaphore_mem>>
      %dma_start3A_318 = arith.constant 0 : i32
      %dma_start3A_319 = arith.constant 0 : i32
      %dma_start3A_320 = tpu.memref_slice %arg11[%run_scoped3A_156, %dma_start3A_318, %dma_start3A_319] : memref<8x16x16xi32, #tpu.memory_space<vmem_shared>> -> memref<1x16x16xi32, #tpu.memory_space<vmem_shared>>
      %dma_start3A_321 = tpu.memref_squeeze %dma_start3A_320 : memref<1x16x16xi32, #tpu.memory_space<vmem_shared>> -> memref<16x16xi32, #tpu.memory_space<vmem_shared>>
      %dma_start3A_322 = arith.constant 0 : i32
      %dma_start3A_323 = arith.constant 0 : i32
      %dma_start3A_324 = tpu.memref_slice %arg11[%run_scoped3A_156, %dma_start3A_322, %dma_start3A_323] : memref<8x16x16xi32, #tpu.memory_space<vmem_shared>> -> memref<1x16x16xi32, #tpu.memory_space<vmem_shared>>
      %dma_start3A_325 = tpu.memref_squeeze %dma_start3A_324 : memref<1x16x16xi32, #tpu.memory_space<vmem_shared>> -> memref<16x16xi32, #tpu.memory_space<vmem_shared>>
      tpu.enqueue_dma source(%dma_start3A_325 : memref<16x16xi32, #tpu.memory_space<vmem_shared>>) target(%arg10 : memref<16x16xi32, #tpu.memory_space<vmem>>) target_semaphore(%run_scoped3A_317 : memref<!tpu.dma_semaphore, #tpu.memory_space<semaphore_mem>>)
      %dma_wait3A_326 = arith.constant 0 : i32
      %dma_wait3A_327 = arith.constant 0 : i32
      %dma_wait3A_328 = tpu.memref_slice %arg11[%run_scoped3A_156, %dma_wait3A_326, %dma_wait3A_327] : memref<8x16x16xi32, #tpu.memory_space<vmem_shared>> -> memref<1x16x16xi32, #tpu.memory_space<vmem_shared>>
      %dma_wait3A_329 = tpu.memref_squeeze %dma_wait3A_328 : memref<1x16x16xi32, #tpu.memory_space<vmem_shared>> -> memref<16x16xi32, #tpu.memory_space<vmem_shared>>
      %dma_wait3A_330 = arith.constant 0 : i32
      %dma_wait3A_331 = arith.constant 0 : i32
      %dma_wait3A_332 = tpu.memref_slice %arg11[%run_scoped3A_156, %dma_wait3A_330, %dma_wait3A_331] : memref<8x16x16xi32, #tpu.memory_space<vmem_shared>> -> memref<1x16x16xi32, #tpu.memory_space<vmem_shared>>
      %dma_wait3A_333 = tpu.memref_squeeze %dma_wait3A_332 : memref<1x16x16xi32, #tpu.memory_space<vmem_shared>> -> memref<16x16xi32, #tpu.memory_space<vmem_shared>>
      tpu.wait_dma2 semaphore(%run_scoped3A_317 : memref<!tpu.dma_semaphore, #tpu.memory_space<semaphore_mem>>) src(%dma_wait3A_333 : memref<16x16xi32, #tpu.memory_space<vmem_shared>>) dst(%arg10 : memref<16x16xi32, #tpu.memory_space<vmem>>)
      tpu.yield
    }) : () -> ()
    %gather3A_157 = tpu.vector_load_idx %arg10[%iota3A, %iota3A] : memref<16x16xi32, #tpu.memory_space<vmem>>[vector<16xi32>, vector<16xi32>], vector<16xi32>,
    %ge3A_158 = arith.constant 256 : i32
    %ge3A_159 = vector.broadcast %ge3A_158 : i32 to vector<16xi32>
    %ge3A_160 = arith.cmpi sge, %gather3A_157, %ge3A_159 : vector<16xi32>
    %jit3A_161 = arith.constant 0 : i32
    %broadcast_in_dim3A_162 = vector.broadcast %jit3A_161 : i32 to vector<16xi32>
    %select_n3A_163 = arith.select %ge3A_160, %iota3A, %broadcast_in_dim3A_162 : vector<16xi1>, vector<16xi32>
    %reduce_max3A_164 = arith.constant true
    %reduce_max3A_165 = vector.broadcast %reduce_max3A_164 : i1 to vector<16xi1>
    %reduce_max3A_166 = arith.constant -2147483648 : i32
    %reduce_max3A_167 = vector.broadcast %reduce_max3A_166 : i32 to vector<16xi32>
    %reduce_max3A_168 = arith.xori %select_n3A_163, %reduce_max3A_167 : vector<16xi32>
    %reduce_max3A_169 = tpu.scan <max>, %reduce_max3A_168 masked %reduce_max3A_165 : vector<16xi32>, vector<16xi1> -> vector<16xi32>
    %reduce_max3A_170 = arith.xori %reduce_max3A_169, %reduce_max3A_167 : vector<16xi32>
    %reduce_max3A_171 = vector.extract %reduce_max3A_170[15] : i32 from vector<16xi32>
    %shift_left3A_172 = arith.constant 12 : i32
    %shift_left3A_173 = arith.shli %reduce_max3A_171, %shift_left3A_172 : i32
    %broadcast_in_dim3A_174 = vector.broadcast %shift_left3A_173 : i32 to vector<16xi32>
    %add3A_175 = arith.addi %add3A_139, %broadcast_in_dim3A_174 : vector<16xi32>
    %shift_left3A_176 = arith.constant 8 : i32
    %shift_left3A_177 = arith.shli %arg1, %shift_left3A_176 : i32
    %broadcast_in_dim3A_178 = vector.broadcast %shift_left3A_177 : i32 to vector<16xi32>
    %add3A_179 = arith.addi %add3A_175, %broadcast_in_dim3A_178 : vector<16xi32>
    %broadcast_in_dim3A_180 = arith.constant 0 : i32
    %broadcast_in_dim3A_181 = vector.broadcast %broadcast_in_dim3A_180 : i32 to vector<16xi32>
    %scan3A_182 = arith.constant 0 : i32
    %scan3A_183 = arith.constant 128 : i32
    %scan3A_184 = arith.addi %scan3A_182, %scan3A_183 : i32
    %scan3A_185 = arith.constant 1 : i32
    %scan3A_186 = scf.for %scan3A_317 = %scan3A_182 to %scan3A_184 step %scan3A_185 iter_args(%scan3A_318 = %broadcast_in_dim3A_181) -> (vector<16xi32>)  : i32 {
      %mul3A_319 = arith.constant 16 : i32
      %mul3A_320 = arith.muli %scan3A_317, %mul3A_319 : i32
      %get3A = arith.index_cast %mul3A_320 : i32 to index
      %get3A_321 = tpu.vector_load %arg6[%get3A] {strides = array<i32>} : memref<2048xi32, #tpu.memory_space<vmem>>, vector<16xi32>,
      %ge3A_322 = arith.cmpi uge, %get3A_321, %add3A_179 : vector<16xi32>
      %all_reduce_population_count3A = tpu.all_reduce %ge3A_322 {dim = 0 : i64, kind = #tpu.reduction_kind<sum>} : vector<16xi1> -> vector<16xi32>
      %add3A_323 = arith.addi %scan3A_318, %all_reduce_population_count3A : vector<16xi32>
      scf.yield %add3A_323 : vector<16xi32>
    }
    %scan3A_187 = arith.constant 128 : i32
    %swap3A_188 = arith.constant 0 : index
    %swap3A_189 = tpu.vector_load %arg9[%swap3A_188] {strides = array<i32>} : memref<16xi32, #tpu.memory_space<vmem>>, vector<16xi32>,
    tpu.vector_store %arg9[%swap3A_188], %scan3A_186 {strides = array<i32>} : memref<16xi32, #tpu.memory_space<vmem>>, vector<16xi32>,
    %run_scoped3A_190 = arith.constant 5 : i32
    "tpu.region"() ({
      %run_scoped3A_317 = tpu.sem_alloc : memref<!tpu.dma_semaphore, #tpu.memory_space<semaphore_mem>>
      %dma_start3A_318 = arith.constant 0 : i32
      %dma_start3A_319 = tpu.memref_slice %arg11[%run_scoped3A_190, %arg1, %dma_start3A_318] : memref<8x16x16xi32, #tpu.memory_space<vmem_shared>> -> memref<1x1x16xi32, #tpu.memory_space<vmem_shared>>
      %dma_start3A_320 = tpu.memref_squeeze %dma_start3A_319 : memref<1x1x16xi32, #tpu.memory_space<vmem_shared>> -> memref<16xi32, #tpu.memory_space<vmem_shared>>
      %dma_start3A_321 = arith.constant 0 : i32
      %dma_start3A_322 = tpu.memref_slice %arg11[%run_scoped3A_190, %arg1, %dma_start3A_321] : memref<8x16x16xi32, #tpu.memory_space<vmem_shared>> -> memref<1x1x16xi32, #tpu.memory_space<vmem_shared>>
      %dma_start3A_323 = tpu.memref_squeeze %dma_start3A_322 : memref<1x1x16xi32, #tpu.memory_space<vmem_shared>> -> memref<16xi32, #tpu.memory_space<vmem_shared>>
      tpu.enqueue_dma source(%arg9 : memref<16xi32, #tpu.memory_space<vmem>>) target(%dma_start3A_323 : memref<16xi32, #tpu.memory_space<vmem_shared>>) target_semaphore(%run_scoped3A_317 : memref<!tpu.dma_semaphore, #tpu.memory_space<semaphore_mem>>)
      %dma_wait3A_324 = arith.constant 0 : i32
      %dma_wait3A_325 = tpu.memref_slice %arg11[%run_scoped3A_190, %arg1, %dma_wait3A_324] : memref<8x16x16xi32, #tpu.memory_space<vmem_shared>> -> memref<1x1x16xi32, #tpu.memory_space<vmem_shared>>
      %dma_wait3A_326 = tpu.memref_squeeze %dma_wait3A_325 : memref<1x1x16xi32, #tpu.memory_space<vmem_shared>> -> memref<16xi32, #tpu.memory_space<vmem_shared>>
      %dma_wait3A_327 = arith.constant 0 : i32
      %dma_wait3A_328 = tpu.memref_slice %arg11[%run_scoped3A_190, %arg1, %dma_wait3A_327] : memref<8x16x16xi32, #tpu.memory_space<vmem_shared>> -> memref<1x1x16xi32, #tpu.memory_space<vmem_shared>>
      %dma_wait3A_329 = tpu.memref_squeeze %dma_wait3A_328 : memref<1x1x16xi32, #tpu.memory_space<vmem_shared>> -> memref<16xi32, #tpu.memory_space<vmem_shared>>
      tpu.wait_dma2 semaphore(%run_scoped3A_317 : memref<!tpu.dma_semaphore, #tpu.memory_space<semaphore_mem>>) src(%arg9 : memref<16xi32, #tpu.memory_space<vmem>>) dst(%dma_wait3A_329 : memref<16xi32, #tpu.memory_space<vmem_shared>>)
      tpu.yield
    }) : () -> ()
    %barrier3A_191 = arith.constant 0 : index
    tpu.barrier barrier_id(%barrier3A_191)
    %run_scoped3A_192 = arith.constant 5 : i32
    "tpu.region"() ({
      %run_scoped3A_317 = tpu.sem_alloc : memref<!tpu.dma_semaphore, #tpu.memory_space<semaphore_mem>>
      %dma_start3A_318 = arith.constant 0 : i32
      %dma_start3A_319 = arith.constant 0 : i32
      %dma_start3A_320 = tpu.memref_slice %arg11[%run_scoped3A_192, %dma_start3A_318, %dma_start3A_319] : memref<8x16x16xi32, #tpu.memory_space<vmem_shared>> -> memref<1x16x16xi32, #tpu.memory_space<vmem_shared>>
      %dma_start3A_321 = tpu.memref_squeeze %dma_start3A_320 : memref<1x16x16xi32, #tpu.memory_space<vmem_shared>> -> memref<16x16xi32, #tpu.memory_space<vmem_shared>>
      %dma_start3A_322 = arith.constant 0 : i32
      %dma_start3A_323 = arith.constant 0 : i32
      %dma_start3A_324 = tpu.memref_slice %arg11[%run_scoped3A_192, %dma_start3A_322, %dma_start3A_323] : memref<8x16x16xi32, #tpu.memory_space<vmem_shared>> -> memref<1x16x16xi32, #tpu.memory_space<vmem_shared>>
      %dma_start3A_325 = tpu.memref_squeeze %dma_start3A_324 : memref<1x16x16xi32, #tpu.memory_space<vmem_shared>> -> memref<16x16xi32, #tpu.memory_space<vmem_shared>>
      tpu.enqueue_dma source(%dma_start3A_325 : memref<16x16xi32, #tpu.memory_space<vmem_shared>>) target(%arg10 : memref<16x16xi32, #tpu.memory_space<vmem>>) target_semaphore(%run_scoped3A_317 : memref<!tpu.dma_semaphore, #tpu.memory_space<semaphore_mem>>)
      %dma_wait3A_326 = arith.constant 0 : i32
      %dma_wait3A_327 = arith.constant 0 : i32
      %dma_wait3A_328 = tpu.memref_slice %arg11[%run_scoped3A_192, %dma_wait3A_326, %dma_wait3A_327] : memref<8x16x16xi32, #tpu.memory_space<vmem_shared>> -> memref<1x16x16xi32, #tpu.memory_space<vmem_shared>>
      %dma_wait3A_329 = tpu.memref_squeeze %dma_wait3A_328 : memref<1x16x16xi32, #tpu.memory_space<vmem_shared>> -> memref<16x16xi32, #tpu.memory_space<vmem_shared>>
      %dma_wait3A_330 = arith.constant 0 : i32
      %dma_wait3A_331 = arith.constant 0 : i32
      %dma_wait3A_332 = tpu.memref_slice %arg11[%run_scoped3A_192, %dma_wait3A_330, %dma_wait3A_331] : memref<8x16x16xi32, #tpu.memory_space<vmem_shared>> -> memref<1x16x16xi32, #tpu.memory_space<vmem_shared>>
      %dma_wait3A_333 = tpu.memref_squeeze %dma_wait3A_332 : memref<1x16x16xi32, #tpu.memory_space<vmem_shared>> -> memref<16x16xi32, #tpu.memory_space<vmem_shared>>
      tpu.wait_dma2 semaphore(%run_scoped3A_317 : memref<!tpu.dma_semaphore, #tpu.memory_space<semaphore_mem>>) src(%dma_wait3A_333 : memref<16x16xi32, #tpu.memory_space<vmem_shared>>) dst(%arg10 : memref<16x16xi32, #tpu.memory_space<vmem>>)
      tpu.yield
    }) : () -> ()
    %gather3A_193 = tpu.vector_load_idx %arg10[%iota3A, %iota3A] : memref<16x16xi32, #tpu.memory_space<vmem>>[vector<16xi32>, vector<16xi32>], vector<16xi32>,
    %ge3A_194 = arith.constant 256 : i32
    %ge3A_195 = vector.broadcast %ge3A_194 : i32 to vector<16xi32>
    %ge3A_196 = arith.cmpi sge, %gather3A_193, %ge3A_195 : vector<16xi32>
    %jit3A_197 = arith.constant 0 : i32
    %broadcast_in_dim3A_198 = vector.broadcast %jit3A_197 : i32 to vector<16xi32>
    %select_n3A_199 = arith.select %ge3A_196, %iota3A, %broadcast_in_dim3A_198 : vector<16xi1>, vector<16xi32>
    %reduce_max3A_200 = arith.constant true
    %reduce_max3A_201 = vector.broadcast %reduce_max3A_200 : i1 to vector<16xi1>
    %reduce_max3A_202 = arith.constant -2147483648 : i32
    %reduce_max3A_203 = vector.broadcast %reduce_max3A_202 : i32 to vector<16xi32>
    %reduce_max3A_204 = arith.xori %select_n3A_199, %reduce_max3A_203 : vector<16xi32>
    %reduce_max3A_205 = tpu.scan <max>, %reduce_max3A_204 masked %reduce_max3A_201 : vector<16xi32>, vector<16xi1> -> vector<16xi32>
    %reduce_max3A_206 = arith.xori %reduce_max3A_205, %reduce_max3A_203 : vector<16xi32>
    %reduce_max3A_207 = vector.extract %reduce_max3A_206[15] : i32 from vector<16xi32>
    %shift_left3A_208 = arith.constant 8 : i32
    %shift_left3A_209 = arith.shli %reduce_max3A_207, %shift_left3A_208 : i32
    %broadcast_in_dim3A_210 = vector.broadcast %shift_left3A_209 : i32 to vector<16xi32>
    %add3A_211 = arith.addi %add3A_175, %broadcast_in_dim3A_210 : vector<16xi32>
    %shift_left3A_212 = arith.constant 4 : i32
    %shift_left3A_213 = arith.shli %arg1, %shift_left3A_212 : i32
    %broadcast_in_dim3A_214 = vector.broadcast %shift_left3A_213 : i32 to vector<16xi32>
    %add3A_215 = arith.addi %add3A_211, %broadcast_in_dim3A_214 : vector<16xi32>
    %broadcast_in_dim3A_216 = arith.constant 0 : i32
    %broadcast_in_dim3A_217 = vector.broadcast %broadcast_in_dim3A_216 : i32 to vector<16xi32>
    %scan3A_218 = arith.constant 0 : i32
    %scan3A_219 = arith.constant 128 : i32
    %scan3A_220 = arith.addi %scan3A_218, %scan3A_219 : i32
    %scan3A_221 = arith.constant 1 : i32
    %scan3A_222 = scf.for %scan3A_317 = %scan3A_218 to %scan3A_220 step %scan3A_221 iter_args(%scan3A_318 = %broadcast_in_dim3A_217) -> (vector<16xi32>)  : i32 {
      %mul3A_319 = arith.constant 16 : i32
      %mul3A_320 = arith.muli %scan3A_317, %mul3A_319 : i32
      %get3A = arith.index_cast %mul3A_320 : i32 to index
      %get3A_321 = tpu.vector_load %arg6[%get3A] {strides = array<i32>} : memref<2048xi32, #tpu.memory_space<vmem>>, vector<16xi32>,
      %ge3A_322 = arith.cmpi uge, %get3A_321, %add3A_215 : vector<16xi32>
      %all_reduce_population_count3A = tpu.all_reduce %ge3A_322 {dim = 0 : i64, kind = #tpu.reduction_kind<sum>} : vector<16xi1> -> vector<16xi32>
      %add3A_323 = arith.addi %scan3A_318, %all_reduce_population_count3A : vector<16xi32>
      scf.yield %add3A_323 : vector<16xi32>
    }
    %scan3A_223 = arith.constant 128 : i32
    %swap3A_224 = arith.constant 0 : index
    %swap3A_225 = tpu.vector_load %arg9[%swap3A_224] {strides = array<i32>} : memref<16xi32, #tpu.memory_space<vmem>>, vector<16xi32>,
    tpu.vector_store %arg9[%swap3A_224], %scan3A_222 {strides = array<i32>} : memref<16xi32, #tpu.memory_space<vmem>>, vector<16xi32>,
    %run_scoped3A_226 = arith.constant 6 : i32
    "tpu.region"() ({
      %run_scoped3A_317 = tpu.sem_alloc : memref<!tpu.dma_semaphore, #tpu.memory_space<semaphore_mem>>
      %dma_start3A_318 = arith.constant 0 : i32
      %dma_start3A_319 = tpu.memref_slice %arg11[%run_scoped3A_226, %arg1, %dma_start3A_318] : memref<8x16x16xi32, #tpu.memory_space<vmem_shared>> -> memref<1x1x16xi32, #tpu.memory_space<vmem_shared>>
      %dma_start3A_320 = tpu.memref_squeeze %dma_start3A_319 : memref<1x1x16xi32, #tpu.memory_space<vmem_shared>> -> memref<16xi32, #tpu.memory_space<vmem_shared>>
      %dma_start3A_321 = arith.constant 0 : i32
      %dma_start3A_322 = tpu.memref_slice %arg11[%run_scoped3A_226, %arg1, %dma_start3A_321] : memref<8x16x16xi32, #tpu.memory_space<vmem_shared>> -> memref<1x1x16xi32, #tpu.memory_space<vmem_shared>>
      %dma_start3A_323 = tpu.memref_squeeze %dma_start3A_322 : memref<1x1x16xi32, #tpu.memory_space<vmem_shared>> -> memref<16xi32, #tpu.memory_space<vmem_shared>>
      tpu.enqueue_dma source(%arg9 : memref<16xi32, #tpu.memory_space<vmem>>) target(%dma_start3A_323 : memref<16xi32, #tpu.memory_space<vmem_shared>>) target_semaphore(%run_scoped3A_317 : memref<!tpu.dma_semaphore, #tpu.memory_space<semaphore_mem>>)
      %dma_wait3A_324 = arith.constant 0 : i32
      %dma_wait3A_325 = tpu.memref_slice %arg11[%run_scoped3A_226, %arg1, %dma_wait3A_324] : memref<8x16x16xi32, #tpu.memory_space<vmem_shared>> -> memref<1x1x16xi32, #tpu.memory_space<vmem_shared>>
      %dma_wait3A_326 = tpu.memref_squeeze %dma_wait3A_325 : memref<1x1x16xi32, #tpu.memory_space<vmem_shared>> -> memref<16xi32, #tpu.memory_space<vmem_shared>>
      %dma_wait3A_327 = arith.constant 0 : i32
      %dma_wait3A_328 = tpu.memref_slice %arg11[%run_scoped3A_226, %arg1, %dma_wait3A_327] : memref<8x16x16xi32, #tpu.memory_space<vmem_shared>> -> memref<1x1x16xi32, #tpu.memory_space<vmem_shared>>
      %dma_wait3A_329 = tpu.memref_squeeze %dma_wait3A_328 : memref<1x1x16xi32, #tpu.memory_space<vmem_shared>> -> memref<16xi32, #tpu.memory_space<vmem_shared>>
      tpu.wait_dma2 semaphore(%run_scoped3A_317 : memref<!tpu.dma_semaphore, #tpu.memory_space<semaphore_mem>>) src(%arg9 : memref<16xi32, #tpu.memory_space<vmem>>) dst(%dma_wait3A_329 : memref<16xi32, #tpu.memory_space<vmem_shared>>)
      tpu.yield
    }) : () -> ()
    %barrier3A_227 = arith.constant 0 : index
    tpu.barrier barrier_id(%barrier3A_227)
    %run_scoped3A_228 = arith.constant 6 : i32
    "tpu.region"() ({
      %run_scoped3A_317 = tpu.sem_alloc : memref<!tpu.dma_semaphore, #tpu.memory_space<semaphore_mem>>
      %dma_start3A_318 = arith.constant 0 : i32
      %dma_start3A_319 = arith.constant 0 : i32
      %dma_start3A_320 = tpu.memref_slice %arg11[%run_scoped3A_228, %dma_start3A_318, %dma_start3A_319] : memref<8x16x16xi32, #tpu.memory_space<vmem_shared>> -> memref<1x16x16xi32, #tpu.memory_space<vmem_shared>>
      %dma_start3A_321 = tpu.memref_squeeze %dma_start3A_320 : memref<1x16x16xi32, #tpu.memory_space<vmem_shared>> -> memref<16x16xi32, #tpu.memory_space<vmem_shared>>
      %dma_start3A_322 = arith.constant 0 : i32
      %dma_start3A_323 = arith.constant 0 : i32
      %dma_start3A_324 = tpu.memref_slice %arg11[%run_scoped3A_228, %dma_start3A_322, %dma_start3A_323] : memref<8x16x16xi32, #tpu.memory_space<vmem_shared>> -> memref<1x16x16xi32, #tpu.memory_space<vmem_shared>>
      %dma_start3A_325 = tpu.memref_squeeze %dma_start3A_324 : memref<1x16x16xi32, #tpu.memory_space<vmem_shared>> -> memref<16x16xi32, #tpu.memory_space<vmem_shared>>
      tpu.enqueue_dma source(%dma_start3A_325 : memref<16x16xi32, #tpu.memory_space<vmem_shared>>) target(%arg10 : memref<16x16xi32, #tpu.memory_space<vmem>>) target_semaphore(%run_scoped3A_317 : memref<!tpu.dma_semaphore, #tpu.memory_space<semaphore_mem>>)
      %dma_wait3A_326 = arith.constant 0 : i32
      %dma_wait3A_327 = arith.constant 0 : i32
      %dma_wait3A_328 = tpu.memref_slice %arg11[%run_scoped3A_228, %dma_wait3A_326, %dma_wait3A_327] : memref<8x16x16xi32, #tpu.memory_space<vmem_shared>> -> memref<1x16x16xi32, #tpu.memory_space<vmem_shared>>
      %dma_wait3A_329 = tpu.memref_squeeze %dma_wait3A_328 : memref<1x16x16xi32, #tpu.memory_space<vmem_shared>> -> memref<16x16xi32, #tpu.memory_space<vmem_shared>>
      %dma_wait3A_330 = arith.constant 0 : i32
      %dma_wait3A_331 = arith.constant 0 : i32
      %dma_wait3A_332 = tpu.memref_slice %arg11[%run_scoped3A_228, %dma_wait3A_330, %dma_wait3A_331] : memref<8x16x16xi32, #tpu.memory_space<vmem_shared>> -> memref<1x16x16xi32, #tpu.memory_space<vmem_shared>>
      %dma_wait3A_333 = tpu.memref_squeeze %dma_wait3A_332 : memref<1x16x16xi32, #tpu.memory_space<vmem_shared>> -> memref<16x16xi32, #tpu.memory_space<vmem_shared>>
      tpu.wait_dma2 semaphore(%run_scoped3A_317 : memref<!tpu.dma_semaphore, #tpu.memory_space<semaphore_mem>>) src(%dma_wait3A_333 : memref<16x16xi32, #tpu.memory_space<vmem_shared>>) dst(%arg10 : memref<16x16xi32, #tpu.memory_space<vmem>>)
      tpu.yield
    }) : () -> ()
    %gather3A_229 = tpu.vector_load_idx %arg10[%iota3A, %iota3A] : memref<16x16xi32, #tpu.memory_space<vmem>>[vector<16xi32>, vector<16xi32>], vector<16xi32>,
    %ge3A_230 = arith.constant 256 : i32
    %ge3A_231 = vector.broadcast %ge3A_230 : i32 to vector<16xi32>
    %ge3A_232 = arith.cmpi sge, %gather3A_229, %ge3A_231 : vector<16xi32>
    %jit3A_233 = arith.constant 0 : i32
    %broadcast_in_dim3A_234 = vector.broadcast %jit3A_233 : i32 to vector<16xi32>
    %select_n3A_235 = arith.select %ge3A_232, %iota3A, %broadcast_in_dim3A_234 : vector<16xi1>, vector<16xi32>
    %reduce_max3A_236 = arith.constant true
    %reduce_max3A_237 = vector.broadcast %reduce_max3A_236 : i1 to vector<16xi1>
    %reduce_max3A_238 = arith.constant -2147483648 : i32
    %reduce_max3A_239 = vector.broadcast %reduce_max3A_238 : i32 to vector<16xi32>
    %reduce_max3A_240 = arith.xori %select_n3A_235, %reduce_max3A_239 : vector<16xi32>
    %reduce_max3A_241 = tpu.scan <max>, %reduce_max3A_240 masked %reduce_max3A_237 : vector<16xi32>, vector<16xi1> -> vector<16xi32>
    %reduce_max3A_242 = arith.xori %reduce_max3A_241, %reduce_max3A_239 : vector<16xi32>
    %reduce_max3A_243 = vector.extract %reduce_max3A_242[15] : i32 from vector<16xi32>
    %shift_left3A_244 = arith.constant 4 : i32
    %shift_left3A_245 = arith.shli %reduce_max3A_243, %shift_left3A_244 : i32
    %broadcast_in_dim3A_246 = vector.broadcast %shift_left3A_245 : i32 to vector<16xi32>
    %add3A_247 = arith.addi %add3A_211, %broadcast_in_dim3A_246 : vector<16xi32>
    %shift_left3A_248 = arith.constant 0 : i32
    %shift_left3A_249 = arith.shli %arg1, %shift_left3A_248 : i32
    %broadcast_in_dim3A_250 = vector.broadcast %shift_left3A_249 : i32 to vector<16xi32>
    %add3A_251 = arith.addi %add3A_247, %broadcast_in_dim3A_250 : vector<16xi32>
    %broadcast_in_dim3A_252 = arith.constant 0 : i32
    %broadcast_in_dim3A_253 = vector.broadcast %broadcast_in_dim3A_252 : i32 to vector<16xi32>
    %scan3A_254 = arith.constant 0 : i32
    %scan3A_255 = arith.constant 128 : i32
    %scan3A_256 = arith.addi %scan3A_254, %scan3A_255 : i32
    %scan3A_257 = arith.constant 1 : i32
    %scan3A_258 = scf.for %scan3A_317 = %scan3A_254 to %scan3A_256 step %scan3A_257 iter_args(%scan3A_318 = %broadcast_in_dim3A_253) -> (vector<16xi32>)  : i32 {
      %mul3A_319 = arith.constant 16 : i32
      %mul3A_320 = arith.muli %scan3A_317, %mul3A_319 : i32
      %get3A = arith.index_cast %mul3A_320 : i32 to index
      %get3A_321 = tpu.vector_load %arg6[%get3A] {strides = array<i32>} : memref<2048xi32, #tpu.memory_space<vmem>>, vector<16xi32>,
      %ge3A_322 = arith.cmpi uge, %get3A_321, %add3A_251 : vector<16xi32>
      %all_reduce_population_count3A = tpu.all_reduce %ge3A_322 {dim = 0 : i64, kind = #tpu.reduction_kind<sum>} : vector<16xi1> -> vector<16xi32>
      %add3A_323 = arith.addi %scan3A_318, %all_reduce_population_count3A : vector<16xi32>
      scf.yield %add3A_323 : vector<16xi32>
    }
    %scan3A_259 = arith.constant 128 : i32
    %swap3A_260 = arith.constant 0 : index
    %swap3A_261 = tpu.vector_load %arg9[%swap3A_260] {strides = array<i32>} : memref<16xi32, #tpu.memory_space<vmem>>, vector<16xi32>,
    tpu.vector_store %arg9[%swap3A_260], %scan3A_258 {strides = array<i32>} : memref<16xi32, #tpu.memory_space<vmem>>, vector<16xi32>,
    %run_scoped3A_262 = arith.constant 7 : i32
    "tpu.region"() ({
      %run_scoped3A_317 = tpu.sem_alloc : memref<!tpu.dma_semaphore, #tpu.memory_space<semaphore_mem>>
      %dma_start3A_318 = arith.constant 0 : i32
      %dma_start3A_319 = tpu.memref_slice %arg11[%run_scoped3A_262, %arg1, %dma_start3A_318] : memref<8x16x16xi32, #tpu.memory_space<vmem_shared>> -> memref<1x1x16xi32, #tpu.memory_space<vmem_shared>>
      %dma_start3A_320 = tpu.memref_squeeze %dma_start3A_319 : memref<1x1x16xi32, #tpu.memory_space<vmem_shared>> -> memref<16xi32, #tpu.memory_space<vmem_shared>>
      %dma_start3A_321 = arith.constant 0 : i32
      %dma_start3A_322 = tpu.memref_slice %arg11[%run_scoped3A_262, %arg1, %dma_start3A_321] : memref<8x16x16xi32, #tpu.memory_space<vmem_shared>> -> memref<1x1x16xi32, #tpu.memory_space<vmem_shared>>
      %dma_start3A_323 = tpu.memref_squeeze %dma_start3A_322 : memref<1x1x16xi32, #tpu.memory_space<vmem_shared>> -> memref<16xi32, #tpu.memory_space<vmem_shared>>
      tpu.enqueue_dma source(%arg9 : memref<16xi32, #tpu.memory_space<vmem>>) target(%dma_start3A_323 : memref<16xi32, #tpu.memory_space<vmem_shared>>) target_semaphore(%run_scoped3A_317 : memref<!tpu.dma_semaphore, #tpu.memory_space<semaphore_mem>>)
      %dma_wait3A_324 = arith.constant 0 : i32
      %dma_wait3A_325 = tpu.memref_slice %arg11[%run_scoped3A_262, %arg1, %dma_wait3A_324] : memref<8x16x16xi32, #tpu.memory_space<vmem_shared>> -> memref<1x1x16xi32, #tpu.memory_space<vmem_shared>>
      %dma_wait3A_326 = tpu.memref_squeeze %dma_wait3A_325 : memref<1x1x16xi32, #tpu.memory_space<vmem_shared>> -> memref<16xi32, #tpu.memory_space<vmem_shared>>
      %dma_wait3A_327 = arith.constant 0 : i32
      %dma_wait3A_328 = tpu.memref_slice %arg11[%run_scoped3A_262, %arg1, %dma_wait3A_327] : memref<8x16x16xi32, #tpu.memory_space<vmem_shared>> -> memref<1x1x16xi32, #tpu.memory_space<vmem_shared>>
      %dma_wait3A_329 = tpu.memref_squeeze %dma_wait3A_328 : memref<1x1x16xi32, #tpu.memory_space<vmem_shared>> -> memref<16xi32, #tpu.memory_space<vmem_shared>>
      tpu.wait_dma2 semaphore(%run_scoped3A_317 : memref<!tpu.dma_semaphore, #tpu.memory_space<semaphore_mem>>) src(%arg9 : memref<16xi32, #tpu.memory_space<vmem>>) dst(%dma_wait3A_329 : memref<16xi32, #tpu.memory_space<vmem_shared>>)
      tpu.yield
    }) : () -> ()
    %barrier3A_263 = arith.constant 0 : index
    tpu.barrier barrier_id(%barrier3A_263)
    %run_scoped3A_264 = arith.constant 7 : i32
    "tpu.region"() ({
      %run_scoped3A_317 = tpu.sem_alloc : memref<!tpu.dma_semaphore, #tpu.memory_space<semaphore_mem>>
      %dma_start3A_318 = arith.constant 0 : i32
      %dma_start3A_319 = arith.constant 0 : i32
      %dma_start3A_320 = tpu.memref_slice %arg11[%run_scoped3A_264, %dma_start3A_318, %dma_start3A_319] : memref<8x16x16xi32, #tpu.memory_space<vmem_shared>> -> memref<1x16x16xi32, #tpu.memory_space<vmem_shared>>
      %dma_start3A_321 = tpu.memref_squeeze %dma_start3A_320 : memref<1x16x16xi32, #tpu.memory_space<vmem_shared>> -> memref<16x16xi32, #tpu.memory_space<vmem_shared>>
      %dma_start3A_322 = arith.constant 0 : i32
      %dma_start3A_323 = arith.constant 0 : i32
      %dma_start3A_324 = tpu.memref_slice %arg11[%run_scoped3A_264, %dma_start3A_322, %dma_start3A_323] : memref<8x16x16xi32, #tpu.memory_space<vmem_shared>> -> memref<1x16x16xi32, #tpu.memory_space<vmem_shared>>
      %dma_start3A_325 = tpu.memref_squeeze %dma_start3A_324 : memref<1x16x16xi32, #tpu.memory_space<vmem_shared>> -> memref<16x16xi32, #tpu.memory_space<vmem_shared>>
      tpu.enqueue_dma source(%dma_start3A_325 : memref<16x16xi32, #tpu.memory_space<vmem_shared>>) target(%arg10 : memref<16x16xi32, #tpu.memory_space<vmem>>) target_semaphore(%run_scoped3A_317 : memref<!tpu.dma_semaphore, #tpu.memory_space<semaphore_mem>>)
      %dma_wait3A_326 = arith.constant 0 : i32
      %dma_wait3A_327 = arith.constant 0 : i32
      %dma_wait3A_328 = tpu.memref_slice %arg11[%run_scoped3A_264, %dma_wait3A_326, %dma_wait3A_327] : memref<8x16x16xi32, #tpu.memory_space<vmem_shared>> -> memref<1x16x16xi32, #tpu.memory_space<vmem_shared>>
      %dma_wait3A_329 = tpu.memref_squeeze %dma_wait3A_328 : memref<1x16x16xi32, #tpu.memory_space<vmem_shared>> -> memref<16x16xi32, #tpu.memory_space<vmem_shared>>
      %dma_wait3A_330 = arith.constant 0 : i32
      %dma_wait3A_331 = arith.constant 0 : i32
      %dma_wait3A_332 = tpu.memref_slice %arg11[%run_scoped3A_264, %dma_wait3A_330, %dma_wait3A_331] : memref<8x16x16xi32, #tpu.memory_space<vmem_shared>> -> memref<1x16x16xi32, #tpu.memory_space<vmem_shared>>
      %dma_wait3A_333 = tpu.memref_squeeze %dma_wait3A_332 : memref<1x16x16xi32, #tpu.memory_space<vmem_shared>> -> memref<16x16xi32, #tpu.memory_space<vmem_shared>>
      tpu.wait_dma2 semaphore(%run_scoped3A_317 : memref<!tpu.dma_semaphore, #tpu.memory_space<semaphore_mem>>) src(%dma_wait3A_333 : memref<16x16xi32, #tpu.memory_space<vmem_shared>>) dst(%arg10 : memref<16x16xi32, #tpu.memory_space<vmem>>)
      tpu.yield
    }) : () -> ()
    %gather3A_265 = tpu.vector_load_idx %arg10[%iota3A, %iota3A] : memref<16x16xi32, #tpu.memory_space<vmem>>[vector<16xi32>, vector<16xi32>], vector<16xi32>,
    %ge3A_266 = arith.constant 256 : i32
    %ge3A_267 = vector.broadcast %ge3A_266 : i32 to vector<16xi32>
    %ge3A_268 = arith.cmpi sge, %gather3A_265, %ge3A_267 : vector<16xi32>
    %jit3A_269 = arith.constant 0 : i32
    %broadcast_in_dim3A_270 = vector.broadcast %jit3A_269 : i32 to vector<16xi32>
    %select_n3A_271 = arith.select %ge3A_268, %iota3A, %broadcast_in_dim3A_270 : vector<16xi1>, vector<16xi32>
    %reduce_max3A_272 = arith.constant true
    %reduce_max3A_273 = vector.broadcast %reduce_max3A_272 : i1 to vector<16xi1>
    %reduce_max3A_274 = arith.constant -2147483648 : i32
    %reduce_max3A_275 = vector.broadcast %reduce_max3A_274 : i32 to vector<16xi32>
    %reduce_max3A_276 = arith.xori %select_n3A_271, %reduce_max3A_275 : vector<16xi32>
    %reduce_max3A_277 = tpu.scan <max>, %reduce_max3A_276 masked %reduce_max3A_273 : vector<16xi32>, vector<16xi1> -> vector<16xi32>
    %reduce_max3A_278 = arith.xori %reduce_max3A_277, %reduce_max3A_275 : vector<16xi32>
    %reduce_max3A_279 = vector.extract %reduce_max3A_278[15] : i32 from vector<16xi32>
    %shift_left3A_280 = arith.constant 0 : i32
    %shift_left3A_281 = arith.shli %reduce_max3A_279, %shift_left3A_280 : i32
    %broadcast_in_dim3A_282 = vector.broadcast %shift_left3A_281 : i32 to vector<16xi32>
    %add3A_283 = arith.addi %add3A_247, %broadcast_in_dim3A_282 : vector<16xi32>
    %broadcast_in_dim3A_284 = arith.constant 0 : i32
    %broadcast_in_dim3A_285 = vector.broadcast %broadcast_in_dim3A_284 : i32 to vector<16xi32>
    %scan3A_286 = arith.constant 0 : i32
    %scan3A_287 = arith.constant 128 : i32
    %scan3A_288 = arith.addi %scan3A_286, %scan3A_287 : i32
    %scan3A_289 = arith.constant 1 : i32
    %scan3A_290 = scf.for %scan3A_317 = %scan3A_286 to %scan3A_288 step %scan3A_289 iter_args(%scan3A_318 = %broadcast_in_dim3A_285) -> (vector<16xi32>)  : i32 {
      %mul3A_319 = arith.constant 16 : i32
      %mul3A_320 = arith.muli %scan3A_317, %mul3A_319 : i32
      %get3A = arith.index_cast %mul3A_320 : i32 to index
      %get3A_321 = tpu.vector_load %arg6[%get3A] {strides = array<i32>} : memref<2048xi32, #tpu.memory_space<vmem>>, vector<16xi32>,
      %gt3A = arith.cmpi ugt, %get3A_321, %add3A_283 : vector<16xi32>
      %all_reduce_population_count3A = tpu.all_reduce %gt3A {dim = 0 : i64, kind = #tpu.reduction_kind<sum>} : vector<16xi1> -> vector<16xi32>
      %add3A_322 = arith.addi %scan3A_318, %all_reduce_population_count3A : vector<16xi32>
      scf.yield %add3A_322 : vector<16xi32>
    }
    %scan3A_291 = arith.constant 128 : i32
    %sub3A = arith.constant 256 : i32
    %sub3A_292 = vector.broadcast %sub3A : i32 to vector<16xi32>
    %sub3A_293 = arith.subi %sub3A_292, %scan3A_290 : vector<16xi32>
    %iota3A_294 = tpu.iota {dimensions = array<i32: 0>} : vector<16xi32>
    %broadcast_in_dim3A_295 = arith.constant 0 : i32
    %broadcast_in_dim3A_296 = vector.broadcast %broadcast_in_dim3A_295 : i32 to vector<16xi32>
    %broadcast_in_dim3A_297 = arith.constant 0 : i32
    %broadcast_in_dim3A_298 = vector.broadcast %broadcast_in_dim3A_297 : i32 to vector<16xi32>
    %scan3A_299 = arith.constant 0 : i32
    %scan3A_300 = arith.constant 128 : i32
    %scan3A_301 = arith.addi %scan3A_299, %scan3A_300 : i32
    %scan3A_302 = arith.constant 1 : i32
    %scan3A_303:2 = scf.for %scan3A_317 = %scan3A_299 to %scan3A_301 step %scan3A_302 iter_args(%scan3A_318 = %broadcast_in_dim3A_296, %scan3A_319 = %broadcast_in_dim3A_298) -> (vector<16xi32>, vector<16xi32>)  : i32 {
      %mul3A_320 = arith.constant 16 : i32
      %mul3A_321 = arith.muli %scan3A_317, %mul3A_320 : i32
      %get3A = arith.index_cast %mul3A_321 : i32 to index
      %get3A_322 = tpu.vector_load %arg6[%get3A] {strides = array<i32>} : memref<2048xi32, #tpu.memory_space<vmem>>, vector<16xi32>,
      %gt3A = arith.cmpi ugt, %get3A_322, %add3A_283 : vector<16xi32>
      %eq3A = arith.cmpi eq, %get3A_322, %add3A_283 : vector<16xi32>
      %convert_element_type3A = arith.extui %eq3A : vector<16xi1> to vector<16xi32>
      %broadcast_in_dim3A_323 = arith.constant true
      %broadcast_in_dim3A_324 = vector.broadcast %broadcast_in_dim3A_323 : i1 to vector<16xi1>
      %masked_cumsum3A = tpu.scan <sum>, %convert_element_type3A masked %broadcast_in_dim3A_324 : vector<16xi32>, vector<16xi1> -> vector<16xi32>
      %add3A_325 = arith.addi %scan3A_319, %masked_cumsum3A : vector<16xi32>
      %le3A = arith.cmpi sle, %add3A_325, %sub3A_293 : vector<16xi32>
      %and3A = arith.andi %eq3A, %le3A : vector<16xi1>
      %or3A = arith.ori %gt3A, %and3A : vector<16xi1>
      %convert_element_type3A_326 = arith.extui %or3A : vector<16xi1> to vector<16xi32>
      %broadcast_in_dim3A_327 = arith.constant true
      %broadcast_in_dim3A_328 = vector.broadcast %broadcast_in_dim3A_327 : i1 to vector<16xi1>
      %masked_cumsum3A_329 = tpu.scan <sum>, %convert_element_type3A_326 masked %broadcast_in_dim3A_328 : vector<16xi32>, vector<16xi1> -> vector<16xi32>
      %add3A_330 = arith.addi %scan3A_318, %masked_cumsum3A_329 : vector<16xi32>
      %sub3A_331 = arith.constant 1 : i32
      %sub3A_332 = vector.broadcast %sub3A_331 : i32 to vector<16xi32>
      %sub3A_333 = arith.subi %add3A_330, %sub3A_332 : vector<16xi32>
      %mul3A_334 = arith.constant 16 : i32
      %mul3A_335 = arith.muli %scan3A_317, %mul3A_334 : i32
      %add3A_336 = vector.broadcast %mul3A_335 : i32 to vector<16xi32>
      %add3A_337 = arith.addi %iota3A_294, %add3A_336 : vector<16xi32>
      tpu.vector_store_idx %arg7[%sub3A_333], %add3A_337 masked %or3A : memref<256xi32, #tpu.memory_space<vmem>>[vector<16xi32>], vector<16xi32>, vector<16xi1>
      %all_reduce_population_count3A = tpu.all_reduce %or3A {dim = 0 : i64, kind = #tpu.reduction_kind<sum>} : vector<16xi1> -> vector<16xi32>
      %add3A_338 = arith.addi %scan3A_318, %all_reduce_population_count3A : vector<16xi32>
      %all_reduce_population_count3A_339 = tpu.all_reduce %eq3A {dim = 0 : i64, kind = #tpu.reduction_kind<sum>} : vector<16xi1> -> vector<16xi32>
      %add3A_340 = arith.addi %scan3A_319, %all_reduce_population_count3A_339 : vector<16xi32>
      scf.yield %add3A_338, %add3A_340 : vector<16xi32>, vector<16xi32>
    }
    %scan3A_304 = arith.constant 128 : i32
    %mul3A = arith.constant 16 : i32
    %mul3A_305 = arith.muli %arg0, %mul3A : i32
    %add3A_306 = arith.addi %mul3A_305, %arg1 : i32
    %mul3A_307 = arith.constant 8 : i32
    %mul3A_308 = arith.muli %add3A_306, %mul3A_307 : i32
    %dma_start3A = tpu.memref_slice %arg7[%mul3A_308] : memref<256xi32, #tpu.memory_space<vmem>> -> memref<8xi32, #tpu.memory_space<vmem>>
    %dma_start3A_309 = arith.constant 0 : i32
    %dma_start3A_310 = arith.constant 0 : i32
    %dma_start3A_311 = tpu.memref_slice %arg3[%dma_start3A_309, %dma_start3A_310] : memref<2048x768xf32, #tpu.memory_space<hbm>> -> memref<2048x768xf32, #tpu.memory_space<hbm>>
    tpu.enqueue_indirect_dma source(%dma_start3A_311 : memref<2048x768xf32, #tpu.memory_space<hbm>>) target(%arg8 : memref<8x768xf32, #tpu.memory_space<vmem>>) offsets(%dma_start3A : memref<8xi32, #tpu.memory_space<vmem>>) semaphore(%arg12 : memref<!tpu.dma_semaphore, #tpu.memory_space<semaphore_mem>>)
    %dma_wait3A = tpu.memref_slice %arg7[%mul3A_308] : memref<256xi32, #tpu.memory_space<vmem>> -> memref<8xi32, #tpu.memory_space<vmem>>
    %dma_wait3A_312 = arith.constant 0 : i32
    %dma_wait3A_313 = arith.constant 0 : i32
    %dma_wait3A_314 = tpu.memref_slice %arg3[%dma_wait3A_312, %dma_wait3A_313] : memref<2048x768xf32, #tpu.memory_space<hbm>> -> memref<2048x768xf32, #tpu.memory_space<hbm>>
    tpu.wait_indirect_dma semaphore(%arg12 : memref<!tpu.dma_semaphore, #tpu.memory_space<semaphore_mem>>) src(%dma_wait3A_314 : memref<2048x768xf32, #tpu.memory_space<hbm>>) dst(%arg8 : memref<8x768xf32, #tpu.memory_space<vmem>>)
    %mul3A_315 = arith.constant 8 : i32
    %mul3A_316 = arith.muli %add3A_306, %mul3A_315 : i32
    "tpu.region"() ({
      %run_scoped3A_317 = tpu.sem_alloc : memref<!tpu.dma_semaphore, #tpu.memory_space<semaphore_mem>>
      %dma_start3A_318 = arith.constant 0 : i32
      %dma_start3A_319 = tpu.memref_slice %arg4[%mul3A_316, %dma_start3A_318] : memref<256x768xf32, #tpu.memory_space<hbm>> -> memref<8x768xf32, #tpu.memory_space<hbm>>
      %dma_start3A_320 = arith.constant 0 : i32
      %dma_start3A_321 = tpu.memref_slice %arg4[%mul3A_316, %dma_start3A_320] : memref<256x768xf32, #tpu.memory_space<hbm>> -> memref<8x768xf32, #tpu.memory_space<hbm>>
      tpu.enqueue_dma source(%arg8 : memref<8x768xf32, #tpu.memory_space<vmem>>) target(%dma_start3A_321 : memref<8x768xf32, #tpu.memory_space<hbm>>) target_semaphore(%run_scoped3A_317 : memref<!tpu.dma_semaphore, #tpu.memory_space<semaphore_mem>>)
      %dma_wait3A_322 = arith.constant 0 : i32
      %dma_wait3A_323 = tpu.memref_slice %arg4[%mul3A_316, %dma_wait3A_322] : memref<256x768xf32, #tpu.memory_space<hbm>> -> memref<8x768xf32, #tpu.memory_space<hbm>>
      %dma_wait3A_324 = arith.constant 0 : i32
      %dma_wait3A_325 = tpu.memref_slice %arg4[%mul3A_316, %dma_wait3A_324] : memref<256x768xf32, #tpu.memory_space<hbm>> -> memref<8x768xf32, #tpu.memory_space<hbm>>
      tpu.wait_dma2 semaphore(%run_scoped3A_317 : memref<!tpu.dma_semaphore, #tpu.memory_space<semaphore_mem>>) src(%arg8 : memref<8x768xf32, #tpu.memory_space<vmem>>) dst(%dma_wait3A_325 : memref<8x768xf32, #tpu.memory_space<hbm>>)
      tpu.yield
    }) : () -> ()
    return
  }
}

module attributes {stable_mosaic.version = 14 : i64} {
  func.func @_scores_body(%arg0: memref<2048x768xf32, #tpu.memory_space<vmem>>, %arg1: memref<768x1xf32, #tpu.memory_space<vmem>>, %arg2: memref<768x3xf32, #tpu.memory_space<vmem>>, %arg3: memref<2048x1xf32, #tpu.memory_space<vmem>>, %arg4: memref<1x3xf32, #tpu.memory_space<vmem>>) attributes {dimension_semantics = [], scalar_prefetch = 0 : i64, scratch_operands = 0 : i64, tpu.core_type = #tpu.core_type<tc>} {
    %get3A = arith.constant 0 : index
    %get3A_0 = arith.constant 0 : index
    %get3A_1 = vector.load %arg0[%get3A, %get3A_0] : memref<2048x768xf32, #tpu.memory_space<vmem>>, vector<2048x768xf32>
    %get3A_2 = arith.constant 0 : index
    %get3A_3 = arith.constant 0 : index
    %get3A_4 = vector.load %arg1[%get3A_2, %get3A_3] : memref<768x1xf32, #tpu.memory_space<vmem>>, vector<768x1xf32>
    %dot_general3A = arith.constant dense<0.000000e+00> : vector<2048x1xf32>
    %dot_general3A_5 = tpu.matmul %get3A_1, %get3A_4, %dot_general3A {dimension_numbers = #tpu.dot_dimension_numbers<[1], [0], [0], [1], [0, 0, 1, 1], [], []>, transpose_lhs_hint = false} : vector<2048x768xf32>, vector<768x1xf32>, vector<2048x1xf32> -> vector<2048x1xf32>
    %swap3A = arith.constant 0 : index
    %swap3A_6 = arith.constant 0 : index
    %swap3A_7 = vector.load %arg3[%swap3A, %swap3A_6] : memref<2048x1xf32, #tpu.memory_space<vmem>>, vector<2048x1xf32>
    tpu.vector_store %arg3[%swap3A, %swap3A_6], %dot_general3A_5 {strides = array<i32>} : memref<2048x1xf32, #tpu.memory_space<vmem>>, vector<2048x1xf32>,
    %get3A_8 = arith.constant 0 : index
    %get3A_9 = arith.constant 0 : index
    %get3A_10 = vector.load %arg2[%get3A_8, %get3A_9] : memref<768x3xf32, #tpu.memory_space<vmem>>, vector<768x3xf32>
    %dot_general3A_11 = arith.constant dense<0.000000e+00> : vector<2048x3xf32>
    %dot_general3A_12 = tpu.matmul %get3A_1, %get3A_10, %dot_general3A_11 {dimension_numbers = #tpu.dot_dimension_numbers<[1], [0], [0], [1], [0, 0, 1, 1], [], []>, transpose_lhs_hint = false} : vector<2048x768xf32>, vector<768x3xf32>, vector<2048x3xf32> -> vector<2048x3xf32>
    %reduce_sum3A = arith.constant dense<0.000000e+00> : vector<3xf32>
    %reduce_sum3A_13 = vector.multi_reduction <add>, %dot_general3A_12, %reduce_sum3A [0] : vector<2048x3xf32> to vector<3xf32>
    %broadcast_in_dim3A = vector.shape_cast %reduce_sum3A_13 : vector<3xf32> to vector<1x3xf32>
    %swap3A_14 = arith.constant 0 : index
    %swap3A_15 = arith.constant 0 : index
    %swap3A_16 = vector.load %arg4[%swap3A_14, %swap3A_15] : memref<1x3xf32, #tpu.memory_space<vmem>>, vector<1x3xf32>
    tpu.vector_store %arg4[%swap3A_14, %swap3A_15], %broadcast_in_dim3A {strides = array<i32>} : memref<1x3xf32, #tpu.memory_space<vmem>>, vector<1x3xf32>,
    return
  }
}

module attributes {stable_mosaic.version = 14 : i64} {
  func.func @_proj_body(%arg0: i32, %arg1: memref<1024x768xf32, #tpu.memory_space<vmem>>, %arg2: memref<768x96xf32, #tpu.memory_space<vmem>>, %arg3: memref<1x96xf32, #tpu.memory_space<vmem>>, %arg4: memref<12x96x32xf32, #tpu.memory_space<vmem>>, %arg5: memref<12x96x64xf32, #tpu.memory_space<vmem>>, %arg6: memref<768x1152xf32, #tpu.memory_space<vmem>>, %arg7: memref<768x384xf32, #tpu.memory_space<vmem>>, %arg8: memref<1024x32xf32, #tpu.memory_space<vmem>>, %arg9: memref<1024x32xf32, #tpu.memory_space<vmem>>, %arg10: memref<12x1024x96xbf16, #tpu.memory_space<vmem>>, %arg11: memref<1024x1152xbf16, #tpu.memory_space<vmem>>, %arg12: memref<1024x384xbf16, #tpu.memory_space<vmem>>) attributes {dimension_semantics = [#tpu.dimension_semantics<arbitrary>], iteration_bounds = array<i64: 2>, scalar_prefetch = 0 : i64, scratch_operands = 0 : i64, tpu.core_type = #tpu.core_type<tc>, window_params = [{transform_indices = @transform_0, window_bounds = array<i64: 1024, 768>}, {pipeline_mode = #tpu.pipeline_mode<synchronous>, transform_indices = @transform_1, window_bounds = array<i64: 768, 96>}, {pipeline_mode = #tpu.pipeline_mode<synchronous>, transform_indices = @transform_2, window_bounds = array<i64: 1, 96>}, {pipeline_mode = #tpu.pipeline_mode<synchronous>, transform_indices = @transform_3, window_bounds = array<i64: 12, 96, 32>}, {pipeline_mode = #tpu.pipeline_mode<synchronous>, transform_indices = @transform_4, window_bounds = array<i64: 12, 96, 64>}, {pipeline_mode = #tpu.pipeline_mode<synchronous>, transform_indices = @transform_5, window_bounds = array<i64: 768, 1152>}, {pipeline_mode = #tpu.pipeline_mode<synchronous>, transform_indices = @transform_6, window_bounds = array<i64: 768, 384>}, {transform_indices = @transform_7, window_bounds = array<i64: 1024, 32>}, {transform_indices = @transform_8, window_bounds = array<i64: 1024, 32>}, {transform_indices = @transform_9, window_bounds = array<i64: 12, 1024, 96>}, {transform_indices = @transform_10, window_bounds = array<i64: 1024, 1152>}, {transform_indices = @transform_11, window_bounds = array<i64: 1024, 384>}]} {
    %get3A = arith.constant 0 : index
    %get3A_0 = arith.constant 0 : index
    %get3A_1 = vector.load %arg1[%get3A, %get3A_0] : memref<1024x768xf32, #tpu.memory_space<vmem>>, vector<1024x768xf32>
    %convert_element_type3A = arith.truncf %get3A_1 : vector<1024x768xf32> to vector<1024x768xbf16>
    %get3A_2 = arith.constant 0 : index
    %get3A_3 = arith.constant 0 : index
    %get3A_4 = vector.load %arg2[%get3A_2, %get3A_3] : memref<768x96xf32, #tpu.memory_space<vmem>>, vector<768x96xf32>
    %convert_element_type3A_5 = arith.truncf %get3A_4 : vector<768x96xf32> to vector<768x96xbf16>
    %dot_general3A = arith.constant dense<0.000000e+00> : vector<1024x96xf32>
    %dot_general3A_6 = tpu.matmul %convert_element_type3A, %convert_element_type3A_5, %dot_general3A {dimension_numbers = #tpu.dot_dimension_numbers<[1], [0], [0], [1], [0, 0, 1, 1], [], []>, transpose_lhs_hint = false} : vector<1024x768xbf16>, vector<768x96xbf16>, vector<1024x96xf32> -> vector<1024x96xf32>
    %get3A_7 = arith.constant 0 : index
    %get3A_8 = arith.constant 0 : index
    %get3A_9 = vector.load %arg3[%get3A_7, %get3A_8] : memref<1x96xf32, #tpu.memory_space<vmem>>, vector<1x96xf32>
    %mul3A = arith.mulf %dot_general3A_6, %dot_general3A_6 : vector<1024x96xf32>
    %reduce_sum3A = arith.constant dense<0.000000e+00> : vector<1024xf32>
    %reduce_sum3A_10 = vector.multi_reduction <add>, %mul3A, %reduce_sum3A [1] : vector<1024x96xf32> to vector<1024xf32>
    %broadcast_in_dim3A = vector.shape_cast %reduce_sum3A_10 : vector<1024xf32> to vector<1024x1xf32>
    %div3A = arith.constant 9.600000e+01 : f32
    %div3A_11 = vector.broadcast %div3A : f32 to vector<1024x1xf32>
    %div3A_12 = arith.divf %broadcast_in_dim3A, %div3A_11 : vector<1024x1xf32>
    %add3A = arith.constant 9.99999997E-7 : f32
    %add3A_13 = vector.broadcast %add3A : f32 to vector<1024x1xf32>
    %add3A_14 = arith.addf %div3A_12, %add3A_13 : vector<1024x1xf32>
    %rsqrt3A = math.rsqrt %add3A_14 : vector<1024x1xf32>
    %mul3A_15 = vector.broadcast %rsqrt3A : vector<1024x1xf32> to vector<1024x96xf32>
    %mul3A_16 = arith.mulf %dot_general3A_6, %mul3A_15 : vector<1024x96xf32>
    %mul3A_17 = vector.broadcast %get3A_9 : vector<1x96xf32> to vector<1024x96xf32>
    %mul3A_18 = arith.mulf %mul3A_16, %mul3A_17 : vector<1024x96xf32>
    %convert_element_type3A_19 = arith.truncf %mul3A_18 : vector<1024x96xf32> to vector<1024x96xbf16>
    %get3A_20 = arith.constant 0 : index
    %get3A_21 = arith.constant 0 : index
    %get3A_22 = vector.load %arg8[%get3A_20, %get3A_21] : memref<1024x32xf32, #tpu.memory_space<vmem>>, vector<1024x32xf32>
    %get3A_23 = arith.constant 0 : index
    %get3A_24 = arith.constant 0 : index
    %get3A_25 = vector.load %arg9[%get3A_23, %get3A_24] : memref<1024x32xf32, #tpu.memory_space<vmem>>, vector<1024x32xf32>
    %get3A_26 = arith.constant 0 : index
    %get3A_27 = arith.constant 0 : index
    %get3A_28 = arith.constant 0 : index
    %get3A_29 = vector.load %arg4[%get3A_26, %get3A_27, %get3A_28] : memref<12x96x32xf32, #tpu.memory_space<vmem>>, vector<1x96x32xf32>
    %get3A_30 = vector.shape_cast %get3A_29 : vector<1x96x32xf32> to vector<96x32xf32>
    %convert_element_type3A_31 = arith.truncf %get3A_30 : vector<96x32xf32> to vector<96x32xbf16>
    %dot_general3A_32 = arith.constant dense<0.000000e+00> : vector<1024x32xf32>
    %dot_general3A_33 = tpu.matmul %convert_element_type3A_19, %convert_element_type3A_31, %dot_general3A_32 {dimension_numbers = #tpu.dot_dimension_numbers<[1], [0], [0], [1], [0, 0, 1, 1], [], []>, transpose_lhs_hint = false} : vector<1024x96xbf16>, vector<96x32xbf16>, vector<1024x32xf32> -> vector<1024x32xf32>
    %get3A_34 = arith.constant 0 : index
    %get3A_35 = arith.constant 0 : index
    %get3A_36 = arith.constant 0 : index
    %get3A_37 = vector.load %arg5[%get3A_34, %get3A_35, %get3A_36] : memref<12x96x64xf32, #tpu.memory_space<vmem>>, vector<1x96x64xf32>
    %get3A_38 = vector.shape_cast %get3A_37 : vector<1x96x64xf32> to vector<96x64xf32>
    %convert_element_type3A_39 = arith.truncf %get3A_38 : vector<96x64xf32> to vector<96x64xbf16>
    %dot_general3A_40 = arith.constant dense<0.000000e+00> : vector<1024x64xf32>
    %dot_general3A_41 = tpu.matmul %convert_element_type3A_19, %convert_element_type3A_39, %dot_general3A_40 {dimension_numbers = #tpu.dot_dimension_numbers<[1], [0], [0], [1], [0, 0, 1, 1], [], []>, transpose_lhs_hint = false} : vector<1024x96xbf16>, vector<96x64xbf16>, vector<1024x64xf32> -> vector<1024x64xf32>
    %slice3A = vector.extract_strided_slice %dot_general3A_41 {offsets = [0, 0], sizes = [1024, 32], strides = [1, 1]} : vector<1024x64xf32> to vector<1024x32xf32>
    %slice3A_42 = vector.extract_strided_slice %dot_general3A_41 {offsets = [0, 32], sizes = [1024, 32], strides = [1, 1]} : vector<1024x64xf32> to vector<1024x32xf32>
    %mul3A_43 = arith.mulf %slice3A, %get3A_22 : vector<1024x32xf32>
    %mul3A_44 = arith.mulf %slice3A_42, %get3A_25 : vector<1024x32xf32>
    %sub3A = arith.subf %mul3A_43, %mul3A_44 : vector<1024x32xf32>
    %mul3A_45 = arith.mulf %slice3A, %get3A_25 : vector<1024x32xf32>
    %mul3A_46 = arith.mulf %slice3A_42, %get3A_22 : vector<1024x32xf32>
    %add3A_47 = arith.addf %mul3A_45, %mul3A_46 : vector<1024x32xf32>
    %concatenate3A = tpu.concatenate %dot_general3A_33, %sub3A, %add3A_47 in 1 : vector<1024x32xf32>, vector<1024x32xf32>, vector<1024x32xf32> -> vector<1024x96xf32>
    %mul3A_48 = arith.constant 0.102062076 : f32
    %mul3A_49 = vector.broadcast %mul3A_48 : f32 to vector<1024x96xf32>
    %mul3A_50 = arith.mulf %concatenate3A, %mul3A_49 : vector<1024x96xf32>
    %convert_element_type3A_51 = arith.truncf %mul3A_50 : vector<1024x96xf32> to vector<1024x96xbf16>
    %swap3A = arith.constant 0 : index
    %swap3A_52 = arith.constant 0 : index
    %swap3A_53 = arith.constant 0 : index
    %swap3A_54 = vector.load %arg10[%swap3A, %swap3A_52, %swap3A_53] : memref<12x1024x96xbf16, #tpu.memory_space<vmem>>, vector<1x1024x96xbf16>
    %swap3A_55 = vector.shape_cast %swap3A_54 : vector<1x1024x96xbf16> to vector<1024x96xbf16>
    %swap3A_56 = vector.shape_cast %convert_element_type3A_51 : vector<1024x96xbf16> to vector<1x1024x96xbf16>
    tpu.vector_store %arg10[%swap3A, %swap3A_52, %swap3A_53], %swap3A_56 {strides = array<i32>} : memref<12x1024x96xbf16, #tpu.memory_space<vmem>>, vector<1x1024x96xbf16>,
    %get3A_57 = arith.constant 1 : index
    %get3A_58 = arith.constant 0 : index
    %get3A_59 = arith.constant 0 : index
    %get3A_60 = vector.load %arg4[%get3A_57, %get3A_58, %get3A_59] : memref<12x96x32xf32, #tpu.memory_space<vmem>>, vector<1x96x32xf32>
    %get3A_61 = vector.shape_cast %get3A_60 : vector<1x96x32xf32> to vector<96x32xf32>
    %convert_element_type3A_62 = arith.truncf %get3A_61 : vector<96x32xf32> to vector<96x32xbf16>
    %dot_general3A_63 = arith.constant dense<0.000000e+00> : vector<1024x32xf32>
    %dot_general3A_64 = tpu.matmul %convert_element_type3A_19, %convert_element_type3A_62, %dot_general3A_63 {dimension_numbers = #tpu.dot_dimension_numbers<[1], [0], [0], [1], [0, 0, 1, 1], [], []>, transpose_lhs_hint = false} : vector<1024x96xbf16>, vector<96x32xbf16>, vector<1024x32xf32> -> vector<1024x32xf32>
    %get3A_65 = arith.constant 1 : index
    %get3A_66 = arith.constant 0 : index
    %get3A_67 = arith.constant 0 : index
    %get3A_68 = vector.load %arg5[%get3A_65, %get3A_66, %get3A_67] : memref<12x96x64xf32, #tpu.memory_space<vmem>>, vector<1x96x64xf32>
    %get3A_69 = vector.shape_cast %get3A_68 : vector<1x96x64xf32> to vector<96x64xf32>
    %convert_element_type3A_70 = arith.truncf %get3A_69 : vector<96x64xf32> to vector<96x64xbf16>
    %dot_general3A_71 = arith.constant dense<0.000000e+00> : vector<1024x64xf32>
    %dot_general3A_72 = tpu.matmul %convert_element_type3A_19, %convert_element_type3A_70, %dot_general3A_71 {dimension_numbers = #tpu.dot_dimension_numbers<[1], [0], [0], [1], [0, 0, 1, 1], [], []>, transpose_lhs_hint = false} : vector<1024x96xbf16>, vector<96x64xbf16>, vector<1024x64xf32> -> vector<1024x64xf32>
    %slice3A_73 = vector.extract_strided_slice %dot_general3A_72 {offsets = [0, 0], sizes = [1024, 32], strides = [1, 1]} : vector<1024x64xf32> to vector<1024x32xf32>
    %slice3A_74 = vector.extract_strided_slice %dot_general3A_72 {offsets = [0, 32], sizes = [1024, 32], strides = [1, 1]} : vector<1024x64xf32> to vector<1024x32xf32>
    %mul3A_75 = arith.mulf %slice3A_73, %get3A_22 : vector<1024x32xf32>
    %mul3A_76 = arith.mulf %slice3A_74, %get3A_25 : vector<1024x32xf32>
    %sub3A_77 = arith.subf %mul3A_75, %mul3A_76 : vector<1024x32xf32>
    %mul3A_78 = arith.mulf %slice3A_73, %get3A_25 : vector<1024x32xf32>
    %mul3A_79 = arith.mulf %slice3A_74, %get3A_22 : vector<1024x32xf32>
    %add3A_80 = arith.addf %mul3A_78, %mul3A_79 : vector<1024x32xf32>
    %concatenate3A_81 = tpu.concatenate %dot_general3A_64, %sub3A_77, %add3A_80 in 1 : vector<1024x32xf32>, vector<1024x32xf32>, vector<1024x32xf32> -> vector<1024x96xf32>
    %mul3A_82 = arith.constant 0.102062076 : f32
    %mul3A_83 = vector.broadcast %mul3A_82 : f32 to vector<1024x96xf32>
    %mul3A_84 = arith.mulf %concatenate3A_81, %mul3A_83 : vector<1024x96xf32>
    %convert_element_type3A_85 = arith.truncf %mul3A_84 : vector<1024x96xf32> to vector<1024x96xbf16>
    %swap3A_86 = arith.constant 1 : index
    %swap3A_87 = arith.constant 0 : index
    %swap3A_88 = arith.constant 0 : index
    %swap3A_89 = vector.load %arg10[%swap3A_86, %swap3A_87, %swap3A_88] : memref<12x1024x96xbf16, #tpu.memory_space<vmem>>, vector<1x1024x96xbf16>
    %swap3A_90 = vector.shape_cast %swap3A_89 : vector<1x1024x96xbf16> to vector<1024x96xbf16>
    %swap3A_91 = vector.shape_cast %convert_element_type3A_85 : vector<1024x96xbf16> to vector<1x1024x96xbf16>
    tpu.vector_store %arg10[%swap3A_86, %swap3A_87, %swap3A_88], %swap3A_91 {strides = array<i32>} : memref<12x1024x96xbf16, #tpu.memory_space<vmem>>, vector<1x1024x96xbf16>,
    %get3A_92 = arith.constant 2 : index
    %get3A_93 = arith.constant 0 : index
    %get3A_94 = arith.constant 0 : index
    %get3A_95 = vector.load %arg4[%get3A_92, %get3A_93, %get3A_94] : memref<12x96x32xf32, #tpu.memory_space<vmem>>, vector<1x96x32xf32>
    %get3A_96 = vector.shape_cast %get3A_95 : vector<1x96x32xf32> to vector<96x32xf32>
    %convert_element_type3A_97 = arith.truncf %get3A_96 : vector<96x32xf32> to vector<96x32xbf16>
    %dot_general3A_98 = arith.constant dense<0.000000e+00> : vector<1024x32xf32>
    %dot_general3A_99 = tpu.matmul %convert_element_type3A_19, %convert_element_type3A_97, %dot_general3A_98 {dimension_numbers = #tpu.dot_dimension_numbers<[1], [0], [0], [1], [0, 0, 1, 1], [], []>, transpose_lhs_hint = false} : vector<1024x96xbf16>, vector<96x32xbf16>, vector<1024x32xf32> -> vector<1024x32xf32>
    %get3A_100 = arith.constant 2 : index
    %get3A_101 = arith.constant 0 : index
    %get3A_102 = arith.constant 0 : index
    %get3A_103 = vector.load %arg5[%get3A_100, %get3A_101, %get3A_102] : memref<12x96x64xf32, #tpu.memory_space<vmem>>, vector<1x96x64xf32>
    %get3A_104 = vector.shape_cast %get3A_103 : vector<1x96x64xf32> to vector<96x64xf32>
    %convert_element_type3A_105 = arith.truncf %get3A_104 : vector<96x64xf32> to vector<96x64xbf16>
    %dot_general3A_106 = arith.constant dense<0.000000e+00> : vector<1024x64xf32>
    %dot_general3A_107 = tpu.matmul %convert_element_type3A_19, %convert_element_type3A_105, %dot_general3A_106 {dimension_numbers = #tpu.dot_dimension_numbers<[1], [0], [0], [1], [0, 0, 1, 1], [], []>, transpose_lhs_hint = false} : vector<1024x96xbf16>, vector<96x64xbf16>, vector<1024x64xf32> -> vector<1024x64xf32>
    %slice3A_108 = vector.extract_strided_slice %dot_general3A_107 {offsets = [0, 0], sizes = [1024, 32], strides = [1, 1]} : vector<1024x64xf32> to vector<1024x32xf32>
    %slice3A_109 = vector.extract_strided_slice %dot_general3A_107 {offsets = [0, 32], sizes = [1024, 32], strides = [1, 1]} : vector<1024x64xf32> to vector<1024x32xf32>
    %mul3A_110 = arith.mulf %slice3A_108, %get3A_22 : vector<1024x32xf32>
    %mul3A_111 = arith.mulf %slice3A_109, %get3A_25 : vector<1024x32xf32>
    %sub3A_112 = arith.subf %mul3A_110, %mul3A_111 : vector<1024x32xf32>
    %mul3A_113 = arith.mulf %slice3A_108, %get3A_25 : vector<1024x32xf32>
    %mul3A_114 = arith.mulf %slice3A_109, %get3A_22 : vector<1024x32xf32>
    %add3A_115 = arith.addf %mul3A_113, %mul3A_114 : vector<1024x32xf32>
    %concatenate3A_116 = tpu.concatenate %dot_general3A_99, %sub3A_112, %add3A_115 in 1 : vector<1024x32xf32>, vector<1024x32xf32>, vector<1024x32xf32> -> vector<1024x96xf32>
    %mul3A_117 = arith.constant 0.102062076 : f32
    %mul3A_118 = vector.broadcast %mul3A_117 : f32 to vector<1024x96xf32>
    %mul3A_119 = arith.mulf %concatenate3A_116, %mul3A_118 : vector<1024x96xf32>
    %convert_element_type3A_120 = arith.truncf %mul3A_119 : vector<1024x96xf32> to vector<1024x96xbf16>
    %swap3A_121 = arith.constant 2 : index
    %swap3A_122 = arith.constant 0 : index
    %swap3A_123 = arith.constant 0 : index
    %swap3A_124 = vector.load %arg10[%swap3A_121, %swap3A_122, %swap3A_123] : memref<12x1024x96xbf16, #tpu.memory_space<vmem>>, vector<1x1024x96xbf16>
    %swap3A_125 = vector.shape_cast %swap3A_124 : vector<1x1024x96xbf16> to vector<1024x96xbf16>
    %swap3A_126 = vector.shape_cast %convert_element_type3A_120 : vector<1024x96xbf16> to vector<1x1024x96xbf16>
    tpu.vector_store %arg10[%swap3A_121, %swap3A_122, %swap3A_123], %swap3A_126 {strides = array<i32>} : memref<12x1024x96xbf16, #tpu.memory_space<vmem>>, vector<1x1024x96xbf16>,
    %get3A_127 = arith.constant 3 : index
    %get3A_128 = arith.constant 0 : index
    %get3A_129 = arith.constant 0 : index
    %get3A_130 = vector.load %arg4[%get3A_127, %get3A_128, %get3A_129] : memref<12x96x32xf32, #tpu.memory_space<vmem>>, vector<1x96x32xf32>
    %get3A_131 = vector.shape_cast %get3A_130 : vector<1x96x32xf32> to vector<96x32xf32>
    %convert_element_type3A_132 = arith.truncf %get3A_131 : vector<96x32xf32> to vector<96x32xbf16>
    %dot_general3A_133 = arith.constant dense<0.000000e+00> : vector<1024x32xf32>
    %dot_general3A_134 = tpu.matmul %convert_element_type3A_19, %convert_element_type3A_132, %dot_general3A_133 {dimension_numbers = #tpu.dot_dimension_numbers<[1], [0], [0], [1], [0, 0, 1, 1], [], []>, transpose_lhs_hint = false} : vector<1024x96xbf16>, vector<96x32xbf16>, vector<1024x32xf32> -> vector<1024x32xf32>
    %get3A_135 = arith.constant 3 : index
    %get3A_136 = arith.constant 0 : index
    %get3A_137 = arith.constant 0 : index
    %get3A_138 = vector.load %arg5[%get3A_135, %get3A_136, %get3A_137] : memref<12x96x64xf32, #tpu.memory_space<vmem>>, vector<1x96x64xf32>
    %get3A_139 = vector.shape_cast %get3A_138 : vector<1x96x64xf32> to vector<96x64xf32>
    %convert_element_type3A_140 = arith.truncf %get3A_139 : vector<96x64xf32> to vector<96x64xbf16>
    %dot_general3A_141 = arith.constant dense<0.000000e+00> : vector<1024x64xf32>
    %dot_general3A_142 = tpu.matmul %convert_element_type3A_19, %convert_element_type3A_140, %dot_general3A_141 {dimension_numbers = #tpu.dot_dimension_numbers<[1], [0], [0], [1], [0, 0, 1, 1], [], []>, transpose_lhs_hint = false} : vector<1024x96xbf16>, vector<96x64xbf16>, vector<1024x64xf32> -> vector<1024x64xf32>
    %slice3A_143 = vector.extract_strided_slice %dot_general3A_142 {offsets = [0, 0], sizes = [1024, 32], strides = [1, 1]} : vector<1024x64xf32> to vector<1024x32xf32>
    %slice3A_144 = vector.extract_strided_slice %dot_general3A_142 {offsets = [0, 32], sizes = [1024, 32], strides = [1, 1]} : vector<1024x64xf32> to vector<1024x32xf32>
    %mul3A_145 = arith.mulf %slice3A_143, %get3A_22 : vector<1024x32xf32>
    %mul3A_146 = arith.mulf %slice3A_144, %get3A_25 : vector<1024x32xf32>
    %sub3A_147 = arith.subf %mul3A_145, %mul3A_146 : vector<1024x32xf32>
    %mul3A_148 = arith.mulf %slice3A_143, %get3A_25 : vector<1024x32xf32>
    %mul3A_149 = arith.mulf %slice3A_144, %get3A_22 : vector<1024x32xf32>
    %add3A_150 = arith.addf %mul3A_148, %mul3A_149 : vector<1024x32xf32>
    %concatenate3A_151 = tpu.concatenate %dot_general3A_134, %sub3A_147, %add3A_150 in 1 : vector<1024x32xf32>, vector<1024x32xf32>, vector<1024x32xf32> -> vector<1024x96xf32>
    %mul3A_152 = arith.constant 0.102062076 : f32
    %mul3A_153 = vector.broadcast %mul3A_152 : f32 to vector<1024x96xf32>
    %mul3A_154 = arith.mulf %concatenate3A_151, %mul3A_153 : vector<1024x96xf32>
    %convert_element_type3A_155 = arith.truncf %mul3A_154 : vector<1024x96xf32> to vector<1024x96xbf16>
    %swap3A_156 = arith.constant 3 : index
    %swap3A_157 = arith.constant 0 : index
    %swap3A_158 = arith.constant 0 : index
    %swap3A_159 = vector.load %arg10[%swap3A_156, %swap3A_157, %swap3A_158] : memref<12x1024x96xbf16, #tpu.memory_space<vmem>>, vector<1x1024x96xbf16>
    %swap3A_160 = vector.shape_cast %swap3A_159 : vector<1x1024x96xbf16> to vector<1024x96xbf16>
    %swap3A_161 = vector.shape_cast %convert_element_type3A_155 : vector<1024x96xbf16> to vector<1x1024x96xbf16>
    tpu.vector_store %arg10[%swap3A_156, %swap3A_157, %swap3A_158], %swap3A_161 {strides = array<i32>} : memref<12x1024x96xbf16, #tpu.memory_space<vmem>>, vector<1x1024x96xbf16>,
    %get3A_162 = arith.constant 4 : index
    %get3A_163 = arith.constant 0 : index
    %get3A_164 = arith.constant 0 : index
    %get3A_165 = vector.load %arg4[%get3A_162, %get3A_163, %get3A_164] : memref<12x96x32xf32, #tpu.memory_space<vmem>>, vector<1x96x32xf32>
    %get3A_166 = vector.shape_cast %get3A_165 : vector<1x96x32xf32> to vector<96x32xf32>
    %convert_element_type3A_167 = arith.truncf %get3A_166 : vector<96x32xf32> to vector<96x32xbf16>
    %dot_general3A_168 = arith.constant dense<0.000000e+00> : vector<1024x32xf32>
    %dot_general3A_169 = tpu.matmul %convert_element_type3A_19, %convert_element_type3A_167, %dot_general3A_168 {dimension_numbers = #tpu.dot_dimension_numbers<[1], [0], [0], [1], [0, 0, 1, 1], [], []>, transpose_lhs_hint = false} : vector<1024x96xbf16>, vector<96x32xbf16>, vector<1024x32xf32> -> vector<1024x32xf32>
    %get3A_170 = arith.constant 4 : index
    %get3A_171 = arith.constant 0 : index
    %get3A_172 = arith.constant 0 : index
    %get3A_173 = vector.load %arg5[%get3A_170, %get3A_171, %get3A_172] : memref<12x96x64xf32, #tpu.memory_space<vmem>>, vector<1x96x64xf32>
    %get3A_174 = vector.shape_cast %get3A_173 : vector<1x96x64xf32> to vector<96x64xf32>
    %convert_element_type3A_175 = arith.truncf %get3A_174 : vector<96x64xf32> to vector<96x64xbf16>
    %dot_general3A_176 = arith.constant dense<0.000000e+00> : vector<1024x64xf32>
    %dot_general3A_177 = tpu.matmul %convert_element_type3A_19, %convert_element_type3A_175, %dot_general3A_176 {dimension_numbers = #tpu.dot_dimension_numbers<[1], [0], [0], [1], [0, 0, 1, 1], [], []>, transpose_lhs_hint = false} : vector<1024x96xbf16>, vector<96x64xbf16>, vector<1024x64xf32> -> vector<1024x64xf32>
    %slice3A_178 = vector.extract_strided_slice %dot_general3A_177 {offsets = [0, 0], sizes = [1024, 32], strides = [1, 1]} : vector<1024x64xf32> to vector<1024x32xf32>
    %slice3A_179 = vector.extract_strided_slice %dot_general3A_177 {offsets = [0, 32], sizes = [1024, 32], strides = [1, 1]} : vector<1024x64xf32> to vector<1024x32xf32>
    %mul3A_180 = arith.mulf %slice3A_178, %get3A_22 : vector<1024x32xf32>
    %mul3A_181 = arith.mulf %slice3A_179, %get3A_25 : vector<1024x32xf32>
    %sub3A_182 = arith.subf %mul3A_180, %mul3A_181 : vector<1024x32xf32>
    %mul3A_183 = arith.mulf %slice3A_178, %get3A_25 : vector<1024x32xf32>
    %mul3A_184 = arith.mulf %slice3A_179, %get3A_22 : vector<1024x32xf32>
    %add3A_185 = arith.addf %mul3A_183, %mul3A_184 : vector<1024x32xf32>
    %concatenate3A_186 = tpu.concatenate %dot_general3A_169, %sub3A_182, %add3A_185 in 1 : vector<1024x32xf32>, vector<1024x32xf32>, vector<1024x32xf32> -> vector<1024x96xf32>
    %mul3A_187 = arith.constant 0.102062076 : f32
    %mul3A_188 = vector.broadcast %mul3A_187 : f32 to vector<1024x96xf32>
    %mul3A_189 = arith.mulf %concatenate3A_186, %mul3A_188 : vector<1024x96xf32>
    %convert_element_type3A_190 = arith.truncf %mul3A_189 : vector<1024x96xf32> to vector<1024x96xbf16>
    %swap3A_191 = arith.constant 4 : index
    %swap3A_192 = arith.constant 0 : index
    %swap3A_193 = arith.constant 0 : index
    %swap3A_194 = vector.load %arg10[%swap3A_191, %swap3A_192, %swap3A_193] : memref<12x1024x96xbf16, #tpu.memory_space<vmem>>, vector<1x1024x96xbf16>
    %swap3A_195 = vector.shape_cast %swap3A_194 : vector<1x1024x96xbf16> to vector<1024x96xbf16>
    %swap3A_196 = vector.shape_cast %convert_element_type3A_190 : vector<1024x96xbf16> to vector<1x1024x96xbf16>
    tpu.vector_store %arg10[%swap3A_191, %swap3A_192, %swap3A_193], %swap3A_196 {strides = array<i32>} : memref<12x1024x96xbf16, #tpu.memory_space<vmem>>, vector<1x1024x96xbf16>,
    %get3A_197 = arith.constant 5 : index
    %get3A_198 = arith.constant 0 : index
    %get3A_199 = arith.constant 0 : index
    %get3A_200 = vector.load %arg4[%get3A_197, %get3A_198, %get3A_199] : memref<12x96x32xf32, #tpu.memory_space<vmem>>, vector<1x96x32xf32>
    %get3A_201 = vector.shape_cast %get3A_200 : vector<1x96x32xf32> to vector<96x32xf32>
    %convert_element_type3A_202 = arith.truncf %get3A_201 : vector<96x32xf32> to vector<96x32xbf16>
    %dot_general3A_203 = arith.constant dense<0.000000e+00> : vector<1024x32xf32>
    %dot_general3A_204 = tpu.matmul %convert_element_type3A_19, %convert_element_type3A_202, %dot_general3A_203 {dimension_numbers = #tpu.dot_dimension_numbers<[1], [0], [0], [1], [0, 0, 1, 1], [], []>, transpose_lhs_hint = false} : vector<1024x96xbf16>, vector<96x32xbf16>, vector<1024x32xf32> -> vector<1024x32xf32>
    %get3A_205 = arith.constant 5 : index
    %get3A_206 = arith.constant 0 : index
    %get3A_207 = arith.constant 0 : index
    %get3A_208 = vector.load %arg5[%get3A_205, %get3A_206, %get3A_207] : memref<12x96x64xf32, #tpu.memory_space<vmem>>, vector<1x96x64xf32>
    %get3A_209 = vector.shape_cast %get3A_208 : vector<1x96x64xf32> to vector<96x64xf32>
    %convert_element_type3A_210 = arith.truncf %get3A_209 : vector<96x64xf32> to vector<96x64xbf16>
    %dot_general3A_211 = arith.constant dense<0.000000e+00> : vector<1024x64xf32>
    %dot_general3A_212 = tpu.matmul %convert_element_type3A_19, %convert_element_type3A_210, %dot_general3A_211 {dimension_numbers = #tpu.dot_dimension_numbers<[1], [0], [0], [1], [0, 0, 1, 1], [], []>, transpose_lhs_hint = false} : vector<1024x96xbf16>, vector<96x64xbf16>, vector<1024x64xf32> -> vector<1024x64xf32>
    %slice3A_213 = vector.extract_strided_slice %dot_general3A_212 {offsets = [0, 0], sizes = [1024, 32], strides = [1, 1]} : vector<1024x64xf32> to vector<1024x32xf32>
    %slice3A_214 = vector.extract_strided_slice %dot_general3A_212 {offsets = [0, 32], sizes = [1024, 32], strides = [1, 1]} : vector<1024x64xf32> to vector<1024x32xf32>
    %mul3A_215 = arith.mulf %slice3A_213, %get3A_22 : vector<1024x32xf32>
    %mul3A_216 = arith.mulf %slice3A_214, %get3A_25 : vector<1024x32xf32>
    %sub3A_217 = arith.subf %mul3A_215, %mul3A_216 : vector<1024x32xf32>
    %mul3A_218 = arith.mulf %slice3A_213, %get3A_25 : vector<1024x32xf32>
    %mul3A_219 = arith.mulf %slice3A_214, %get3A_22 : vector<1024x32xf32>
    %add3A_220 = arith.addf %mul3A_218, %mul3A_219 : vector<1024x32xf32>
    %concatenate3A_221 = tpu.concatenate %dot_general3A_204, %sub3A_217, %add3A_220 in 1 : vector<1024x32xf32>, vector<1024x32xf32>, vector<1024x32xf32> -> vector<1024x96xf32>
    %mul3A_222 = arith.constant 0.102062076 : f32
    %mul3A_223 = vector.broadcast %mul3A_222 : f32 to vector<1024x96xf32>
    %mul3A_224 = arith.mulf %concatenate3A_221, %mul3A_223 : vector<1024x96xf32>
    %convert_element_type3A_225 = arith.truncf %mul3A_224 : vector<1024x96xf32> to vector<1024x96xbf16>
    %swap3A_226 = arith.constant 5 : index
    %swap3A_227 = arith.constant 0 : index
    %swap3A_228 = arith.constant 0 : index
    %swap3A_229 = vector.load %arg10[%swap3A_226, %swap3A_227, %swap3A_228] : memref<12x1024x96xbf16, #tpu.memory_space<vmem>>, vector<1x1024x96xbf16>
    %swap3A_230 = vector.shape_cast %swap3A_229 : vector<1x1024x96xbf16> to vector<1024x96xbf16>
    %swap3A_231 = vector.shape_cast %convert_element_type3A_225 : vector<1024x96xbf16> to vector<1x1024x96xbf16>
    tpu.vector_store %arg10[%swap3A_226, %swap3A_227, %swap3A_228], %swap3A_231 {strides = array<i32>} : memref<12x1024x96xbf16, #tpu.memory_space<vmem>>, vector<1x1024x96xbf16>,
    %get3A_232 = arith.constant 6 : index
    %get3A_233 = arith.constant 0 : index
    %get3A_234 = arith.constant 0 : index
    %get3A_235 = vector.load %arg4[%get3A_232, %get3A_233, %get3A_234] : memref<12x96x32xf32, #tpu.memory_space<vmem>>, vector<1x96x32xf32>
    %get3A_236 = vector.shape_cast %get3A_235 : vector<1x96x32xf32> to vector<96x32xf32>
    %convert_element_type3A_237 = arith.truncf %get3A_236 : vector<96x32xf32> to vector<96x32xbf16>
    %dot_general3A_238 = arith.constant dense<0.000000e+00> : vector<1024x32xf32>
    %dot_general3A_239 = tpu.matmul %convert_element_type3A_19, %convert_element_type3A_237, %dot_general3A_238 {dimension_numbers = #tpu.dot_dimension_numbers<[1], [0], [0], [1], [0, 0, 1, 1], [], []>, transpose_lhs_hint = false} : vector<1024x96xbf16>, vector<96x32xbf16>, vector<1024x32xf32> -> vector<1024x32xf32>
    %get3A_240 = arith.constant 6 : index
    %get3A_241 = arith.constant 0 : index
    %get3A_242 = arith.constant 0 : index
    %get3A_243 = vector.load %arg5[%get3A_240, %get3A_241, %get3A_242] : memref<12x96x64xf32, #tpu.memory_space<vmem>>, vector<1x96x64xf32>
    %get3A_244 = vector.shape_cast %get3A_243 : vector<1x96x64xf32> to vector<96x64xf32>
    %convert_element_type3A_245 = arith.truncf %get3A_244 : vector<96x64xf32> to vector<96x64xbf16>
    %dot_general3A_246 = arith.constant dense<0.000000e+00> : vector<1024x64xf32>
    %dot_general3A_247 = tpu.matmul %convert_element_type3A_19, %convert_element_type3A_245, %dot_general3A_246 {dimension_numbers = #tpu.dot_dimension_numbers<[1], [0], [0], [1], [0, 0, 1, 1], [], []>, transpose_lhs_hint = false} : vector<1024x96xbf16>, vector<96x64xbf16>, vector<1024x64xf32> -> vector<1024x64xf32>
    %slice3A_248 = vector.extract_strided_slice %dot_general3A_247 {offsets = [0, 0], sizes = [1024, 32], strides = [1, 1]} : vector<1024x64xf32> to vector<1024x32xf32>
    %slice3A_249 = vector.extract_strided_slice %dot_general3A_247 {offsets = [0, 32], sizes = [1024, 32], strides = [1, 1]} : vector<1024x64xf32> to vector<1024x32xf32>
    %mul3A_250 = arith.mulf %slice3A_248, %get3A_22 : vector<1024x32xf32>
    %mul3A_251 = arith.mulf %slice3A_249, %get3A_25 : vector<1024x32xf32>
    %sub3A_252 = arith.subf %mul3A_250, %mul3A_251 : vector<1024x32xf32>
    %mul3A_253 = arith.mulf %slice3A_248, %get3A_25 : vector<1024x32xf32>
    %mul3A_254 = arith.mulf %slice3A_249, %get3A_22 : vector<1024x32xf32>
    %add3A_255 = arith.addf %mul3A_253, %mul3A_254 : vector<1024x32xf32>
    %concatenate3A_256 = tpu.concatenate %dot_general3A_239, %sub3A_252, %add3A_255 in 1 : vector<1024x32xf32>, vector<1024x32xf32>, vector<1024x32xf32> -> vector<1024x96xf32>
    %mul3A_257 = arith.constant 0.102062076 : f32
    %mul3A_258 = vector.broadcast %mul3A_257 : f32 to vector<1024x96xf32>
    %mul3A_259 = arith.mulf %concatenate3A_256, %mul3A_258 : vector<1024x96xf32>
    %convert_element_type3A_260 = arith.truncf %mul3A_259 : vector<1024x96xf32> to vector<1024x96xbf16>
    %swap3A_261 = arith.constant 6 : index
    %swap3A_262 = arith.constant 0 : index
    %swap3A_263 = arith.constant 0 : index
    %swap3A_264 = vector.load %arg10[%swap3A_261, %swap3A_262, %swap3A_263] : memref<12x1024x96xbf16, #tpu.memory_space<vmem>>, vector<1x1024x96xbf16>
    %swap3A_265 = vector.shape_cast %swap3A_264 : vector<1x1024x96xbf16> to vector<1024x96xbf16>
    %swap3A_266 = vector.shape_cast %convert_element_type3A_260 : vector<1024x96xbf16> to vector<1x1024x96xbf16>
    tpu.vector_store %arg10[%swap3A_261, %swap3A_262, %swap3A_263], %swap3A_266 {strides = array<i32>} : memref<12x1024x96xbf16, #tpu.memory_space<vmem>>, vector<1x1024x96xbf16>,
    %get3A_267 = arith.constant 7 : index
    %get3A_268 = arith.constant 0 : index
    %get3A_269 = arith.constant 0 : index
    %get3A_270 = vector.load %arg4[%get3A_267, %get3A_268, %get3A_269] : memref<12x96x32xf32, #tpu.memory_space<vmem>>, vector<1x96x32xf32>
    %get3A_271 = vector.shape_cast %get3A_270 : vector<1x96x32xf32> to vector<96x32xf32>
    %convert_element_type3A_272 = arith.truncf %get3A_271 : vector<96x32xf32> to vector<96x32xbf16>
    %dot_general3A_273 = arith.constant dense<0.000000e+00> : vector<1024x32xf32>
    %dot_general3A_274 = tpu.matmul %convert_element_type3A_19, %convert_element_type3A_272, %dot_general3A_273 {dimension_numbers = #tpu.dot_dimension_numbers<[1], [0], [0], [1], [0, 0, 1, 1], [], []>, transpose_lhs_hint = false} : vector<1024x96xbf16>, vector<96x32xbf16>, vector<1024x32xf32> -> vector<1024x32xf32>
    %get3A_275 = arith.constant 7 : index
    %get3A_276 = arith.constant 0 : index
    %get3A_277 = arith.constant 0 : index
    %get3A_278 = vector.load %arg5[%get3A_275, %get3A_276, %get3A_277] : memref<12x96x64xf32, #tpu.memory_space<vmem>>, vector<1x96x64xf32>
    %get3A_279 = vector.shape_cast %get3A_278 : vector<1x96x64xf32> to vector<96x64xf32>
    %convert_element_type3A_280 = arith.truncf %get3A_279 : vector<96x64xf32> to vector<96x64xbf16>
    %dot_general3A_281 = arith.constant dense<0.000000e+00> : vector<1024x64xf32>
    %dot_general3A_282 = tpu.matmul %convert_element_type3A_19, %convert_element_type3A_280, %dot_general3A_281 {dimension_numbers = #tpu.dot_dimension_numbers<[1], [0], [0], [1], [0, 0, 1, 1], [], []>, transpose_lhs_hint = false} : vector<1024x96xbf16>, vector<96x64xbf16>, vector<1024x64xf32> -> vector<1024x64xf32>
    %slice3A_283 = vector.extract_strided_slice %dot_general3A_282 {offsets = [0, 0], sizes = [1024, 32], strides = [1, 1]} : vector<1024x64xf32> to vector<1024x32xf32>
    %slice3A_284 = vector.extract_strided_slice %dot_general3A_282 {offsets = [0, 32], sizes = [1024, 32], strides = [1, 1]} : vector<1024x64xf32> to vector<1024x32xf32>
    %mul3A_285 = arith.mulf %slice3A_283, %get3A_22 : vector<1024x32xf32>
    %mul3A_286 = arith.mulf %slice3A_284, %get3A_25 : vector<1024x32xf32>
    %sub3A_287 = arith.subf %mul3A_285, %mul3A_286 : vector<1024x32xf32>
    %mul3A_288 = arith.mulf %slice3A_283, %get3A_25 : vector<1024x32xf32>
    %mul3A_289 = arith.mulf %slice3A_284, %get3A_22 : vector<1024x32xf32>
    %add3A_290 = arith.addf %mul3A_288, %mul3A_289 : vector<1024x32xf32>
    %concatenate3A_291 = tpu.concatenate %dot_general3A_274, %sub3A_287, %add3A_290 in 1 : vector<1024x32xf32>, vector<1024x32xf32>, vector<1024x32xf32> -> vector<1024x96xf32>
    %mul3A_292 = arith.constant 0.102062076 : f32
    %mul3A_293 = vector.broadcast %mul3A_292 : f32 to vector<1024x96xf32>
    %mul3A_294 = arith.mulf %concatenate3A_291, %mul3A_293 : vector<1024x96xf32>
    %convert_element_type3A_295 = arith.truncf %mul3A_294 : vector<1024x96xf32> to vector<1024x96xbf16>
    %swap3A_296 = arith.constant 7 : index
    %swap3A_297 = arith.constant 0 : index
    %swap3A_298 = arith.constant 0 : index
    %swap3A_299 = vector.load %arg10[%swap3A_296, %swap3A_297, %swap3A_298] : memref<12x1024x96xbf16, #tpu.memory_space<vmem>>, vector<1x1024x96xbf16>
    %swap3A_300 = vector.shape_cast %swap3A_299 : vector<1x1024x96xbf16> to vector<1024x96xbf16>
    %swap3A_301 = vector.shape_cast %convert_element_type3A_295 : vector<1024x96xbf16> to vector<1x1024x96xbf16>
    tpu.vector_store %arg10[%swap3A_296, %swap3A_297, %swap3A_298], %swap3A_301 {strides = array<i32>} : memref<12x1024x96xbf16, #tpu.memory_space<vmem>>, vector<1x1024x96xbf16>,
    %get3A_302 = arith.constant 8 : index
    %get3A_303 = arith.constant 0 : index
    %get3A_304 = arith.constant 0 : index
    %get3A_305 = vector.load %arg4[%get3A_302, %get3A_303, %get3A_304] : memref<12x96x32xf32, #tpu.memory_space<vmem>>, vector<1x96x32xf32>
    %get3A_306 = vector.shape_cast %get3A_305 : vector<1x96x32xf32> to vector<96x32xf32>
    %convert_element_type3A_307 = arith.truncf %get3A_306 : vector<96x32xf32> to vector<96x32xbf16>
    %dot_general3A_308 = arith.constant dense<0.000000e+00> : vector<1024x32xf32>
    %dot_general3A_309 = tpu.matmul %convert_element_type3A_19, %convert_element_type3A_307, %dot_general3A_308 {dimension_numbers = #tpu.dot_dimension_numbers<[1], [0], [0], [1], [0, 0, 1, 1], [], []>, transpose_lhs_hint = false} : vector<1024x96xbf16>, vector<96x32xbf16>, vector<1024x32xf32> -> vector<1024x32xf32>
    %get3A_310 = arith.constant 8 : index
    %get3A_311 = arith.constant 0 : index
    %get3A_312 = arith.constant 0 : index
    %get3A_313 = vector.load %arg5[%get3A_310, %get3A_311, %get3A_312] : memref<12x96x64xf32, #tpu.memory_space<vmem>>, vector<1x96x64xf32>
    %get3A_314 = vector.shape_cast %get3A_313 : vector<1x96x64xf32> to vector<96x64xf32>
    %convert_element_type3A_315 = arith.truncf %get3A_314 : vector<96x64xf32> to vector<96x64xbf16>
    %dot_general3A_316 = arith.constant dense<0.000000e+00> : vector<1024x64xf32>
    %dot_general3A_317 = tpu.matmul %convert_element_type3A_19, %convert_element_type3A_315, %dot_general3A_316 {dimension_numbers = #tpu.dot_dimension_numbers<[1], [0], [0], [1], [0, 0, 1, 1], [], []>, transpose_lhs_hint = false} : vector<1024x96xbf16>, vector<96x64xbf16>, vector<1024x64xf32> -> vector<1024x64xf32>
    %slice3A_318 = vector.extract_strided_slice %dot_general3A_317 {offsets = [0, 0], sizes = [1024, 32], strides = [1, 1]} : vector<1024x64xf32> to vector<1024x32xf32>
    %slice3A_319 = vector.extract_strided_slice %dot_general3A_317 {offsets = [0, 32], sizes = [1024, 32], strides = [1, 1]} : vector<1024x64xf32> to vector<1024x32xf32>
    %mul3A_320 = arith.mulf %slice3A_318, %get3A_22 : vector<1024x32xf32>
    %mul3A_321 = arith.mulf %slice3A_319, %get3A_25 : vector<1024x32xf32>
    %sub3A_322 = arith.subf %mul3A_320, %mul3A_321 : vector<1024x32xf32>
    %mul3A_323 = arith.mulf %slice3A_318, %get3A_25 : vector<1024x32xf32>
    %mul3A_324 = arith.mulf %slice3A_319, %get3A_22 : vector<1024x32xf32>
    %add3A_325 = arith.addf %mul3A_323, %mul3A_324 : vector<1024x32xf32>
    %concatenate3A_326 = tpu.concatenate %dot_general3A_309, %sub3A_322, %add3A_325 in 1 : vector<1024x32xf32>, vector<1024x32xf32>, vector<1024x32xf32> -> vector<1024x96xf32>
    %mul3A_327 = arith.constant 0.102062076 : f32
    %mul3A_328 = vector.broadcast %mul3A_327 : f32 to vector<1024x96xf32>
    %mul3A_329 = arith.mulf %concatenate3A_326, %mul3A_328 : vector<1024x96xf32>
    %convert_element_type3A_330 = arith.truncf %mul3A_329 : vector<1024x96xf32> to vector<1024x96xbf16>
    %swap3A_331 = arith.constant 8 : index
    %swap3A_332 = arith.constant 0 : index
    %swap3A_333 = arith.constant 0 : index
    %swap3A_334 = vector.load %arg10[%swap3A_331, %swap3A_332, %swap3A_333] : memref<12x1024x96xbf16, #tpu.memory_space<vmem>>, vector<1x1024x96xbf16>
    %swap3A_335 = vector.shape_cast %swap3A_334 : vector<1x1024x96xbf16> to vector<1024x96xbf16>
    %swap3A_336 = vector.shape_cast %convert_element_type3A_330 : vector<1024x96xbf16> to vector<1x1024x96xbf16>
    tpu.vector_store %arg10[%swap3A_331, %swap3A_332, %swap3A_333], %swap3A_336 {strides = array<i32>} : memref<12x1024x96xbf16, #tpu.memory_space<vmem>>, vector<1x1024x96xbf16>,
    %get3A_337 = arith.constant 9 : index
    %get3A_338 = arith.constant 0 : index
    %get3A_339 = arith.constant 0 : index
    %get3A_340 = vector.load %arg4[%get3A_337, %get3A_338, %get3A_339] : memref<12x96x32xf32, #tpu.memory_space<vmem>>, vector<1x96x32xf32>
    %get3A_341 = vector.shape_cast %get3A_340 : vector<1x96x32xf32> to vector<96x32xf32>
    %convert_element_type3A_342 = arith.truncf %get3A_341 : vector<96x32xf32> to vector<96x32xbf16>
    %dot_general3A_343 = arith.constant dense<0.000000e+00> : vector<1024x32xf32>
    %dot_general3A_344 = tpu.matmul %convert_element_type3A_19, %convert_element_type3A_342, %dot_general3A_343 {dimension_numbers = #tpu.dot_dimension_numbers<[1], [0], [0], [1], [0, 0, 1, 1], [], []>, transpose_lhs_hint = false} : vector<1024x96xbf16>, vector<96x32xbf16>, vector<1024x32xf32> -> vector<1024x32xf32>
    %get3A_345 = arith.constant 9 : index
    %get3A_346 = arith.constant 0 : index
    %get3A_347 = arith.constant 0 : index
    %get3A_348 = vector.load %arg5[%get3A_345, %get3A_346, %get3A_347] : memref<12x96x64xf32, #tpu.memory_space<vmem>>, vector<1x96x64xf32>
    %get3A_349 = vector.shape_cast %get3A_348 : vector<1x96x64xf32> to vector<96x64xf32>
    %convert_element_type3A_350 = arith.truncf %get3A_349 : vector<96x64xf32> to vector<96x64xbf16>
    %dot_general3A_351 = arith.constant dense<0.000000e+00> : vector<1024x64xf32>
    %dot_general3A_352 = tpu.matmul %convert_element_type3A_19, %convert_element_type3A_350, %dot_general3A_351 {dimension_numbers = #tpu.dot_dimension_numbers<[1], [0], [0], [1], [0, 0, 1, 1], [], []>, transpose_lhs_hint = false} : vector<1024x96xbf16>, vector<96x64xbf16>, vector<1024x64xf32> -> vector<1024x64xf32>
    %slice3A_353 = vector.extract_strided_slice %dot_general3A_352 {offsets = [0, 0], sizes = [1024, 32], strides = [1, 1]} : vector<1024x64xf32> to vector<1024x32xf32>
    %slice3A_354 = vector.extract_strided_slice %dot_general3A_352 {offsets = [0, 32], sizes = [1024, 32], strides = [1, 1]} : vector<1024x64xf32> to vector<1024x32xf32>
    %mul3A_355 = arith.mulf %slice3A_353, %get3A_22 : vector<1024x32xf32>
    %mul3A_356 = arith.mulf %slice3A_354, %get3A_25 : vector<1024x32xf32>
    %sub3A_357 = arith.subf %mul3A_355, %mul3A_356 : vector<1024x32xf32>
    %mul3A_358 = arith.mulf %slice3A_353, %get3A_25 : vector<1024x32xf32>
    %mul3A_359 = arith.mulf %slice3A_354, %get3A_22 : vector<1024x32xf32>
    %add3A_360 = arith.addf %mul3A_358, %mul3A_359 : vector<1024x32xf32>
    %concatenate3A_361 = tpu.concatenate %dot_general3A_344, %sub3A_357, %add3A_360 in 1 : vector<1024x32xf32>, vector<1024x32xf32>, vector<1024x32xf32> -> vector<1024x96xf32>
    %mul3A_362 = arith.constant 0.102062076 : f32
    %mul3A_363 = vector.broadcast %mul3A_362 : f32 to vector<1024x96xf32>
    %mul3A_364 = arith.mulf %concatenate3A_361, %mul3A_363 : vector<1024x96xf32>
    %convert_element_type3A_365 = arith.truncf %mul3A_364 : vector<1024x96xf32> to vector<1024x96xbf16>
    %swap3A_366 = arith.constant 9 : index
    %swap3A_367 = arith.constant 0 : index
    %swap3A_368 = arith.constant 0 : index
    %swap3A_369 = vector.load %arg10[%swap3A_366, %swap3A_367, %swap3A_368] : memref<12x1024x96xbf16, #tpu.memory_space<vmem>>, vector<1x1024x96xbf16>
    %swap3A_370 = vector.shape_cast %swap3A_369 : vector<1x1024x96xbf16> to vector<1024x96xbf16>
    %swap3A_371 = vector.shape_cast %convert_element_type3A_365 : vector<1024x96xbf16> to vector<1x1024x96xbf16>
    tpu.vector_store %arg10[%swap3A_366, %swap3A_367, %swap3A_368], %swap3A_371 {strides = array<i32>} : memref<12x1024x96xbf16, #tpu.memory_space<vmem>>, vector<1x1024x96xbf16>,
    %get3A_372 = arith.constant 10 : index
    %get3A_373 = arith.constant 0 : index
    %get3A_374 = arith.constant 0 : index
    %get3A_375 = vector.load %arg4[%get3A_372, %get3A_373, %get3A_374] : memref<12x96x32xf32, #tpu.memory_space<vmem>>, vector<1x96x32xf32>
    %get3A_376 = vector.shape_cast %get3A_375 : vector<1x96x32xf32> to vector<96x32xf32>
    %convert_element_type3A_377 = arith.truncf %get3A_376 : vector<96x32xf32> to vector<96x32xbf16>
    %dot_general3A_378 = arith.constant dense<0.000000e+00> : vector<1024x32xf32>
    %dot_general3A_379 = tpu.matmul %convert_element_type3A_19, %convert_element_type3A_377, %dot_general3A_378 {dimension_numbers = #tpu.dot_dimension_numbers<[1], [0], [0], [1], [0, 0, 1, 1], [], []>, transpose_lhs_hint = false} : vector<1024x96xbf16>, vector<96x32xbf16>, vector<1024x32xf32> -> vector<1024x32xf32>
    %get3A_380 = arith.constant 10 : index
    %get3A_381 = arith.constant 0 : index
    %get3A_382 = arith.constant 0 : index
    %get3A_383 = vector.load %arg5[%get3A_380, %get3A_381, %get3A_382] : memref<12x96x64xf32, #tpu.memory_space<vmem>>, vector<1x96x64xf32>
    %get3A_384 = vector.shape_cast %get3A_383 : vector<1x96x64xf32> to vector<96x64xf32>
    %convert_element_type3A_385 = arith.truncf %get3A_384 : vector<96x64xf32> to vector<96x64xbf16>
    %dot_general3A_386 = arith.constant dense<0.000000e+00> : vector<1024x64xf32>
    %dot_general3A_387 = tpu.matmul %convert_element_type3A_19, %convert_element_type3A_385, %dot_general3A_386 {dimension_numbers = #tpu.dot_dimension_numbers<[1], [0], [0], [1], [0, 0, 1, 1], [], []>, transpose_lhs_hint = false} : vector<1024x96xbf16>, vector<96x64xbf16>, vector<1024x64xf32> -> vector<1024x64xf32>
    %slice3A_388 = vector.extract_strided_slice %dot_general3A_387 {offsets = [0, 0], sizes = [1024, 32], strides = [1, 1]} : vector<1024x64xf32> to vector<1024x32xf32>
    %slice3A_389 = vector.extract_strided_slice %dot_general3A_387 {offsets = [0, 32], sizes = [1024, 32], strides = [1, 1]} : vector<1024x64xf32> to vector<1024x32xf32>
    %mul3A_390 = arith.mulf %slice3A_388, %get3A_22 : vector<1024x32xf32>
    %mul3A_391 = arith.mulf %slice3A_389, %get3A_25 : vector<1024x32xf32>
    %sub3A_392 = arith.subf %mul3A_390, %mul3A_391 : vector<1024x32xf32>
    %mul3A_393 = arith.mulf %slice3A_388, %get3A_25 : vector<1024x32xf32>
    %mul3A_394 = arith.mulf %slice3A_389, %get3A_22 : vector<1024x32xf32>
    %add3A_395 = arith.addf %mul3A_393, %mul3A_394 : vector<1024x32xf32>
    %concatenate3A_396 = tpu.concatenate %dot_general3A_379, %sub3A_392, %add3A_395 in 1 : vector<1024x32xf32>, vector<1024x32xf32>, vector<1024x32xf32> -> vector<1024x96xf32>
    %mul3A_397 = arith.constant 0.102062076 : f32
    %mul3A_398 = vector.broadcast %mul3A_397 : f32 to vector<1024x96xf32>
    %mul3A_399 = arith.mulf %concatenate3A_396, %mul3A_398 : vector<1024x96xf32>
    %convert_element_type3A_400 = arith.truncf %mul3A_399 : vector<1024x96xf32> to vector<1024x96xbf16>
    %swap3A_401 = arith.constant 10 : index
    %swap3A_402 = arith.constant 0 : index
    %swap3A_403 = arith.constant 0 : index
    %swap3A_404 = vector.load %arg10[%swap3A_401, %swap3A_402, %swap3A_403] : memref<12x1024x96xbf16, #tpu.memory_space<vmem>>, vector<1x1024x96xbf16>
    %swap3A_405 = vector.shape_cast %swap3A_404 : vector<1x1024x96xbf16> to vector<1024x96xbf16>
    %swap3A_406 = vector.shape_cast %convert_element_type3A_400 : vector<1024x96xbf16> to vector<1x1024x96xbf16>
    tpu.vector_store %arg10[%swap3A_401, %swap3A_402, %swap3A_403], %swap3A_406 {strides = array<i32>} : memref<12x1024x96xbf16, #tpu.memory_space<vmem>>, vector<1x1024x96xbf16>,
    %get3A_407 = arith.constant 11 : index
    %get3A_408 = arith.constant 0 : index
    %get3A_409 = arith.constant 0 : index
    %get3A_410 = vector.load %arg4[%get3A_407, %get3A_408, %get3A_409] : memref<12x96x32xf32, #tpu.memory_space<vmem>>, vector<1x96x32xf32>
    %get3A_411 = vector.shape_cast %get3A_410 : vector<1x96x32xf32> to vector<96x32xf32>
    %convert_element_type3A_412 = arith.truncf %get3A_411 : vector<96x32xf32> to vector<96x32xbf16>
    %dot_general3A_413 = arith.constant dense<0.000000e+00> : vector<1024x32xf32>
    %dot_general3A_414 = tpu.matmul %convert_element_type3A_19, %convert_element_type3A_412, %dot_general3A_413 {dimension_numbers = #tpu.dot_dimension_numbers<[1], [0], [0], [1], [0, 0, 1, 1], [], []>, transpose_lhs_hint = false} : vector<1024x96xbf16>, vector<96x32xbf16>, vector<1024x32xf32> -> vector<1024x32xf32>
    %get3A_415 = arith.constant 11 : index
    %get3A_416 = arith.constant 0 : index
    %get3A_417 = arith.constant 0 : index
    %get3A_418 = vector.load %arg5[%get3A_415, %get3A_416, %get3A_417] : memref<12x96x64xf32, #tpu.memory_space<vmem>>, vector<1x96x64xf32>
    %get3A_419 = vector.shape_cast %get3A_418 : vector<1x96x64xf32> to vector<96x64xf32>
    %convert_element_type3A_420 = arith.truncf %get3A_419 : vector<96x64xf32> to vector<96x64xbf16>
    %dot_general3A_421 = arith.constant dense<0.000000e+00> : vector<1024x64xf32>
    %dot_general3A_422 = tpu.matmul %convert_element_type3A_19, %convert_element_type3A_420, %dot_general3A_421 {dimension_numbers = #tpu.dot_dimension_numbers<[1], [0], [0], [1], [0, 0, 1, 1], [], []>, transpose_lhs_hint = false} : vector<1024x96xbf16>, vector<96x64xbf16>, vector<1024x64xf32> -> vector<1024x64xf32>
    %slice3A_423 = vector.extract_strided_slice %dot_general3A_422 {offsets = [0, 0], sizes = [1024, 32], strides = [1, 1]} : vector<1024x64xf32> to vector<1024x32xf32>
    %slice3A_424 = vector.extract_strided_slice %dot_general3A_422 {offsets = [0, 32], sizes = [1024, 32], strides = [1, 1]} : vector<1024x64xf32> to vector<1024x32xf32>
    %mul3A_425 = arith.mulf %slice3A_423, %get3A_22 : vector<1024x32xf32>
    %mul3A_426 = arith.mulf %slice3A_424, %get3A_25 : vector<1024x32xf32>
    %sub3A_427 = arith.subf %mul3A_425, %mul3A_426 : vector<1024x32xf32>
    %mul3A_428 = arith.mulf %slice3A_423, %get3A_25 : vector<1024x32xf32>
    %mul3A_429 = arith.mulf %slice3A_424, %get3A_22 : vector<1024x32xf32>
    %add3A_430 = arith.addf %mul3A_428, %mul3A_429 : vector<1024x32xf32>
    %concatenate3A_431 = tpu.concatenate %dot_general3A_414, %sub3A_427, %add3A_430 in 1 : vector<1024x32xf32>, vector<1024x32xf32>, vector<1024x32xf32> -> vector<1024x96xf32>
    %mul3A_432 = arith.constant 0.102062076 : f32
    %mul3A_433 = vector.broadcast %mul3A_432 : f32 to vector<1024x96xf32>
    %mul3A_434 = arith.mulf %concatenate3A_431, %mul3A_433 : vector<1024x96xf32>
    %convert_element_type3A_435 = arith.truncf %mul3A_434 : vector<1024x96xf32> to vector<1024x96xbf16>
    %swap3A_436 = arith.constant 11 : index
    %swap3A_437 = arith.constant 0 : index
    %swap3A_438 = arith.constant 0 : index
    %swap3A_439 = vector.load %arg10[%swap3A_436, %swap3A_437, %swap3A_438] : memref<12x1024x96xbf16, #tpu.memory_space<vmem>>, vector<1x1024x96xbf16>
    %swap3A_440 = vector.shape_cast %swap3A_439 : vector<1x1024x96xbf16> to vector<1024x96xbf16>
    %swap3A_441 = vector.shape_cast %convert_element_type3A_435 : vector<1024x96xbf16> to vector<1x1024x96xbf16>
    tpu.vector_store %arg10[%swap3A_436, %swap3A_437, %swap3A_438], %swap3A_441 {strides = array<i32>} : memref<12x1024x96xbf16, #tpu.memory_space<vmem>>, vector<1x1024x96xbf16>,
    %get3A_442 = arith.constant 0 : index
    %get3A_443 = arith.constant 0 : index
    %get3A_444 = vector.load %arg6[%get3A_442, %get3A_443] : memref<768x1152xf32, #tpu.memory_space<vmem>>, vector<768x1152xf32>
    %convert_element_type3A_445 = arith.truncf %get3A_444 : vector<768x1152xf32> to vector<768x1152xbf16>
    %dot_general3A_446 = arith.constant dense<0.000000e+00> : vector<1024x1152xf32>
    %dot_general3A_447 = tpu.matmul %convert_element_type3A, %convert_element_type3A_445, %dot_general3A_446 {dimension_numbers = #tpu.dot_dimension_numbers<[1], [0], [0], [1], [0, 0, 1, 1], [], []>, transpose_lhs_hint = false} : vector<1024x768xbf16>, vector<768x1152xbf16>, vector<1024x1152xf32> -> vector<1024x1152xf32>
    %convert_element_type3A_448 = arith.truncf %dot_general3A_447 : vector<1024x1152xf32> to vector<1024x1152xbf16>
    %swap3A_449 = arith.constant 0 : index
    %swap3A_450 = arith.constant 0 : index
    %swap3A_451 = vector.load %arg11[%swap3A_449, %swap3A_450] : memref<1024x1152xbf16, #tpu.memory_space<vmem>>, vector<1024x1152xbf16>
    tpu.vector_store %arg11[%swap3A_449, %swap3A_450], %convert_element_type3A_448 {strides = array<i32>} : memref<1024x1152xbf16, #tpu.memory_space<vmem>>, vector<1024x1152xbf16>,
    %get3A_452 = arith.constant 0 : index
    %get3A_453 = arith.constant 0 : index
    %get3A_454 = vector.load %arg7[%get3A_452, %get3A_453] : memref<768x384xf32, #tpu.memory_space<vmem>>, vector<768x384xf32>
    %convert_element_type3A_455 = arith.truncf %get3A_454 : vector<768x384xf32> to vector<768x384xbf16>
    %dot_general3A_456 = arith.constant dense<0.000000e+00> : vector<1024x384xf32>
    %dot_general3A_457 = tpu.matmul %convert_element_type3A, %convert_element_type3A_455, %dot_general3A_456 {dimension_numbers = #tpu.dot_dimension_numbers<[1], [0], [0], [1], [0, 0, 1, 1], [], []>, transpose_lhs_hint = false} : vector<1024x768xbf16>, vector<768x384xbf16>, vector<1024x384xf32> -> vector<1024x384xf32>
    %convert_element_type3A_458 = arith.truncf %dot_general3A_457 : vector<1024x384xf32> to vector<1024x384xbf16>
    %swap3A_459 = arith.constant 0 : index
    %swap3A_460 = arith.constant 0 : index
    %swap3A_461 = vector.load %arg12[%swap3A_459, %swap3A_460] : memref<1024x384xbf16, #tpu.memory_space<vmem>>, vector<1024x384xbf16>
    tpu.vector_store %arg12[%swap3A_459, %swap3A_460], %convert_element_type3A_458 {strides = array<i32>} : memref<1024x384xbf16, #tpu.memory_space<vmem>>, vector<1024x384xbf16>,
    return
  }
  func.func @transform_0(%arg0: i32) -> (i32, i32) {
    %c0_i32 = arith.constant 0 : i32
    %c0_i32_0 = arith.constant 0 : i32
    return %arg0, %c0_i32 : i32, i32
  }
  func.func @transform_1(%arg0: i32) -> (i32, i32) {
    %c0_i32 = arith.constant 0 : i32
    %c0_i32_0 = arith.constant 0 : i32
    %c0_i32_1 = arith.constant 0 : i32
    return %c0_i32, %c0_i32_0 : i32, i32
  }
  func.func @transform_2(%arg0: i32) -> (i32, i32) {
    %c0_i32 = arith.constant 0 : i32
    %c0_i32_0 = arith.constant 0 : i32
    %c0_i32_1 = arith.constant 0 : i32
    return %c0_i32, %c0_i32_0 : i32, i32
  }
  func.func @transform_3(%arg0: i32) -> (i32, i32, i32) {
    %c0_i32 = arith.constant 0 : i32
    %c0_i32_0 = arith.constant 0 : i32
    %c0_i32_1 = arith.constant 0 : i32
    %c0_i32_2 = arith.constant 0 : i32
    return %c0_i32, %c0_i32_0, %c0_i32_1 : i32, i32, i32
  }
  func.func @transform_4(%arg0: i32) -> (i32, i32, i32) {
    %c0_i32 = arith.constant 0 : i32
    %c0_i32_0 = arith.constant 0 : i32
    %c0_i32_1 = arith.constant 0 : i32
    %c0_i32_2 = arith.constant 0 : i32
    return %c0_i32, %c0_i32_0, %c0_i32_1 : i32, i32, i32
  }
  func.func @transform_5(%arg0: i32) -> (i32, i32) {
    %c0_i32 = arith.constant 0 : i32
    %c0_i32_0 = arith.constant 0 : i32
    %c0_i32_1 = arith.constant 0 : i32
    return %c0_i32, %c0_i32_0 : i32, i32
  }
  func.func @transform_6(%arg0: i32) -> (i32, i32) {
    %c0_i32 = arith.constant 0 : i32
    %c0_i32_0 = arith.constant 0 : i32
    %c0_i32_1 = arith.constant 0 : i32
    return %c0_i32, %c0_i32_0 : i32, i32
  }
  func.func @transform_7(%arg0: i32) -> (i32, i32) {
    %c0_i32 = arith.constant 0 : i32
    %c0_i32_0 = arith.constant 0 : i32
    return %arg0, %c0_i32 : i32, i32
  }
  func.func @transform_8(%arg0: i32) -> (i32, i32) {
    %c0_i32 = arith.constant 0 : i32
    %c0_i32_0 = arith.constant 0 : i32
    return %arg0, %c0_i32 : i32, i32
  }
  func.func @transform_9(%arg0: i32) -> (i32, i32, i32) {
    %c0_i32 = arith.constant 0 : i32
    %c0_i32_0 = arith.constant 0 : i32
    %c0_i32_1 = arith.constant 0 : i32
    return %c0_i32, %arg0, %c0_i32_0 : i32, i32, i32
  }
  func.func @transform_10(%arg0: i32) -> (i32, i32) {
    %c0_i32 = arith.constant 0 : i32
    %c0_i32_0 = arith.constant 0 : i32
    return %arg0, %c0_i32 : i32, i32
  }
  func.func @transform_11(%arg0: i32) -> (i32, i32) {
    %c0_i32 = arith.constant 0 : i32
    %c0_i32_0 = arith.constant 0 : i32
    return %arg0, %c0_i32 : i32, i32
  }
}

module attributes {stable_mosaic.version = 14 : i64} {
  func.func @_bc1_body(%arg0: i32, %arg1: memref<128x12288xf32, #tpu.memory_space<vmem>>, %arg2: memref<1x12288xf32, #tpu.memory_space<vmem>>, %arg3: memref<12288x256xf32, #tpu.memory_space<vmem>>, %arg4: memref<128x256xf32, #tpu.memory_space<vmem>>) attributes {dimension_semantics = [#tpu.dimension_semantics<arbitrary>], iteration_bounds = array<i64: 12>, scalar_prefetch = 0 : i64, scratch_operands = 0 : i64, tpu.core_type = #tpu.core_type<tc>, window_params = [{pipeline_mode = #tpu.pipeline_mode<synchronous>, transform_indices = @transform_0, window_bounds = array<i64: 128, 12288>}, {pipeline_mode = #tpu.pipeline_mode<synchronous>, transform_indices = @transform_1, window_bounds = array<i64: 1, 12288>}, {transform_indices = @transform_2, window_bounds = array<i64: 12288, 256>}, {transform_indices = @transform_3, window_bounds = array<i64: 128, 256>}]} {
    %get3A = arith.constant 0 : index
    %get3A_0 = arith.constant 0 : index
    %get3A_1 = vector.load %arg1[%get3A, %get3A_0] : memref<128x12288xf32, #tpu.memory_space<vmem>>, vector<128x12288xf32>
    %get3A_2 = arith.constant 0 : index
    %get3A_3 = arith.constant 0 : index
    %get3A_4 = vector.load %arg2[%get3A_2, %get3A_3] : memref<1x12288xf32, #tpu.memory_space<vmem>>, vector<1x12288xf32>
    %add3A = vector.broadcast %get3A_4 : vector<1x12288xf32> to vector<128x12288xf32>
    %add3A_5 = arith.addf %get3A_1, %add3A : vector<128x12288xf32>
    %convert_element_type3A = arith.truncf %add3A_5 : vector<128x12288xf32> to vector<128x12288xbf16>
    %get3A_6 = arith.constant 0 : index
    %get3A_7 = arith.constant 0 : index
    %get3A_8 = vector.load %arg3[%get3A_6, %get3A_7] : memref<12288x256xf32, #tpu.memory_space<vmem>>, vector<12288x256xf32>
    %convert_element_type3A_9 = arith.truncf %get3A_8 : vector<12288x256xf32> to vector<12288x256xbf16>
    %dot_general3A = arith.constant dense<0.000000e+00> : vector<128x256xf32>
    %dot_general3A_10 = tpu.matmul %convert_element_type3A, %convert_element_type3A_9, %dot_general3A {dimension_numbers = #tpu.dot_dimension_numbers<[1], [0], [0], [1], [0, 0, 1, 1], [], []>, transpose_lhs_hint = false} : vector<128x12288xbf16>, vector<12288x256xbf16>, vector<128x256xf32> -> vector<128x256xf32>
    %mul3A = arith.constant 5.000000e-01 : f32
    %mul3A_11 = vector.broadcast %mul3A : f32 to vector<128x256xf32>
    %mul3A_12 = arith.mulf %mul3A_11, %dot_general3A_10 : vector<128x256xf32>
    %mul3A_13 = arith.constant 0.707106769 : f32
    %mul3A_14 = vector.broadcast %mul3A_13 : f32 to vector<128x256xf32>
    %mul3A_15 = arith.mulf %dot_general3A_10, %mul3A_14 : vector<128x256xf32>
    %erf3A = math.erf %mul3A_15 : vector<128x256xf32>
    %add3A_16 = arith.constant 1.000000e+00 : f32
    %add3A_17 = vector.broadcast %add3A_16 : f32 to vector<128x256xf32>
    %add3A_18 = arith.addf %add3A_17, %erf3A : vector<128x256xf32>
    %mul3A_19 = arith.mulf %mul3A_12, %add3A_18 : vector<128x256xf32>
    %swap3A = arith.constant 0 : index
    %swap3A_20 = arith.constant 0 : index
    %swap3A_21 = vector.load %arg4[%swap3A, %swap3A_20] : memref<128x256xf32, #tpu.memory_space<vmem>>, vector<128x256xf32>
    tpu.vector_store %arg4[%swap3A, %swap3A_20], %mul3A_19 {strides = array<i32>} : memref<128x256xf32, #tpu.memory_space<vmem>>, vector<128x256xf32>,
    return
  }
  func.func @transform_0(%arg0: i32) -> (i32, i32) {
    %c0_i32 = arith.constant 0 : i32
    %c0_i32_0 = arith.constant 0 : i32
    %c0_i32_1 = arith.constant 0 : i32
    return %c0_i32, %c0_i32_0 : i32, i32
  }
  func.func @transform_1(%arg0: i32) -> (i32, i32) {
    %c0_i32 = arith.constant 0 : i32
    %c0_i32_0 = arith.constant 0 : i32
    %c0_i32_1 = arith.constant 0 : i32
    return %c0_i32, %c0_i32_0 : i32, i32
  }
  func.func @transform_2(%arg0: i32) -> (i32, i32) {
    %c0_i32 = arith.constant 0 : i32
    %c0_i32_0 = arith.constant 0 : i32
    return %c0_i32, %arg0 : i32, i32
  }
  func.func @transform_3(%arg0: i32) -> (i32, i32) {
    %c0_i32 = arith.constant 0 : i32
    %c0_i32_0 = arith.constant 0 : i32
    return %c0_i32, %arg0 : i32, i32
  }
}

module attributes {stable_mosaic.version = 14 : i64} {
  func.func @_bc2_body(%arg0: memref<128x3072xf32, #tpu.memory_space<vmem>>, %arg1: memref<3072x768xf32, #tpu.memory_space<vmem>>, %arg2: memref<768x32xf32, #tpu.memory_space<vmem>>, %arg3: memref<1x32xf32, #tpu.memory_space<vmem>>, %arg4: memref<12x32x32xf32, #tpu.memory_space<vmem>>, %arg5: memref<12x32x32xf32, #tpu.memory_space<vmem>>, %arg6: memref<768x64xf32, #tpu.memory_space<vmem>>, %arg7: memref<128x32xf32, #tpu.memory_space<vmem>>, %arg8: memref<128x32xf32, #tpu.memory_space<vmem>>, %arg9: memref<12x128x96xf32, #tpu.memory_space<vmem>>, %arg10: memref<12x128x32xf32, #tpu.memory_space<vmem>>) attributes {dimension_semantics = [], scalar_prefetch = 0 : i64, scratch_operands = 0 : i64, tpu.core_type = #tpu.core_type<tc>} {
    %get3A = arith.constant 0 : index
    %get3A_0 = arith.constant 0 : index
    %get3A_1 = vector.load %arg0[%get3A, %get3A_0] : memref<128x3072xf32, #tpu.memory_space<vmem>>, vector<128x3072xf32>
    %get3A_2 = arith.constant 0 : index
    %get3A_3 = arith.constant 0 : index
    %get3A_4 = vector.load %arg1[%get3A_2, %get3A_3] : memref<3072x768xf32, #tpu.memory_space<vmem>>, vector<3072x768xf32>
    %dot_general3A = arith.constant dense<0.000000e+00> : vector<128x768xf32>
    %dot_general3A_5 = tpu.matmul %get3A_1, %get3A_4, %dot_general3A {dimension_numbers = #tpu.dot_dimension_numbers<[1], [0], [0], [1], [0, 0, 1, 1], [], []>, transpose_lhs_hint = false} : vector<128x3072xf32>, vector<3072x768xf32>, vector<128x768xf32> -> vector<128x768xf32>
    %get3A_6 = arith.constant 0 : index
    %get3A_7 = arith.constant 0 : index
    %get3A_8 = vector.load %arg2[%get3A_6, %get3A_7] : memref<768x32xf32, #tpu.memory_space<vmem>>, vector<768x32xf32>
    %dot_general3A_9 = arith.constant dense<0.000000e+00> : vector<128x32xf32>
    %dot_general3A_10 = tpu.matmul %dot_general3A_5, %get3A_8, %dot_general3A_9 {dimension_numbers = #tpu.dot_dimension_numbers<[1], [0], [0], [1], [0, 0, 1, 1], [], []>, transpose_lhs_hint = false} : vector<128x768xf32>, vector<768x32xf32>, vector<128x32xf32> -> vector<128x32xf32>
    %get3A_11 = arith.constant 0 : index
    %get3A_12 = arith.constant 0 : index
    %get3A_13 = vector.load %arg3[%get3A_11, %get3A_12] : memref<1x32xf32, #tpu.memory_space<vmem>>, vector<1x32xf32>
    %mul3A = arith.mulf %dot_general3A_10, %dot_general3A_10 : vector<128x32xf32>
    %reduce_sum3A = arith.constant dense<0.000000e+00> : vector<128xf32>
    %reduce_sum3A_14 = vector.multi_reduction <add>, %mul3A, %reduce_sum3A [1] : vector<128x32xf32> to vector<128xf32>
    %broadcast_in_dim3A = vector.shape_cast %reduce_sum3A_14 : vector<128xf32> to vector<128x1xf32>
    %div3A = arith.constant 3.200000e+01 : f32
    %div3A_15 = vector.broadcast %div3A : f32 to vector<128x1xf32>
    %div3A_16 = arith.divf %broadcast_in_dim3A, %div3A_15 : vector<128x1xf32>
    %add3A = arith.constant 9.99999997E-7 : f32
    %add3A_17 = vector.broadcast %add3A : f32 to vector<128x1xf32>
    %add3A_18 = arith.addf %div3A_16, %add3A_17 : vector<128x1xf32>
    %rsqrt3A = math.rsqrt %add3A_18 : vector<128x1xf32>
    %mul3A_19 = vector.broadcast %rsqrt3A : vector<128x1xf32> to vector<128x32xf32>
    %mul3A_20 = arith.mulf %dot_general3A_10, %mul3A_19 : vector<128x32xf32>
    %mul3A_21 = vector.broadcast %get3A_13 : vector<1x32xf32> to vector<128x32xf32>
    %mul3A_22 = arith.mulf %mul3A_20, %mul3A_21 : vector<128x32xf32>
    %get3A_23 = arith.constant 0 : index
    %get3A_24 = arith.constant 0 : index
    %get3A_25 = vector.load %arg6[%get3A_23, %get3A_24] : memref<768x64xf32, #tpu.memory_space<vmem>>, vector<768x64xf32>
    %dot_general3A_26 = arith.constant dense<0.000000e+00> : vector<128x64xf32>
    %dot_general3A_27 = tpu.matmul %dot_general3A_5, %get3A_25, %dot_general3A_26 {dimension_numbers = #tpu.dot_dimension_numbers<[1], [0], [0], [1], [0, 0, 1, 1], [], []>, transpose_lhs_hint = false} : vector<128x768xf32>, vector<768x64xf32>, vector<128x64xf32> -> vector<128x64xf32>
    %slice3A = vector.extract_strided_slice %dot_general3A_27 {offsets = [0, 0], sizes = [128, 32], strides = [1, 1]} : vector<128x64xf32> to vector<128x32xf32>
    %slice3A_28 = vector.extract_strided_slice %dot_general3A_27 {offsets = [0, 32], sizes = [128, 32], strides = [1, 1]} : vector<128x64xf32> to vector<128x32xf32>
    %get3A_29 = arith.constant 0 : index
    %get3A_30 = arith.constant 0 : index
    %get3A_31 = vector.load %arg7[%get3A_29, %get3A_30] : memref<128x32xf32, #tpu.memory_space<vmem>>, vector<128x32xf32>
    %get3A_32 = arith.constant 0 : index
    %get3A_33 = arith.constant 0 : index
    %get3A_34 = vector.load %arg8[%get3A_32, %get3A_33] : memref<128x32xf32, #tpu.memory_space<vmem>>, vector<128x32xf32>
    %mul3A_35 = arith.mulf %slice3A, %get3A_31 : vector<128x32xf32>
    %mul3A_36 = arith.mulf %slice3A_28, %get3A_34 : vector<128x32xf32>
    %sub3A = arith.subf %mul3A_35, %mul3A_36 : vector<128x32xf32>
    %mul3A_37 = arith.mulf %slice3A, %get3A_34 : vector<128x32xf32>
    %mul3A_38 = arith.mulf %slice3A_28, %get3A_31 : vector<128x32xf32>
    %add3A_39 = arith.addf %mul3A_37, %mul3A_38 : vector<128x32xf32>
    %get3A_40 = arith.constant 0 : index
    %get3A_41 = arith.constant 0 : index
    %get3A_42 = arith.constant 0 : index
    %get3A_43 = vector.load %arg4[%get3A_40, %get3A_41, %get3A_42] : memref<12x32x32xf32, #tpu.memory_space<vmem>>, vector<1x32x32xf32>
    %get3A_44 = vector.shape_cast %get3A_43 : vector<1x32x32xf32> to vector<32x32xf32>
    %dot_general3A_45 = arith.constant dense<0.000000e+00> : vector<128x32xf32>
    %dot_general3A_46 = tpu.matmul %mul3A_22, %get3A_44, %dot_general3A_45 {dimension_numbers = #tpu.dot_dimension_numbers<[1], [0], [0], [1], [0, 0, 1, 1], [], []>, transpose_lhs_hint = false} : vector<128x32xf32>, vector<32x32xf32>, vector<128x32xf32> -> vector<128x32xf32>
    %concatenate3A = tpu.concatenate %dot_general3A_46, %sub3A, %add3A_39 in 1 : vector<128x32xf32>, vector<128x32xf32>, vector<128x32xf32> -> vector<128x96xf32>
    %swap3A = arith.constant 0 : index
    %swap3A_47 = arith.constant 0 : index
    %swap3A_48 = arith.constant 0 : index
    %swap3A_49 = vector.load %arg9[%swap3A, %swap3A_47, %swap3A_48] : memref<12x128x96xf32, #tpu.memory_space<vmem>>, vector<1x128x96xf32>
    %swap3A_50 = vector.shape_cast %swap3A_49 : vector<1x128x96xf32> to vector<128x96xf32>
    %swap3A_51 = vector.shape_cast %concatenate3A : vector<128x96xf32> to vector<1x128x96xf32>
    tpu.vector_store %arg9[%swap3A, %swap3A_47, %swap3A_48], %swap3A_51 {strides = array<i32>} : memref<12x128x96xf32, #tpu.memory_space<vmem>>, vector<1x128x96xf32>,
    %get3A_52 = arith.constant 0 : index
    %get3A_53 = arith.constant 0 : index
    %get3A_54 = arith.constant 0 : index
    %get3A_55 = vector.load %arg5[%get3A_52, %get3A_53, %get3A_54] : memref<12x32x32xf32, #tpu.memory_space<vmem>>, vector<1x32x32xf32>
    %get3A_56 = vector.shape_cast %get3A_55 : vector<1x32x32xf32> to vector<32x32xf32>
    %dot_general3A_57 = arith.constant dense<0.000000e+00> : vector<128x32xf32>
    %dot_general3A_58 = tpu.matmul %mul3A_22, %get3A_56, %dot_general3A_57 {dimension_numbers = #tpu.dot_dimension_numbers<[1], [0], [0], [1], [0, 0, 1, 1], [], []>, transpose_lhs_hint = false} : vector<128x32xf32>, vector<32x32xf32>, vector<128x32xf32> -> vector<128x32xf32>
    %swap3A_59 = arith.constant 0 : index
    %swap3A_60 = arith.constant 0 : index
    %swap3A_61 = arith.constant 0 : index
    %swap3A_62 = vector.load %arg10[%swap3A_59, %swap3A_60, %swap3A_61] : memref<12x128x32xf32, #tpu.memory_space<vmem>>, vector<1x128x32xf32>
    %swap3A_63 = vector.shape_cast %swap3A_62 : vector<1x128x32xf32> to vector<128x32xf32>
    %swap3A_64 = vector.shape_cast %dot_general3A_58 : vector<128x32xf32> to vector<1x128x32xf32>
    tpu.vector_store %arg10[%swap3A_59, %swap3A_60, %swap3A_61], %swap3A_64 {strides = array<i32>} : memref<12x128x32xf32, #tpu.memory_space<vmem>>, vector<1x128x32xf32>,
    %get3A_65 = arith.constant 1 : index
    %get3A_66 = arith.constant 0 : index
    %get3A_67 = arith.constant 0 : index
    %get3A_68 = vector.load %arg4[%get3A_65, %get3A_66, %get3A_67] : memref<12x32x32xf32, #tpu.memory_space<vmem>>, vector<1x32x32xf32>
    %get3A_69 = vector.shape_cast %get3A_68 : vector<1x32x32xf32> to vector<32x32xf32>
    %dot_general3A_70 = arith.constant dense<0.000000e+00> : vector<128x32xf32>
    %dot_general3A_71 = tpu.matmul %mul3A_22, %get3A_69, %dot_general3A_70 {dimension_numbers = #tpu.dot_dimension_numbers<[1], [0], [0], [1], [0, 0, 1, 1], [], []>, transpose_lhs_hint = false} : vector<128x32xf32>, vector<32x32xf32>, vector<128x32xf32> -> vector<128x32xf32>
    %concatenate3A_72 = tpu.concatenate %dot_general3A_71, %sub3A, %add3A_39 in 1 : vector<128x32xf32>, vector<128x32xf32>, vector<128x32xf32> -> vector<128x96xf32>
    %swap3A_73 = arith.constant 1 : index
    %swap3A_74 = arith.constant 0 : index
    %swap3A_75 = arith.constant 0 : index
    %swap3A_76 = vector.load %arg9[%swap3A_73, %swap3A_74, %swap3A_75] : memref<12x128x96xf32, #tpu.memory_space<vmem>>, vector<1x128x96xf32>
    %swap3A_77 = vector.shape_cast %swap3A_76 : vector<1x128x96xf32> to vector<128x96xf32>
    %swap3A_78 = vector.shape_cast %concatenate3A_72 : vector<128x96xf32> to vector<1x128x96xf32>
    tpu.vector_store %arg9[%swap3A_73, %swap3A_74, %swap3A_75], %swap3A_78 {strides = array<i32>} : memref<12x128x96xf32, #tpu.memory_space<vmem>>, vector<1x128x96xf32>,
    %get3A_79 = arith.constant 1 : index
    %get3A_80 = arith.constant 0 : index
    %get3A_81 = arith.constant 0 : index
    %get3A_82 = vector.load %arg5[%get3A_79, %get3A_80, %get3A_81] : memref<12x32x32xf32, #tpu.memory_space<vmem>>, vector<1x32x32xf32>
    %get3A_83 = vector.shape_cast %get3A_82 : vector<1x32x32xf32> to vector<32x32xf32>
    %dot_general3A_84 = arith.constant dense<0.000000e+00> : vector<128x32xf32>
    %dot_general3A_85 = tpu.matmul %mul3A_22, %get3A_83, %dot_general3A_84 {dimension_numbers = #tpu.dot_dimension_numbers<[1], [0], [0], [1], [0, 0, 1, 1], [], []>, transpose_lhs_hint = false} : vector<128x32xf32>, vector<32x32xf32>, vector<128x32xf32> -> vector<128x32xf32>
    %swap3A_86 = arith.constant 1 : index
    %swap3A_87 = arith.constant 0 : index
    %swap3A_88 = arith.constant 0 : index
    %swap3A_89 = vector.load %arg10[%swap3A_86, %swap3A_87, %swap3A_88] : memref<12x128x32xf32, #tpu.memory_space<vmem>>, vector<1x128x32xf32>
    %swap3A_90 = vector.shape_cast %swap3A_89 : vector<1x128x32xf32> to vector<128x32xf32>
    %swap3A_91 = vector.shape_cast %dot_general3A_85 : vector<128x32xf32> to vector<1x128x32xf32>
    tpu.vector_store %arg10[%swap3A_86, %swap3A_87, %swap3A_88], %swap3A_91 {strides = array<i32>} : memref<12x128x32xf32, #tpu.memory_space<vmem>>, vector<1x128x32xf32>,
    %get3A_92 = arith.constant 2 : index
    %get3A_93 = arith.constant 0 : index
    %get3A_94 = arith.constant 0 : index
    %get3A_95 = vector.load %arg4[%get3A_92, %get3A_93, %get3A_94] : memref<12x32x32xf32, #tpu.memory_space<vmem>>, vector<1x32x32xf32>
    %get3A_96 = vector.shape_cast %get3A_95 : vector<1x32x32xf32> to vector<32x32xf32>
    %dot_general3A_97 = arith.constant dense<0.000000e+00> : vector<128x32xf32>
    %dot_general3A_98 = tpu.matmul %mul3A_22, %get3A_96, %dot_general3A_97 {dimension_numbers = #tpu.dot_dimension_numbers<[1], [0], [0], [1], [0, 0, 1, 1], [], []>, transpose_lhs_hint = false} : vector<128x32xf32>, vector<32x32xf32>, vector<128x32xf32> -> vector<128x32xf32>
    %concatenate3A_99 = tpu.concatenate %dot_general3A_98, %sub3A, %add3A_39 in 1 : vector<128x32xf32>, vector<128x32xf32>, vector<128x32xf32> -> vector<128x96xf32>
    %swap3A_100 = arith.constant 2 : index
    %swap3A_101 = arith.constant 0 : index
    %swap3A_102 = arith.constant 0 : index
    %swap3A_103 = vector.load %arg9[%swap3A_100, %swap3A_101, %swap3A_102] : memref<12x128x96xf32, #tpu.memory_space<vmem>>, vector<1x128x96xf32>
    %swap3A_104 = vector.shape_cast %swap3A_103 : vector<1x128x96xf32> to vector<128x96xf32>
    %swap3A_105 = vector.shape_cast %concatenate3A_99 : vector<128x96xf32> to vector<1x128x96xf32>
    tpu.vector_store %arg9[%swap3A_100, %swap3A_101, %swap3A_102], %swap3A_105 {strides = array<i32>} : memref<12x128x96xf32, #tpu.memory_space<vmem>>, vector<1x128x96xf32>,
    %get3A_106 = arith.constant 2 : index
    %get3A_107 = arith.constant 0 : index
    %get3A_108 = arith.constant 0 : index
    %get3A_109 = vector.load %arg5[%get3A_106, %get3A_107, %get3A_108] : memref<12x32x32xf32, #tpu.memory_space<vmem>>, vector<1x32x32xf32>
    %get3A_110 = vector.shape_cast %get3A_109 : vector<1x32x32xf32> to vector<32x32xf32>
    %dot_general3A_111 = arith.constant dense<0.000000e+00> : vector<128x32xf32>
    %dot_general3A_112 = tpu.matmul %mul3A_22, %get3A_110, %dot_general3A_111 {dimension_numbers = #tpu.dot_dimension_numbers<[1], [0], [0], [1], [0, 0, 1, 1], [], []>, transpose_lhs_hint = false} : vector<128x32xf32>, vector<32x32xf32>, vector<128x32xf32> -> vector<128x32xf32>
    %swap3A_113 = arith.constant 2 : index
    %swap3A_114 = arith.constant 0 : index
    %swap3A_115 = arith.constant 0 : index
    %swap3A_116 = vector.load %arg10[%swap3A_113, %swap3A_114, %swap3A_115] : memref<12x128x32xf32, #tpu.memory_space<vmem>>, vector<1x128x32xf32>
    %swap3A_117 = vector.shape_cast %swap3A_116 : vector<1x128x32xf32> to vector<128x32xf32>
    %swap3A_118 = vector.shape_cast %dot_general3A_112 : vector<128x32xf32> to vector<1x128x32xf32>
    tpu.vector_store %arg10[%swap3A_113, %swap3A_114, %swap3A_115], %swap3A_118 {strides = array<i32>} : memref<12x128x32xf32, #tpu.memory_space<vmem>>, vector<1x128x32xf32>,
    %get3A_119 = arith.constant 3 : index
    %get3A_120 = arith.constant 0 : index
    %get3A_121 = arith.constant 0 : index
    %get3A_122 = vector.load %arg4[%get3A_119, %get3A_120, %get3A_121] : memref<12x32x32xf32, #tpu.memory_space<vmem>>, vector<1x32x32xf32>
    %get3A_123 = vector.shape_cast %get3A_122 : vector<1x32x32xf32> to vector<32x32xf32>
    %dot_general3A_124 = arith.constant dense<0.000000e+00> : vector<128x32xf32>
    %dot_general3A_125 = tpu.matmul %mul3A_22, %get3A_123, %dot_general3A_124 {dimension_numbers = #tpu.dot_dimension_numbers<[1], [0], [0], [1], [0, 0, 1, 1], [], []>, transpose_lhs_hint = false} : vector<128x32xf32>, vector<32x32xf32>, vector<128x32xf32> -> vector<128x32xf32>
    %concatenate3A_126 = tpu.concatenate %dot_general3A_125, %sub3A, %add3A_39 in 1 : vector<128x32xf32>, vector<128x32xf32>, vector<128x32xf32> -> vector<128x96xf32>
    %swap3A_127 = arith.constant 3 : index
    %swap3A_128 = arith.constant 0 : index
    %swap3A_129 = arith.constant 0 : index
    %swap3A_130 = vector.load %arg9[%swap3A_127, %swap3A_128, %swap3A_129] : memref<12x128x96xf32, #tpu.memory_space<vmem>>, vector<1x128x96xf32>
    %swap3A_131 = vector.shape_cast %swap3A_130 : vector<1x128x96xf32> to vector<128x96xf32>
    %swap3A_132 = vector.shape_cast %concatenate3A_126 : vector<128x96xf32> to vector<1x128x96xf32>
    tpu.vector_store %arg9[%swap3A_127, %swap3A_128, %swap3A_129], %swap3A_132 {strides = array<i32>} : memref<12x128x96xf32, #tpu.memory_space<vmem>>, vector<1x128x96xf32>,
    %get3A_133 = arith.constant 3 : index
    %get3A_134 = arith.constant 0 : index
    %get3A_135 = arith.constant 0 : index
    %get3A_136 = vector.load %arg5[%get3A_133, %get3A_134, %get3A_135] : memref<12x32x32xf32, #tpu.memory_space<vmem>>, vector<1x32x32xf32>
    %get3A_137 = vector.shape_cast %get3A_136 : vector<1x32x32xf32> to vector<32x32xf32>
    %dot_general3A_138 = arith.constant dense<0.000000e+00> : vector<128x32xf32>
    %dot_general3A_139 = tpu.matmul %mul3A_22, %get3A_137, %dot_general3A_138 {dimension_numbers = #tpu.dot_dimension_numbers<[1], [0], [0], [1], [0, 0, 1, 1], [], []>, transpose_lhs_hint = false} : vector<128x32xf32>, vector<32x32xf32>, vector<128x32xf32> -> vector<128x32xf32>
    %swap3A_140 = arith.constant 3 : index
    %swap3A_141 = arith.constant 0 : index
    %swap3A_142 = arith.constant 0 : index
    %swap3A_143 = vector.load %arg10[%swap3A_140, %swap3A_141, %swap3A_142] : memref<12x128x32xf32, #tpu.memory_space<vmem>>, vector<1x128x32xf32>
    %swap3A_144 = vector.shape_cast %swap3A_143 : vector<1x128x32xf32> to vector<128x32xf32>
    %swap3A_145 = vector.shape_cast %dot_general3A_139 : vector<128x32xf32> to vector<1x128x32xf32>
    tpu.vector_store %arg10[%swap3A_140, %swap3A_141, %swap3A_142], %swap3A_145 {strides = array<i32>} : memref<12x128x32xf32, #tpu.memory_space<vmem>>, vector<1x128x32xf32>,
    %get3A_146 = arith.constant 4 : index
    %get3A_147 = arith.constant 0 : index
    %get3A_148 = arith.constant 0 : index
    %get3A_149 = vector.load %arg4[%get3A_146, %get3A_147, %get3A_148] : memref<12x32x32xf32, #tpu.memory_space<vmem>>, vector<1x32x32xf32>
    %get3A_150 = vector.shape_cast %get3A_149 : vector<1x32x32xf32> to vector<32x32xf32>
    %dot_general3A_151 = arith.constant dense<0.000000e+00> : vector<128x32xf32>
    %dot_general3A_152 = tpu.matmul %mul3A_22, %get3A_150, %dot_general3A_151 {dimension_numbers = #tpu.dot_dimension_numbers<[1], [0], [0], [1], [0, 0, 1, 1], [], []>, transpose_lhs_hint = false} : vector<128x32xf32>, vector<32x32xf32>, vector<128x32xf32> -> vector<128x32xf32>
    %concatenate3A_153 = tpu.concatenate %dot_general3A_152, %sub3A, %add3A_39 in 1 : vector<128x32xf32>, vector<128x32xf32>, vector<128x32xf32> -> vector<128x96xf32>
    %swap3A_154 = arith.constant 4 : index
    %swap3A_155 = arith.constant 0 : index
    %swap3A_156 = arith.constant 0 : index
    %swap3A_157 = vector.load %arg9[%swap3A_154, %swap3A_155, %swap3A_156] : memref<12x128x96xf32, #tpu.memory_space<vmem>>, vector<1x128x96xf32>
    %swap3A_158 = vector.shape_cast %swap3A_157 : vector<1x128x96xf32> to vector<128x96xf32>
    %swap3A_159 = vector.shape_cast %concatenate3A_153 : vector<128x96xf32> to vector<1x128x96xf32>
    tpu.vector_store %arg9[%swap3A_154, %swap3A_155, %swap3A_156], %swap3A_159 {strides = array<i32>} : memref<12x128x96xf32, #tpu.memory_space<vmem>>, vector<1x128x96xf32>,
    %get3A_160 = arith.constant 4 : index
    %get3A_161 = arith.constant 0 : index
    %get3A_162 = arith.constant 0 : index
    %get3A_163 = vector.load %arg5[%get3A_160, %get3A_161, %get3A_162] : memref<12x32x32xf32, #tpu.memory_space<vmem>>, vector<1x32x32xf32>
    %get3A_164 = vector.shape_cast %get3A_163 : vector<1x32x32xf32> to vector<32x32xf32>
    %dot_general3A_165 = arith.constant dense<0.000000e+00> : vector<128x32xf32>
    %dot_general3A_166 = tpu.matmul %mul3A_22, %get3A_164, %dot_general3A_165 {dimension_numbers = #tpu.dot_dimension_numbers<[1], [0], [0], [1], [0, 0, 1, 1], [], []>, transpose_lhs_hint = false} : vector<128x32xf32>, vector<32x32xf32>, vector<128x32xf32> -> vector<128x32xf32>
    %swap3A_167 = arith.constant 4 : index
    %swap3A_168 = arith.constant 0 : index
    %swap3A_169 = arith.constant 0 : index
    %swap3A_170 = vector.load %arg10[%swap3A_167, %swap3A_168, %swap3A_169] : memref<12x128x32xf32, #tpu.memory_space<vmem>>, vector<1x128x32xf32>
    %swap3A_171 = vector.shape_cast %swap3A_170 : vector<1x128x32xf32> to vector<128x32xf32>
    %swap3A_172 = vector.shape_cast %dot_general3A_166 : vector<128x32xf32> to vector<1x128x32xf32>
    tpu.vector_store %arg10[%swap3A_167, %swap3A_168, %swap3A_169], %swap3A_172 {strides = array<i32>} : memref<12x128x32xf32, #tpu.memory_space<vmem>>, vector<1x128x32xf32>,
    %get3A_173 = arith.constant 5 : index
    %get3A_174 = arith.constant 0 : index
    %get3A_175 = arith.constant 0 : index
    %get3A_176 = vector.load %arg4[%get3A_173, %get3A_174, %get3A_175] : memref<12x32x32xf32, #tpu.memory_space<vmem>>, vector<1x32x32xf32>
    %get3A_177 = vector.shape_cast %get3A_176 : vector<1x32x32xf32> to vector<32x32xf32>
    %dot_general3A_178 = arith.constant dense<0.000000e+00> : vector<128x32xf32>
    %dot_general3A_179 = tpu.matmul %mul3A_22, %get3A_177, %dot_general3A_178 {dimension_numbers = #tpu.dot_dimension_numbers<[1], [0], [0], [1], [0, 0, 1, 1], [], []>, transpose_lhs_hint = false} : vector<128x32xf32>, vector<32x32xf32>, vector<128x32xf32> -> vector<128x32xf32>
    %concatenate3A_180 = tpu.concatenate %dot_general3A_179, %sub3A, %add3A_39 in 1 : vector<128x32xf32>, vector<128x32xf32>, vector<128x32xf32> -> vector<128x96xf32>
    %swap3A_181 = arith.constant 5 : index
    %swap3A_182 = arith.constant 0 : index
    %swap3A_183 = arith.constant 0 : index
    %swap3A_184 = vector.load %arg9[%swap3A_181, %swap3A_182, %swap3A_183] : memref<12x128x96xf32, #tpu.memory_space<vmem>>, vector<1x128x96xf32>
    %swap3A_185 = vector.shape_cast %swap3A_184 : vector<1x128x96xf32> to vector<128x96xf32>
    %swap3A_186 = vector.shape_cast %concatenate3A_180 : vector<128x96xf32> to vector<1x128x96xf32>
    tpu.vector_store %arg9[%swap3A_181, %swap3A_182, %swap3A_183], %swap3A_186 {strides = array<i32>} : memref<12x128x96xf32, #tpu.memory_space<vmem>>, vector<1x128x96xf32>,
    %get3A_187 = arith.constant 5 : index
    %get3A_188 = arith.constant 0 : index
    %get3A_189 = arith.constant 0 : index
    %get3A_190 = vector.load %arg5[%get3A_187, %get3A_188, %get3A_189] : memref<12x32x32xf32, #tpu.memory_space<vmem>>, vector<1x32x32xf32>
    %get3A_191 = vector.shape_cast %get3A_190 : vector<1x32x32xf32> to vector<32x32xf32>
    %dot_general3A_192 = arith.constant dense<0.000000e+00> : vector<128x32xf32>
    %dot_general3A_193 = tpu.matmul %mul3A_22, %get3A_191, %dot_general3A_192 {dimension_numbers = #tpu.dot_dimension_numbers<[1], [0], [0], [1], [0, 0, 1, 1], [], []>, transpose_lhs_hint = false} : vector<128x32xf32>, vector<32x32xf32>, vector<128x32xf32> -> vector<128x32xf32>
    %swap3A_194 = arith.constant 5 : index
    %swap3A_195 = arith.constant 0 : index
    %swap3A_196 = arith.constant 0 : index
    %swap3A_197 = vector.load %arg10[%swap3A_194, %swap3A_195, %swap3A_196] : memref<12x128x32xf32, #tpu.memory_space<vmem>>, vector<1x128x32xf32>
    %swap3A_198 = vector.shape_cast %swap3A_197 : vector<1x128x32xf32> to vector<128x32xf32>
    %swap3A_199 = vector.shape_cast %dot_general3A_193 : vector<128x32xf32> to vector<1x128x32xf32>
    tpu.vector_store %arg10[%swap3A_194, %swap3A_195, %swap3A_196], %swap3A_199 {strides = array<i32>} : memref<12x128x32xf32, #tpu.memory_space<vmem>>, vector<1x128x32xf32>,
    %get3A_200 = arith.constant 6 : index
    %get3A_201 = arith.constant 0 : index
    %get3A_202 = arith.constant 0 : index
    %get3A_203 = vector.load %arg4[%get3A_200, %get3A_201, %get3A_202] : memref<12x32x32xf32, #tpu.memory_space<vmem>>, vector<1x32x32xf32>
    %get3A_204 = vector.shape_cast %get3A_203 : vector<1x32x32xf32> to vector<32x32xf32>
    %dot_general3A_205 = arith.constant dense<0.000000e+00> : vector<128x32xf32>
    %dot_general3A_206 = tpu.matmul %mul3A_22, %get3A_204, %dot_general3A_205 {dimension_numbers = #tpu.dot_dimension_numbers<[1], [0], [0], [1], [0, 0, 1, 1], [], []>, transpose_lhs_hint = false} : vector<128x32xf32>, vector<32x32xf32>, vector<128x32xf32> -> vector<128x32xf32>
    %concatenate3A_207 = tpu.concatenate %dot_general3A_206, %sub3A, %add3A_39 in 1 : vector<128x32xf32>, vector<128x32xf32>, vector<128x32xf32> -> vector<128x96xf32>
    %swap3A_208 = arith.constant 6 : index
    %swap3A_209 = arith.constant 0 : index
    %swap3A_210 = arith.constant 0 : index
    %swap3A_211 = vector.load %arg9[%swap3A_208, %swap3A_209, %swap3A_210] : memref<12x128x96xf32, #tpu.memory_space<vmem>>, vector<1x128x96xf32>
    %swap3A_212 = vector.shape_cast %swap3A_211 : vector<1x128x96xf32> to vector<128x96xf32>
    %swap3A_213 = vector.shape_cast %concatenate3A_207 : vector<128x96xf32> to vector<1x128x96xf32>
    tpu.vector_store %arg9[%swap3A_208, %swap3A_209, %swap3A_210], %swap3A_213 {strides = array<i32>} : memref<12x128x96xf32, #tpu.memory_space<vmem>>, vector<1x128x96xf32>,
    %get3A_214 = arith.constant 6 : index
    %get3A_215 = arith.constant 0 : index
    %get3A_216 = arith.constant 0 : index
    %get3A_217 = vector.load %arg5[%get3A_214, %get3A_215, %get3A_216] : memref<12x32x32xf32, #tpu.memory_space<vmem>>, vector<1x32x32xf32>
    %get3A_218 = vector.shape_cast %get3A_217 : vector<1x32x32xf32> to vector<32x32xf32>
    %dot_general3A_219 = arith.constant dense<0.000000e+00> : vector<128x32xf32>
    %dot_general3A_220 = tpu.matmul %mul3A_22, %get3A_218, %dot_general3A_219 {dimension_numbers = #tpu.dot_dimension_numbers<[1], [0], [0], [1], [0, 0, 1, 1], [], []>, transpose_lhs_hint = false} : vector<128x32xf32>, vector<32x32xf32>, vector<128x32xf32> -> vector<128x32xf32>
    %swap3A_221 = arith.constant 6 : index
    %swap3A_222 = arith.constant 0 : index
    %swap3A_223 = arith.constant 0 : index
    %swap3A_224 = vector.load %arg10[%swap3A_221, %swap3A_222, %swap3A_223] : memref<12x128x32xf32, #tpu.memory_space<vmem>>, vector<1x128x32xf32>
    %swap3A_225 = vector.shape_cast %swap3A_224 : vector<1x128x32xf32> to vector<128x32xf32>
    %swap3A_226 = vector.shape_cast %dot_general3A_220 : vector<128x32xf32> to vector<1x128x32xf32>
    tpu.vector_store %arg10[%swap3A_221, %swap3A_222, %swap3A_223], %swap3A_226 {strides = array<i32>} : memref<12x128x32xf32, #tpu.memory_space<vmem>>, vector<1x128x32xf32>,
    %get3A_227 = arith.constant 7 : index
    %get3A_228 = arith.constant 0 : index
    %get3A_229 = arith.constant 0 : index
    %get3A_230 = vector.load %arg4[%get3A_227, %get3A_228, %get3A_229] : memref<12x32x32xf32, #tpu.memory_space<vmem>>, vector<1x32x32xf32>
    %get3A_231 = vector.shape_cast %get3A_230 : vector<1x32x32xf32> to vector<32x32xf32>
    %dot_general3A_232 = arith.constant dense<0.000000e+00> : vector<128x32xf32>
    %dot_general3A_233 = tpu.matmul %mul3A_22, %get3A_231, %dot_general3A_232 {dimension_numbers = #tpu.dot_dimension_numbers<[1], [0], [0], [1], [0, 0, 1, 1], [], []>, transpose_lhs_hint = false} : vector<128x32xf32>, vector<32x32xf32>, vector<128x32xf32> -> vector<128x32xf32>
    %concatenate3A_234 = tpu.concatenate %dot_general3A_233, %sub3A, %add3A_39 in 1 : vector<128x32xf32>, vector<128x32xf32>, vector<128x32xf32> -> vector<128x96xf32>
    %swap3A_235 = arith.constant 7 : index
    %swap3A_236 = arith.constant 0 : index
    %swap3A_237 = arith.constant 0 : index
    %swap3A_238 = vector.load %arg9[%swap3A_235, %swap3A_236, %swap3A_237] : memref<12x128x96xf32, #tpu.memory_space<vmem>>, vector<1x128x96xf32>
    %swap3A_239 = vector.shape_cast %swap3A_238 : vector<1x128x96xf32> to vector<128x96xf32>
    %swap3A_240 = vector.shape_cast %concatenate3A_234 : vector<128x96xf32> to vector<1x128x96xf32>
    tpu.vector_store %arg9[%swap3A_235, %swap3A_236, %swap3A_237], %swap3A_240 {strides = array<i32>} : memref<12x128x96xf32, #tpu.memory_space<vmem>>, vector<1x128x96xf32>,
    %get3A_241 = arith.constant 7 : index
    %get3A_242 = arith.constant 0 : index
    %get3A_243 = arith.constant 0 : index
    %get3A_244 = vector.load %arg5[%get3A_241, %get3A_242, %get3A_243] : memref<12x32x32xf32, #tpu.memory_space<vmem>>, vector<1x32x32xf32>
    %get3A_245 = vector.shape_cast %get3A_244 : vector<1x32x32xf32> to vector<32x32xf32>
    %dot_general3A_246 = arith.constant dense<0.000000e+00> : vector<128x32xf32>
    %dot_general3A_247 = tpu.matmul %mul3A_22, %get3A_245, %dot_general3A_246 {dimension_numbers = #tpu.dot_dimension_numbers<[1], [0], [0], [1], [0, 0, 1, 1], [], []>, transpose_lhs_hint = false} : vector<128x32xf32>, vector<32x32xf32>, vector<128x32xf32> -> vector<128x32xf32>
    %swap3A_248 = arith.constant 7 : index
    %swap3A_249 = arith.constant 0 : index
    %swap3A_250 = arith.constant 0 : index
    %swap3A_251 = vector.load %arg10[%swap3A_248, %swap3A_249, %swap3A_250] : memref<12x128x32xf32, #tpu.memory_space<vmem>>, vector<1x128x32xf32>
    %swap3A_252 = vector.shape_cast %swap3A_251 : vector<1x128x32xf32> to vector<128x32xf32>
    %swap3A_253 = vector.shape_cast %dot_general3A_247 : vector<128x32xf32> to vector<1x128x32xf32>
    tpu.vector_store %arg10[%swap3A_248, %swap3A_249, %swap3A_250], %swap3A_253 {strides = array<i32>} : memref<12x128x32xf32, #tpu.memory_space<vmem>>, vector<1x128x32xf32>,
    %get3A_254 = arith.constant 8 : index
    %get3A_255 = arith.constant 0 : index
    %get3A_256 = arith.constant 0 : index
    %get3A_257 = vector.load %arg4[%get3A_254, %get3A_255, %get3A_256] : memref<12x32x32xf32, #tpu.memory_space<vmem>>, vector<1x32x32xf32>
    %get3A_258 = vector.shape_cast %get3A_257 : vector<1x32x32xf32> to vector<32x32xf32>
    %dot_general3A_259 = arith.constant dense<0.000000e+00> : vector<128x32xf32>
    %dot_general3A_260 = tpu.matmul %mul3A_22, %get3A_258, %dot_general3A_259 {dimension_numbers = #tpu.dot_dimension_numbers<[1], [0], [0], [1], [0, 0, 1, 1], [], []>, transpose_lhs_hint = false} : vector<128x32xf32>, vector<32x32xf32>, vector<128x32xf32> -> vector<128x32xf32>
    %concatenate3A_261 = tpu.concatenate %dot_general3A_260, %sub3A, %add3A_39 in 1 : vector<128x32xf32>, vector<128x32xf32>, vector<128x32xf32> -> vector<128x96xf32>
    %swap3A_262 = arith.constant 8 : index
    %swap3A_263 = arith.constant 0 : index
    %swap3A_264 = arith.constant 0 : index
    %swap3A_265 = vector.load %arg9[%swap3A_262, %swap3A_263, %swap3A_264] : memref<12x128x96xf32, #tpu.memory_space<vmem>>, vector<1x128x96xf32>
    %swap3A_266 = vector.shape_cast %swap3A_265 : vector<1x128x96xf32> to vector<128x96xf32>
    %swap3A_267 = vector.shape_cast %concatenate3A_261 : vector<128x96xf32> to vector<1x128x96xf32>
    tpu.vector_store %arg9[%swap3A_262, %swap3A_263, %swap3A_264], %swap3A_267 {strides = array<i32>} : memref<12x128x96xf32, #tpu.memory_space<vmem>>, vector<1x128x96xf32>,
    %get3A_268 = arith.constant 8 : index
    %get3A_269 = arith.constant 0 : index
    %get3A_270 = arith.constant 0 : index
    %get3A_271 = vector.load %arg5[%get3A_268, %get3A_269, %get3A_270] : memref<12x32x32xf32, #tpu.memory_space<vmem>>, vector<1x32x32xf32>
    %get3A_272 = vector.shape_cast %get3A_271 : vector<1x32x32xf32> to vector<32x32xf32>
    %dot_general3A_273 = arith.constant dense<0.000000e+00> : vector<128x32xf32>
    %dot_general3A_274 = tpu.matmul %mul3A_22, %get3A_272, %dot_general3A_273 {dimension_numbers = #tpu.dot_dimension_numbers<[1], [0], [0], [1], [0, 0, 1, 1], [], []>, transpose_lhs_hint = false} : vector<128x32xf32>, vector<32x32xf32>, vector<128x32xf32> -> vector<128x32xf32>
    %swap3A_275 = arith.constant 8 : index
    %swap3A_276 = arith.constant 0 : index
    %swap3A_277 = arith.constant 0 : index
    %swap3A_278 = vector.load %arg10[%swap3A_275, %swap3A_276, %swap3A_277] : memref<12x128x32xf32, #tpu.memory_space<vmem>>, vector<1x128x32xf32>
    %swap3A_279 = vector.shape_cast %swap3A_278 : vector<1x128x32xf32> to vector<128x32xf32>
    %swap3A_280 = vector.shape_cast %dot_general3A_274 : vector<128x32xf32> to vector<1x128x32xf32>
    tpu.vector_store %arg10[%swap3A_275, %swap3A_276, %swap3A_277], %swap3A_280 {strides = array<i32>} : memref<12x128x32xf32, #tpu.memory_space<vmem>>, vector<1x128x32xf32>,
    %get3A_281 = arith.constant 9 : index
    %get3A_282 = arith.constant 0 : index
    %get3A_283 = arith.constant 0 : index
    %get3A_284 = vector.load %arg4[%get3A_281, %get3A_282, %get3A_283] : memref<12x32x32xf32, #tpu.memory_space<vmem>>, vector<1x32x32xf32>
    %get3A_285 = vector.shape_cast %get3A_284 : vector<1x32x32xf32> to vector<32x32xf32>
    %dot_general3A_286 = arith.constant dense<0.000000e+00> : vector<128x32xf32>
    %dot_general3A_287 = tpu.matmul %mul3A_22, %get3A_285, %dot_general3A_286 {dimension_numbers = #tpu.dot_dimension_numbers<[1], [0], [0], [1], [0, 0, 1, 1], [], []>, transpose_lhs_hint = false} : vector<128x32xf32>, vector<32x32xf32>, vector<128x32xf32> -> vector<128x32xf32>
    %concatenate3A_288 = tpu.concatenate %dot_general3A_287, %sub3A, %add3A_39 in 1 : vector<128x32xf32>, vector<128x32xf32>, vector<128x32xf32> -> vector<128x96xf32>
    %swap3A_289 = arith.constant 9 : index
    %swap3A_290 = arith.constant 0 : index
    %swap3A_291 = arith.constant 0 : index
    %swap3A_292 = vector.load %arg9[%swap3A_289, %swap3A_290, %swap3A_291] : memref<12x128x96xf32, #tpu.memory_space<vmem>>, vector<1x128x96xf32>
    %swap3A_293 = vector.shape_cast %swap3A_292 : vector<1x128x96xf32> to vector<128x96xf32>
    %swap3A_294 = vector.shape_cast %concatenate3A_288 : vector<128x96xf32> to vector<1x128x96xf32>
    tpu.vector_store %arg9[%swap3A_289, %swap3A_290, %swap3A_291], %swap3A_294 {strides = array<i32>} : memref<12x128x96xf32, #tpu.memory_space<vmem>>, vector<1x128x96xf32>,
    %get3A_295 = arith.constant 9 : index
    %get3A_296 = arith.constant 0 : index
    %get3A_297 = arith.constant 0 : index
    %get3A_298 = vector.load %arg5[%get3A_295, %get3A_296, %get3A_297] : memref<12x32x32xf32, #tpu.memory_space<vmem>>, vector<1x32x32xf32>
    %get3A_299 = vector.shape_cast %get3A_298 : vector<1x32x32xf32> to vector<32x32xf32>
    %dot_general3A_300 = arith.constant dense<0.000000e+00> : vector<128x32xf32>
    %dot_general3A_301 = tpu.matmul %mul3A_22, %get3A_299, %dot_general3A_300 {dimension_numbers = #tpu.dot_dimension_numbers<[1], [0], [0], [1], [0, 0, 1, 1], [], []>, transpose_lhs_hint = false} : vector<128x32xf32>, vector<32x32xf32>, vector<128x32xf32> -> vector<128x32xf32>
    %swap3A_302 = arith.constant 9 : index
    %swap3A_303 = arith.constant 0 : index
    %swap3A_304 = arith.constant 0 : index
    %swap3A_305 = vector.load %arg10[%swap3A_302, %swap3A_303, %swap3A_304] : memref<12x128x32xf32, #tpu.memory_space<vmem>>, vector<1x128x32xf32>
    %swap3A_306 = vector.shape_cast %swap3A_305 : vector<1x128x32xf32> to vector<128x32xf32>
    %swap3A_307 = vector.shape_cast %dot_general3A_301 : vector<128x32xf32> to vector<1x128x32xf32>
    tpu.vector_store %arg10[%swap3A_302, %swap3A_303, %swap3A_304], %swap3A_307 {strides = array<i32>} : memref<12x128x32xf32, #tpu.memory_space<vmem>>, vector<1x128x32xf32>,
    %get3A_308 = arith.constant 10 : index
    %get3A_309 = arith.constant 0 : index
    %get3A_310 = arith.constant 0 : index
    %get3A_311 = vector.load %arg4[%get3A_308, %get3A_309, %get3A_310] : memref<12x32x32xf32, #tpu.memory_space<vmem>>, vector<1x32x32xf32>
    %get3A_312 = vector.shape_cast %get3A_311 : vector<1x32x32xf32> to vector<32x32xf32>
    %dot_general3A_313 = arith.constant dense<0.000000e+00> : vector<128x32xf32>
    %dot_general3A_314 = tpu.matmul %mul3A_22, %get3A_312, %dot_general3A_313 {dimension_numbers = #tpu.dot_dimension_numbers<[1], [0], [0], [1], [0, 0, 1, 1], [], []>, transpose_lhs_hint = false} : vector<128x32xf32>, vector<32x32xf32>, vector<128x32xf32> -> vector<128x32xf32>
    %concatenate3A_315 = tpu.concatenate %dot_general3A_314, %sub3A, %add3A_39 in 1 : vector<128x32xf32>, vector<128x32xf32>, vector<128x32xf32> -> vector<128x96xf32>
    %swap3A_316 = arith.constant 10 : index
    %swap3A_317 = arith.constant 0 : index
    %swap3A_318 = arith.constant 0 : index
    %swap3A_319 = vector.load %arg9[%swap3A_316, %swap3A_317, %swap3A_318] : memref<12x128x96xf32, #tpu.memory_space<vmem>>, vector<1x128x96xf32>
    %swap3A_320 = vector.shape_cast %swap3A_319 : vector<1x128x96xf32> to vector<128x96xf32>
    %swap3A_321 = vector.shape_cast %concatenate3A_315 : vector<128x96xf32> to vector<1x128x96xf32>
    tpu.vector_store %arg9[%swap3A_316, %swap3A_317, %swap3A_318], %swap3A_321 {strides = array<i32>} : memref<12x128x96xf32, #tpu.memory_space<vmem>>, vector<1x128x96xf32>,
    %get3A_322 = arith.constant 10 : index
    %get3A_323 = arith.constant 0 : index
    %get3A_324 = arith.constant 0 : index
    %get3A_325 = vector.load %arg5[%get3A_322, %get3A_323, %get3A_324] : memref<12x32x32xf32, #tpu.memory_space<vmem>>, vector<1x32x32xf32>
    %get3A_326 = vector.shape_cast %get3A_325 : vector<1x32x32xf32> to vector<32x32xf32>
    %dot_general3A_327 = arith.constant dense<0.000000e+00> : vector<128x32xf32>
    %dot_general3A_328 = tpu.matmul %mul3A_22, %get3A_326, %dot_general3A_327 {dimension_numbers = #tpu.dot_dimension_numbers<[1], [0], [0], [1], [0, 0, 1, 1], [], []>, transpose_lhs_hint = false} : vector<128x32xf32>, vector<32x32xf32>, vector<128x32xf32> -> vector<128x32xf32>
    %swap3A_329 = arith.constant 10 : index
    %swap3A_330 = arith.constant 0 : index
    %swap3A_331 = arith.constant 0 : index
    %swap3A_332 = vector.load %arg10[%swap3A_329, %swap3A_330, %swap3A_331] : memref<12x128x32xf32, #tpu.memory_space<vmem>>, vector<1x128x32xf32>
    %swap3A_333 = vector.shape_cast %swap3A_332 : vector<1x128x32xf32> to vector<128x32xf32>
    %swap3A_334 = vector.shape_cast %dot_general3A_328 : vector<128x32xf32> to vector<1x128x32xf32>
    tpu.vector_store %arg10[%swap3A_329, %swap3A_330, %swap3A_331], %swap3A_334 {strides = array<i32>} : memref<12x128x32xf32, #tpu.memory_space<vmem>>, vector<1x128x32xf32>,
    %get3A_335 = arith.constant 11 : index
    %get3A_336 = arith.constant 0 : index
    %get3A_337 = arith.constant 0 : index
    %get3A_338 = vector.load %arg4[%get3A_335, %get3A_336, %get3A_337] : memref<12x32x32xf32, #tpu.memory_space<vmem>>, vector<1x32x32xf32>
    %get3A_339 = vector.shape_cast %get3A_338 : vector<1x32x32xf32> to vector<32x32xf32>
    %dot_general3A_340 = arith.constant dense<0.000000e+00> : vector<128x32xf32>
    %dot_general3A_341 = tpu.matmul %mul3A_22, %get3A_339, %dot_general3A_340 {dimension_numbers = #tpu.dot_dimension_numbers<[1], [0], [0], [1], [0, 0, 1, 1], [], []>, transpose_lhs_hint = false} : vector<128x32xf32>, vector<32x32xf32>, vector<128x32xf32> -> vector<128x32xf32>
    %concatenate3A_342 = tpu.concatenate %dot_general3A_341, %sub3A, %add3A_39 in 1 : vector<128x32xf32>, vector<128x32xf32>, vector<128x32xf32> -> vector<128x96xf32>
    %swap3A_343 = arith.constant 11 : index
    %swap3A_344 = arith.constant 0 : index
    %swap3A_345 = arith.constant 0 : index
    %swap3A_346 = vector.load %arg9[%swap3A_343, %swap3A_344, %swap3A_345] : memref<12x128x96xf32, #tpu.memory_space<vmem>>, vector<1x128x96xf32>
    %swap3A_347 = vector.shape_cast %swap3A_346 : vector<1x128x96xf32> to vector<128x96xf32>
    %swap3A_348 = vector.shape_cast %concatenate3A_342 : vector<128x96xf32> to vector<1x128x96xf32>
    tpu.vector_store %arg9[%swap3A_343, %swap3A_344, %swap3A_345], %swap3A_348 {strides = array<i32>} : memref<12x128x96xf32, #tpu.memory_space<vmem>>, vector<1x128x96xf32>,
    %get3A_349 = arith.constant 11 : index
    %get3A_350 = arith.constant 0 : index
    %get3A_351 = arith.constant 0 : index
    %get3A_352 = vector.load %arg5[%get3A_349, %get3A_350, %get3A_351] : memref<12x32x32xf32, #tpu.memory_space<vmem>>, vector<1x32x32xf32>
    %get3A_353 = vector.shape_cast %get3A_352 : vector<1x32x32xf32> to vector<32x32xf32>
    %dot_general3A_354 = arith.constant dense<0.000000e+00> : vector<128x32xf32>
    %dot_general3A_355 = tpu.matmul %mul3A_22, %get3A_353, %dot_general3A_354 {dimension_numbers = #tpu.dot_dimension_numbers<[1], [0], [0], [1], [0, 0, 1, 1], [], []>, transpose_lhs_hint = false} : vector<128x32xf32>, vector<32x32xf32>, vector<128x32xf32> -> vector<128x32xf32>
    %swap3A_356 = arith.constant 11 : index
    %swap3A_357 = arith.constant 0 : index
    %swap3A_358 = arith.constant 0 : index
    %swap3A_359 = vector.load %arg10[%swap3A_356, %swap3A_357, %swap3A_358] : memref<12x128x32xf32, #tpu.memory_space<vmem>>, vector<1x128x32xf32>
    %swap3A_360 = vector.shape_cast %swap3A_359 : vector<1x128x32xf32> to vector<128x32xf32>
    %swap3A_361 = vector.shape_cast %dot_general3A_355 : vector<128x32xf32> to vector<1x128x32xf32>
    tpu.vector_store %arg10[%swap3A_356, %swap3A_357, %swap3A_358], %swap3A_361 {strides = array<i32>} : memref<12x128x32xf32, #tpu.memory_space<vmem>>, vector<1x128x32xf32>,
    return
  }
}

module attributes {stable_mosaic.version = 14 : i64} {
  func.func @_selproj_body(%arg0: memref<256x768xf32, #tpu.memory_space<vmem>>, %arg1: memref<768x1152xf32, #tpu.memory_space<vmem>>, %arg2: memref<768x384xf32, #tpu.memory_space<vmem>>, %arg3: memref<256x1152xbf16, #tpu.memory_space<vmem>>, %arg4: memref<256x384xbf16, #tpu.memory_space<vmem>>) attributes {dimension_semantics = [], scalar_prefetch = 0 : i64, scratch_operands = 0 : i64, tpu.core_type = #tpu.core_type<tc>} {
    %get3A = arith.constant 0 : index
    %get3A_0 = arith.constant 0 : index
    %get3A_1 = vector.load %arg0[%get3A, %get3A_0] : memref<256x768xf32, #tpu.memory_space<vmem>>, vector<256x768xf32>
    %convert_element_type3A = arith.truncf %get3A_1 : vector<256x768xf32> to vector<256x768xbf16>
    %get3A_2 = arith.constant 0 : index
    %get3A_3 = arith.constant 0 : index
    %get3A_4 = vector.load %arg1[%get3A_2, %get3A_3] : memref<768x1152xf32, #tpu.memory_space<vmem>>, vector<768x1152xf32>
    %convert_element_type3A_5 = arith.truncf %get3A_4 : vector<768x1152xf32> to vector<768x1152xbf16>
    %dot_general3A = arith.constant dense<0.000000e+00> : vector<256x1152xf32>
    %dot_general3A_6 = tpu.matmul %convert_element_type3A, %convert_element_type3A_5, %dot_general3A {dimension_numbers = #tpu.dot_dimension_numbers<[1], [0], [0], [1], [0, 0, 1, 1], [], []>, transpose_lhs_hint = false} : vector<256x768xbf16>, vector<768x1152xbf16>, vector<256x1152xf32> -> vector<256x1152xf32>
    %convert_element_type3A_7 = arith.truncf %dot_general3A_6 : vector<256x1152xf32> to vector<256x1152xbf16>
    %swap3A = arith.constant 0 : index
    %swap3A_8 = arith.constant 0 : index
    %swap3A_9 = vector.load %arg3[%swap3A, %swap3A_8] : memref<256x1152xbf16, #tpu.memory_space<vmem>>, vector<256x1152xbf16>
    tpu.vector_store %arg3[%swap3A, %swap3A_8], %convert_element_type3A_7 {strides = array<i32>} : memref<256x1152xbf16, #tpu.memory_space<vmem>>, vector<256x1152xbf16>,
    %get3A_10 = arith.constant 0 : index
    %get3A_11 = arith.constant 0 : index
    %get3A_12 = vector.load %arg2[%get3A_10, %get3A_11] : memref<768x384xf32, #tpu.memory_space<vmem>>, vector<768x384xf32>
    %convert_element_type3A_13 = arith.truncf %get3A_12 : vector<768x384xf32> to vector<768x384xbf16>
    %dot_general3A_14 = arith.constant dense<0.000000e+00> : vector<256x384xf32>
    %dot_general3A_15 = tpu.matmul %convert_element_type3A, %convert_element_type3A_13, %dot_general3A_14 {dimension_numbers = #tpu.dot_dimension_numbers<[1], [0], [0], [1], [0, 0, 1, 1], [], []>, transpose_lhs_hint = false} : vector<256x768xbf16>, vector<768x384xbf16>, vector<256x384xf32> -> vector<256x384xf32>
    %convert_element_type3A_16 = arith.truncf %dot_general3A_15 : vector<256x384xf32> to vector<256x384xbf16>
    %swap3A_17 = arith.constant 0 : index
    %swap3A_18 = arith.constant 0 : index
    %swap3A_19 = vector.load %arg4[%swap3A_17, %swap3A_18] : memref<256x384xbf16, #tpu.memory_space<vmem>>, vector<256x384xbf16>
    tpu.vector_store %arg4[%swap3A_17, %swap3A_18], %convert_element_type3A_16 {strides = array<i32>} : memref<256x384xbf16, #tpu.memory_space<vmem>>, vector<256x384xbf16>,
    return
  }
}

module attributes {stable_mosaic.version = 14 : i64} {
  func.func @_attn_body(%arg0: i32, %arg1: i32, %arg2: memref<1x1024x96xbf16, #tpu.memory_space<vmem>>, %arg3: memref<1x128x96xbf16, #tpu.memory_space<vmem>>, %arg4: memref<1x256x96xbf16, #tpu.memory_space<vmem>>, %arg5: memref<1x2048x96xbf16, #tpu.memory_space<vmem>>, %arg6: memref<1x128x160xbf16, #tpu.memory_space<vmem>>, %arg7: memref<1x256x160xbf16, #tpu.memory_space<vmem>>, %arg8: memref<1x2048x160xbf16, #tpu.memory_space<vmem>>, %arg9: memref<1x3xf32, #tpu.memory_space<vmem>>, %arg10: memref<1x1024x32xbf16, #tpu.memory_space<vmem>>) attributes {dimension_semantics = [#tpu.dimension_semantics<arbitrary>, #tpu.dimension_semantics<arbitrary>], iteration_bounds = array<i64: 12, 2>, scalar_prefetch = 0 : i64, scratch_operands = 0 : i64, tpu.core_type = #tpu.core_type<tc>, window_params = [{transform_indices = @transform_0, window_bounds = array<i64: 1, 1024, 96>}, {transform_indices = @transform_1, window_bounds = array<i64: 1, 128, 96>}, {transform_indices = @transform_2, window_bounds = array<i64: 1, 256, 96>}, {transform_indices = @transform_3, window_bounds = array<i64: 1, 2048, 96>}, {transform_indices = @transform_4, window_bounds = array<i64: 1, 128, 160>}, {transform_indices = @transform_5, window_bounds = array<i64: 1, 256, 160>}, {transform_indices = @transform_6, window_bounds = array<i64: 1, 2048, 160>}, {pipeline_mode = #tpu.pipeline_mode<synchronous>, transform_indices = @transform_7, window_bounds = array<i64: 1, 3>}, {transform_indices = @transform_8, window_bounds = array<i64: 1, 1024, 32>}]} {
    %get3A = arith.constant 0 : index
    %get3A_0 = arith.constant 0 : index
    %get3A_1 = vector.load %arg9[%get3A, %get3A_0] : memref<1x3xf32, #tpu.memory_space<vmem>>, vector<1x3xf32>
    %mul3A = arith.constant 4.8828125E-4 : f32
    %mul3A_2 = vector.broadcast %mul3A : f32 to vector<1x3xf32>
    %mul3A_3 = arith.mulf %get3A_1, %mul3A_2 : vector<1x3xf32>
    %reduce_max3A = vector.shape_cast %mul3A_3 : vector<1x3xf32> to vector<1x1x3xf32>
    %reduce_max3A_4 = arith.constant dense<0xFF800000> : vector<1xf32>
    %reduce_max3A_5 = vector.multi_reduction <maximumf>, %reduce_max3A, %reduce_max3A_4 [1, 2] : vector<1x1x3xf32> to vector<1xf32>
    %reduce_max3A_6 = vector.shape_cast %reduce_max3A_5 : vector<1xf32> to vector<1x1x1xf32>
    %reduce_max3A_7 = vector.extract %reduce_max3A_6[0, 0, 0] : f32 from vector<1x1x1xf32>
    %sub3A = vector.broadcast %reduce_max3A_7 : f32 to vector<1x3xf32>
    %sub3A_8 = arith.subf %mul3A_3, %sub3A : vector<1x3xf32>
    %exp3A = math.exp %sub3A_8 : vector<1x3xf32>
    %reduce_sum3A = vector.shape_cast %exp3A : vector<1x3xf32> to vector<1x1x3xf32>
    %reduce_sum3A_9 = arith.constant dense<0.000000e+00> : vector<1xf32>
    %reduce_sum3A_10 = vector.multi_reduction <add>, %reduce_sum3A, %reduce_sum3A_9 [1, 2] : vector<1x1x3xf32> to vector<1xf32>
    %reduce_sum3A_11 = vector.shape_cast %reduce_sum3A_10 : vector<1xf32> to vector<1x1x1xf32>
    %reduce_sum3A_12 = vector.extract %reduce_sum3A_11[0, 0, 0] : f32 from vector<1x1x1xf32>
    %div3A = vector.broadcast %reduce_sum3A_12 : f32 to vector<1x3xf32>
    %div3A_13 = arith.divf %exp3A, %div3A : vector<1x3xf32>
    %get3A_14 = arith.constant 0 : index
    %get3A_15 = arith.constant 0 : index
    %get3A_16 = arith.constant 0 : index
    %get3A_17 = vector.load %arg2[%get3A_14, %get3A_15, %get3A_16] : memref<1x1024x96xbf16, #tpu.memory_space<vmem>>, vector<1x1024x96xbf16>
    %get3A_18 = vector.shape_cast %get3A_17 : vector<1x1024x96xbf16> to vector<1024x96xbf16>
    %get3A_19 = arith.constant 0 : index
    %get3A_20 = arith.constant 0 : index
    %get3A_21 = arith.constant 0 : index
    %get3A_22 = vector.load %arg3[%get3A_19, %get3A_20, %get3A_21] : memref<1x128x96xbf16, #tpu.memory_space<vmem>>, vector<1x128x96xbf16>
    %get3A_23 = vector.shape_cast %get3A_22 : vector<1x128x96xbf16> to vector<128x96xbf16>
    %dot_general3A = arith.constant dense<0.000000e+00> : vector<1024x128xf32>
    %dot_general3A_24 = tpu.matmul %get3A_18, %get3A_23, %dot_general3A {dimension_numbers = #tpu.dot_dimension_numbers<[1], [1], [0], [0], [0, 0, 1, 0], [], []>, transpose_lhs_hint = false} : vector<1024x96xbf16>, vector<128x96xbf16>, vector<1024x128xf32> -> vector<1024x128xf32>
    %exp3A_25 = math.exp %dot_general3A_24 : vector<1024x128xf32>
    %convert_element_type3A = arith.truncf %exp3A_25 : vector<1024x128xf32> to vector<1024x128xbf16>
    %get3A_26 = arith.constant 0 : index
    %get3A_27 = arith.constant 0 : index
    %get3A_28 = arith.constant 0 : index
    %get3A_29 = vector.load %arg4[%get3A_26, %get3A_27, %get3A_28] : memref<1x256x96xbf16, #tpu.memory_space<vmem>>, vector<1x256x96xbf16>
    %get3A_30 = vector.shape_cast %get3A_29 : vector<1x256x96xbf16> to vector<256x96xbf16>
    %dot_general3A_31 = arith.constant dense<0.000000e+00> : vector<1024x256xf32>
    %dot_general3A_32 = tpu.matmul %get3A_18, %get3A_30, %dot_general3A_31 {dimension_numbers = #tpu.dot_dimension_numbers<[1], [1], [0], [0], [0, 0, 1, 0], [], []>, transpose_lhs_hint = false} : vector<1024x96xbf16>, vector<256x96xbf16>, vector<1024x256xf32> -> vector<1024x256xf32>
    %exp3A_33 = math.exp %dot_general3A_32 : vector<1024x256xf32>
    %convert_element_type3A_34 = arith.truncf %exp3A_33 : vector<1024x256xf32> to vector<1024x256xbf16>
    %get3A_35 = arith.constant 0 : index
    %get3A_36 = arith.constant 0 : index
    %get3A_37 = arith.constant 0 : index
    %get3A_38 = vector.load %arg5[%get3A_35, %get3A_36, %get3A_37] : memref<1x2048x96xbf16, #tpu.memory_space<vmem>>, vector<1x2048x96xbf16>
    %get3A_39 = vector.shape_cast %get3A_38 : vector<1x2048x96xbf16> to vector<2048x96xbf16>
    %dot_general3A_40 = arith.constant dense<0.000000e+00> : vector<1024x2048xf32>
    %dot_general3A_41 = tpu.matmul %get3A_18, %get3A_39, %dot_general3A_40 {dimension_numbers = #tpu.dot_dimension_numbers<[1], [1], [0], [0], [0, 0, 1, 0], [], []>, transpose_lhs_hint = false} : vector<1024x96xbf16>, vector<2048x96xbf16>, vector<1024x2048xf32> -> vector<1024x2048xf32>
    %exp3A_42 = math.exp %dot_general3A_41 : vector<1024x2048xf32>
    %convert_element_type3A_43 = arith.truncf %exp3A_42 : vector<1024x2048xf32> to vector<1024x2048xbf16>
    %get3A_44 = arith.constant 0 : index
    %get3A_45 = arith.constant 0 : index
    %get3A_46 = arith.constant 0 : index
    %get3A_47 = vector.load %arg6[%get3A_44, %get3A_45, %get3A_46] : memref<1x128x160xbf16, #tpu.memory_space<vmem>>, vector<1x128x160xbf16>
    %get3A_48 = vector.shape_cast %get3A_47 : vector<1x128x160xbf16> to vector<128x160xbf16>
    %dot_general3A_49 = arith.constant dense<0.000000e+00> : vector<1024x160xf32>
    %dot_general3A_50 = tpu.matmul %convert_element_type3A, %get3A_48, %dot_general3A_49 {dimension_numbers = #tpu.dot_dimension_numbers<[1], [0], [0], [1], [0, 0, 1, 1], [], []>, transpose_lhs_hint = false} : vector<1024x128xbf16>, vector<128x160xbf16>, vector<1024x160xf32> -> vector<1024x160xf32>
    %get3A_51 = arith.constant 0 : index
    %get3A_52 = arith.constant 0 : index
    %get3A_53 = arith.constant 0 : index
    %get3A_54 = vector.load %arg7[%get3A_51, %get3A_52, %get3A_53] : memref<1x256x160xbf16, #tpu.memory_space<vmem>>, vector<1x256x160xbf16>
    %get3A_55 = vector.shape_cast %get3A_54 : vector<1x256x160xbf16> to vector<256x160xbf16>
    %dot_general3A_56 = arith.constant dense<0.000000e+00> : vector<1024x160xf32>
    %dot_general3A_57 = tpu.matmul %convert_element_type3A_34, %get3A_55, %dot_general3A_56 {dimension_numbers = #tpu.dot_dimension_numbers<[1], [0], [0], [1], [0, 0, 1, 1], [], []>, transpose_lhs_hint = false} : vector<1024x256xbf16>, vector<256x160xbf16>, vector<1024x160xf32> -> vector<1024x160xf32>
    %get3A_58 = arith.constant 0 : index
    %get3A_59 = arith.constant 0 : index
    %get3A_60 = arith.constant 0 : index
    %get3A_61 = vector.load %arg8[%get3A_58, %get3A_59, %get3A_60] : memref<1x2048x160xbf16, #tpu.memory_space<vmem>>, vector<1x2048x160xbf16>
    %get3A_62 = vector.shape_cast %get3A_61 : vector<1x2048x160xbf16> to vector<2048x160xbf16>
    %dot_general3A_63 = arith.constant dense<0.000000e+00> : vector<1024x160xf32>
    %dot_general3A_64 = tpu.matmul %convert_element_type3A_43, %get3A_62, %dot_general3A_63 {dimension_numbers = #tpu.dot_dimension_numbers<[1], [0], [0], [1], [0, 0, 1, 1], [], []>, transpose_lhs_hint = false} : vector<1024x2048xbf16>, vector<2048x160xbf16>, vector<1024x160xf32> -> vector<1024x160xf32>
    %slice3A = vector.extract_strided_slice %dot_general3A_50 {offsets = [0, 0], sizes = [1024, 32], strides = [1, 1]} : vector<1024x160xf32> to vector<1024x32xf32>
    %slice3A_65 = vector.extract_strided_slice %div3A_13 {offsets = [0, 0], sizes = [1, 1], strides = [1, 1]} : vector<1x3xf32> to vector<1x1xf32>
    %slice3A_66 = vector.extract_strided_slice %dot_general3A_50 {offsets = [0, 128], sizes = [1024, 1], strides = [1, 1]} : vector<1024x160xf32> to vector<1024x1xf32>
    %div3A_67 = vector.broadcast %slice3A_65 : vector<1x1xf32> to vector<1024x1xf32>
    %div3A_68 = arith.divf %div3A_67, %slice3A_66 : vector<1024x1xf32>
    %mul3A_69 = vector.broadcast %div3A_68 : vector<1024x1xf32> to vector<1024x32xf32>
    %mul3A_70 = arith.mulf %slice3A, %mul3A_69 : vector<1024x32xf32>
    %slice3A_71 = vector.extract_strided_slice %dot_general3A_57 {offsets = [0, 0], sizes = [1024, 32], strides = [1, 1]} : vector<1024x160xf32> to vector<1024x32xf32>
    %slice3A_72 = vector.extract_strided_slice %div3A_13 {offsets = [0, 1], sizes = [1, 1], strides = [1, 1]} : vector<1x3xf32> to vector<1x1xf32>
    %slice3A_73 = vector.extract_strided_slice %dot_general3A_57 {offsets = [0, 128], sizes = [1024, 1], strides = [1, 1]} : vector<1024x160xf32> to vector<1024x1xf32>
    %div3A_74 = vector.broadcast %slice3A_72 : vector<1x1xf32> to vector<1024x1xf32>
    %div3A_75 = arith.divf %div3A_74, %slice3A_73 : vector<1024x1xf32>
    %mul3A_76 = vector.broadcast %div3A_75 : vector<1024x1xf32> to vector<1024x32xf32>
    %mul3A_77 = arith.mulf %slice3A_71, %mul3A_76 : vector<1024x32xf32>
    %add3A = arith.addf %mul3A_70, %mul3A_77 : vector<1024x32xf32>
    %slice3A_78 = vector.extract_strided_slice %dot_general3A_64 {offsets = [0, 0], sizes = [1024, 32], strides = [1, 1]} : vector<1024x160xf32> to vector<1024x32xf32>
    %slice3A_79 = vector.extract_strided_slice %div3A_13 {offsets = [0, 2], sizes = [1, 1], strides = [1, 1]} : vector<1x3xf32> to vector<1x1xf32>
    %slice3A_80 = vector.extract_strided_slice %dot_general3A_64 {offsets = [0, 128], sizes = [1024, 1], strides = [1, 1]} : vector<1024x160xf32> to vector<1024x1xf32>
    %div3A_81 = vector.broadcast %slice3A_79 : vector<1x1xf32> to vector<1024x1xf32>
    %div3A_82 = arith.divf %div3A_81, %slice3A_80 : vector<1024x1xf32>
    %mul3A_83 = vector.broadcast %div3A_82 : vector<1024x1xf32> to vector<1024x32xf32>
    %mul3A_84 = arith.mulf %slice3A_78, %mul3A_83 : vector<1024x32xf32>
    %add3A_85 = arith.addf %add3A, %mul3A_84 : vector<1024x32xf32>
    %convert_element_type3A_86 = arith.truncf %add3A_85 : vector<1024x32xf32> to vector<1024x32xbf16>
    %swap3A = arith.constant 0 : index
    %swap3A_87 = arith.constant 0 : index
    %swap3A_88 = arith.constant 0 : index
    %swap3A_89 = vector.load %arg10[%swap3A, %swap3A_87, %swap3A_88] : memref<1x1024x32xbf16, #tpu.memory_space<vmem>>, vector<1x1024x32xbf16>
    %swap3A_90 = vector.shape_cast %swap3A_89 : vector<1x1024x32xbf16> to vector<1024x32xbf16>
    %swap3A_91 = vector.shape_cast %convert_element_type3A_86 : vector<1024x32xbf16> to vector<1x1024x32xbf16>
    tpu.vector_store %arg10[%swap3A, %swap3A_87, %swap3A_88], %swap3A_91 {strides = array<i32>} : memref<1x1024x32xbf16, #tpu.memory_space<vmem>>, vector<1x1024x32xbf16>,
    return
  }
  func.func @transform_0(%arg0: i32, %arg1: i32) -> (i32, i32, i32) {
    %c0_i32 = arith.constant 0 : i32
    %c0_i32_0 = arith.constant 0 : i32
    return %arg0, %arg1, %c0_i32 : i32, i32, i32
  }
  func.func @transform_1(%arg0: i32, %arg1: i32) -> (i32, i32, i32) {
    %c0_i32 = arith.constant 0 : i32
    %c0_i32_0 = arith.constant 0 : i32
    %c0_i32_1 = arith.constant 0 : i32
    return %arg0, %c0_i32, %c0_i32_0 : i32, i32, i32
  }
  func.func @transform_2(%arg0: i32, %arg1: i32) -> (i32, i32, i32) {
    %c0_i32 = arith.constant 0 : i32
    %c0_i32_0 = arith.constant 0 : i32
    %c0_i32_1 = arith.constant 0 : i32
    return %arg0, %c0_i32, %c0_i32_0 : i32, i32, i32
  }
  func.func @transform_3(%arg0: i32, %arg1: i32) -> (i32, i32, i32) {
    %c0_i32 = arith.constant 0 : i32
    %c0_i32_0 = arith.constant 0 : i32
    %c0_i32_1 = arith.constant 0 : i32
    return %arg0, %c0_i32, %c0_i32_0 : i32, i32, i32
  }
  func.func @transform_4(%arg0: i32, %arg1: i32) -> (i32, i32, i32) {
    %c0_i32 = arith.constant 0 : i32
    %c0_i32_0 = arith.constant 0 : i32
    %c0_i32_1 = arith.constant 0 : i32
    return %arg0, %c0_i32, %c0_i32_0 : i32, i32, i32
  }
  func.func @transform_5(%arg0: i32, %arg1: i32) -> (i32, i32, i32) {
    %c0_i32 = arith.constant 0 : i32
    %c0_i32_0 = arith.constant 0 : i32
    %c0_i32_1 = arith.constant 0 : i32
    return %arg0, %c0_i32, %c0_i32_0 : i32, i32, i32
  }
  func.func @transform_6(%arg0: i32, %arg1: i32) -> (i32, i32, i32) {
    %c0_i32 = arith.constant 0 : i32
    %c0_i32_0 = arith.constant 0 : i32
    %c0_i32_1 = arith.constant 0 : i32
    return %arg0, %c0_i32, %c0_i32_0 : i32, i32, i32
  }
  func.func @transform_7(%arg0: i32, %arg1: i32) -> (i32, i32) {
    %c0_i32 = arith.constant 0 : i32
    %c0_i32_0 = arith.constant 0 : i32
    %c0_i32_1 = arith.constant 0 : i32
    return %c0_i32, %c0_i32_0 : i32, i32
  }
  func.func @transform_8(%arg0: i32, %arg1: i32) -> (i32, i32, i32) {
    %c0_i32 = arith.constant 0 : i32
    %c0_i32_0 = arith.constant 0 : i32
    return %arg0, %arg1, %c0_i32 : i32, i32, i32
  }
}

module attributes {stable_mosaic.version = 14 : i64} {
  func.func @_outproj_body(%arg0: memref<12x2048x32xbf16, #tpu.memory_space<vmem>>, %arg1: memref<384x768xf32, #tpu.memory_space<vmem>>, %arg2: memref<2048x768xf32, #tpu.memory_space<vmem>>) attributes {dimension_semantics = [], scalar_prefetch = 0 : i64, scratch_operands = 0 : i64, tpu.core_type = #tpu.core_type<tc>} {
    %get3A = arith.constant 0 : index
    %get3A_0 = arith.constant 0 : index
    %get3A_1 = arith.constant 0 : index
    %get3A_2 = vector.load %arg0[%get3A, %get3A_0, %get3A_1] : memref<12x2048x32xbf16, #tpu.memory_space<vmem>>, vector<1x2048x32xbf16>
    %get3A_3 = vector.shape_cast %get3A_2 : vector<1x2048x32xbf16> to vector<2048x32xbf16>
    %get3A_4 = arith.constant 1 : index
    %get3A_5 = arith.constant 0 : index
    %get3A_6 = arith.constant 0 : index
    %get3A_7 = vector.load %arg0[%get3A_4, %get3A_5, %get3A_6] : memref<12x2048x32xbf16, #tpu.memory_space<vmem>>, vector<1x2048x32xbf16>
    %get3A_8 = vector.shape_cast %get3A_7 : vector<1x2048x32xbf16> to vector<2048x32xbf16>
    %get3A_9 = arith.constant 2 : index
    %get3A_10 = arith.constant 0 : index
    %get3A_11 = arith.constant 0 : index
    %get3A_12 = vector.load %arg0[%get3A_9, %get3A_10, %get3A_11] : memref<12x2048x32xbf16, #tpu.memory_space<vmem>>, vector<1x2048x32xbf16>
    %get3A_13 = vector.shape_cast %get3A_12 : vector<1x2048x32xbf16> to vector<2048x32xbf16>
    %get3A_14 = arith.constant 3 : index
    %get3A_15 = arith.constant 0 : index
    %get3A_16 = arith.constant 0 : index
    %get3A_17 = vector.load %arg0[%get3A_14, %get3A_15, %get3A_16] : memref<12x2048x32xbf16, #tpu.memory_space<vmem>>, vector<1x2048x32xbf16>
    %get3A_18 = vector.shape_cast %get3A_17 : vector<1x2048x32xbf16> to vector<2048x32xbf16>
    %get3A_19 = arith.constant 4 : index
    %get3A_20 = arith.constant 0 : index
    %get3A_21 = arith.constant 0 : index
    %get3A_22 = vector.load %arg0[%get3A_19, %get3A_20, %get3A_21] : memref<12x2048x32xbf16, #tpu.memory_space<vmem>>, vector<1x2048x32xbf16>
    %get3A_23 = vector.shape_cast %get3A_22 : vector<1x2048x32xbf16> to vector<2048x32xbf16>
    %get3A_24 = arith.constant 5 : index
    %get3A_25 = arith.constant 0 : index
    %get3A_26 = arith.constant 0 : index
    %get3A_27 = vector.load %arg0[%get3A_24, %get3A_25, %get3A_26] : memref<12x2048x32xbf16, #tpu.memory_space<vmem>>, vector<1x2048x32xbf16>
    %get3A_28 = vector.shape_cast %get3A_27 : vector<1x2048x32xbf16> to vector<2048x32xbf16>
    %get3A_29 = arith.constant 6 : index
    %get3A_30 = arith.constant 0 : index
    %get3A_31 = arith.constant 0 : index
    %get3A_32 = vector.load %arg0[%get3A_29, %get3A_30, %get3A_31] : memref<12x2048x32xbf16, #tpu.memory_space<vmem>>, vector<1x2048x32xbf16>
    %get3A_33 = vector.shape_cast %get3A_32 : vector<1x2048x32xbf16> to vector<2048x32xbf16>
    %get3A_34 = arith.constant 7 : index
    %get3A_35 = arith.constant 0 : index
    %get3A_36 = arith.constant 0 : index
    %get3A_37 = vector.load %arg0[%get3A_34, %get3A_35, %get3A_36] : memref<12x2048x32xbf16, #tpu.memory_space<vmem>>, vector<1x2048x32xbf16>
    %get3A_38 = vector.shape_cast %get3A_37 : vector<1x2048x32xbf16> to vector<2048x32xbf16>
    %get3A_39 = arith.constant 8 : index
    %get3A_40 = arith.constant 0 : index
    %get3A_41 = arith.constant 0 : index
    %get3A_42 = vector.load %arg0[%get3A_39, %get3A_40, %get3A_41] : memref<12x2048x32xbf16, #tpu.memory_space<vmem>>, vector<1x2048x32xbf16>
    %get3A_43 = vector.shape_cast %get3A_42 : vector<1x2048x32xbf16> to vector<2048x32xbf16>
    %get3A_44 = arith.constant 9 : index
    %get3A_45 = arith.constant 0 : index
    %get3A_46 = arith.constant 0 : index
    %get3A_47 = vector.load %arg0[%get3A_44, %get3A_45, %get3A_46] : memref<12x2048x32xbf16, #tpu.memory_space<vmem>>, vector<1x2048x32xbf16>
    %get3A_48 = vector.shape_cast %get3A_47 : vector<1x2048x32xbf16> to vector<2048x32xbf16>
    %get3A_49 = arith.constant 10 : index
    %get3A_50 = arith.constant 0 : index
    %get3A_51 = arith.constant 0 : index
    %get3A_52 = vector.load %arg0[%get3A_49, %get3A_50, %get3A_51] : memref<12x2048x32xbf16, #tpu.memory_space<vmem>>, vector<1x2048x32xbf16>
    %get3A_53 = vector.shape_cast %get3A_52 : vector<1x2048x32xbf16> to vector<2048x32xbf16>
    %get3A_54 = arith.constant 11 : index
    %get3A_55 = arith.constant 0 : index
    %get3A_56 = arith.constant 0 : index
    %get3A_57 = vector.load %arg0[%get3A_54, %get3A_55, %get3A_56] : memref<12x2048x32xbf16, #tpu.memory_space<vmem>>, vector<1x2048x32xbf16>
    %get3A_58 = vector.shape_cast %get3A_57 : vector<1x2048x32xbf16> to vector<2048x32xbf16>
    %concatenate3A = tpu.concatenate %get3A_3, %get3A_8, %get3A_13, %get3A_18, %get3A_23, %get3A_28, %get3A_33, %get3A_38, %get3A_43, %get3A_48, %get3A_53, %get3A_58 in 1 : vector<2048x32xbf16>, vector<2048x32xbf16>, vector<2048x32xbf16>, vector<2048x32xbf16>, vector<2048x32xbf16>, vector<2048x32xbf16>, vector<2048x32xbf16>, vector<2048x32xbf16>, vector<2048x32xbf16>, vector<2048x32xbf16>, vector<2048x32xbf16>, vector<2048x32xbf16> -> vector<2048x384xbf16>
    %get3A_59 = arith.constant 0 : index
    %get3A_60 = arith.constant 0 : index
    %get3A_61 = vector.load %arg1[%get3A_59, %get3A_60] : memref<384x768xf32, #tpu.memory_space<vmem>>, vector<384x768xf32>
    %convert_element_type3A = arith.truncf %get3A_61 : vector<384x768xf32> to vector<384x768xbf16>
    %dot_general3A = arith.constant dense<0.000000e+00> : vector<2048x768xf32>
    %dot_general3A_62 = tpu.matmul %concatenate3A, %convert_element_type3A, %dot_general3A {dimension_numbers = #tpu.dot_dimension_numbers<[1], [0], [0], [1], [0, 0, 1, 1], [], []>, transpose_lhs_hint = false} : vector<2048x384xbf16>, vector<384x768xbf16>, vector<2048x768xf32> -> vector<2048x768xf32>
    %swap3A = arith.constant 0 : index
    %swap3A_63 = arith.constant 0 : index
    %swap3A_64 = vector.load %arg2[%swap3A, %swap3A_63] : memref<2048x768xf32, #tpu.memory_space<vmem>>, vector<2048x768xf32>
    tpu.vector_store %arg2[%swap3A, %swap3A_63], %dot_general3A_62 {strides = array<i32>} : memref<2048x768xf32, #tpu.memory_space<vmem>>, vector<2048x768xf32>,
    return
  }
}

</mosaic_0001>

<sc_bundles>
// kernel: kernel.10.cloned.1.call-start
scs
__scs_entry_jumppad:
0x0: {  	(pc) =	sbr.rel $0x88, $3  }
0x1: {  	(tag) =	ssettag $0x0;
	lr =	simm.s32 $0x1  }
0x2: {  	[smem:$0x3F8D] =	sst lr;
	_ =	strace $0xD0000000  }
0x3: {  	_ = 	snop  }
0x4: {  	_ = 	snop  }
0x5: {  	_ = 	snop  }
0x6: {  	_ = 	snop  }
0x7: {  	_ = 	snop  }
__scs_overlays_trampoline_lowered:
0x8: {  	[smem:$0x3F9C] =	sst s0  }
0x9: {  	[smem:$0x3F9D] =	sst s1  }
0xa: {  	[smem:$0x3F9E] =	sst s2  }
0xb: {  	[smem:$0x3F9F] =	sst s3  }
0xc: {  	[smem:$0x3FA0] =	sst s4  }
0xd: {  	[smem:$0x3FA1] =	sst s5  }
0xe: {  	[smem:$0x3FA2] =	sst s6  }
0xf: {  	[smem:$0x3FA3] =	sst s7  }
0x10: {  	[smem:$0x3FA4] =	sst s8  }
0x11: {  	[smem:$0x3FA5] =	sst s9;
	s0 =	simm.s32 @!p0 $0x0  }
0x12: {  	s1 =	sld [smem:$0x3F8B];
	s0 =	simm.s32 @p0 $0x1  }
0x13: {  	[smem:$0x3FA6] =	sst s0;
	s0 =	simm.s32 @!p1 $0x0  }
0x14: {  	s2 =	sld [smem:$0x3F8A];
	s0 =	simm.s32 @p1 $0x1  }
0x15: {  	[smem:$0x3FA7] =	sst s0;
	s0 =	simm.s32 @!p2 $0x0  }
0x16: {  	s3 =	sld [smem:$0x3FDB];
	s0 =	simm.s32 @p2 $0x1  }
0x17: {  	s4 =	simm.s32 $0x1BF5;
	[smem:$0x3FA9] =	sst s0  }
0x18: {  	s0 =	sld [smem:$0x3F8C];
	_ =	swait.ge [sflag:s4], $0x0  }
0x19: {  	s7 =	sld [smem:$0x3F8D]  }
0x1a: {  	s8 =	sadd.s32 $0xFFFFE003, lr  }
0x1b: {  	s9 =	sadd.s32 $0xFFFFFEF7, lr;
	s5 =	simm.s32 $0xFFFFFFFF;
	p2 =	slt.u32 s8, $0xFFFFF086  }
0x1c: {  	p1 =	slt.u32 s9, $0xF7A;
	s5 =	simm.s32 @!p2 $0x0  }
0x1d: {  	s5 =	simm.s32 @p1 $0x1;
	p0 =	seq.s32 s7, s2  }
0x1e: {  	s7 =	smul.u32 @!p0 $0xF7A, s2;
	p2 =	seq.s32 @!p0 s5, $0x0  }
0x1f: {  	s9 =	smul.u32 $0xF7A, s1;
	s8 =	simm.s32 @!p0 $0x1BF5;
	p2 =	por !p2, p0  }
0x20: {  	[sflag:s8] =	ssyncset.s32 @!p0 $0xFFFFF086;
	s6 =	sadd.s32 @!p0 s3, s7;
	s7 =	simm.s32 @!p0 $0x108  }
0x21: {  	s3 =	sadd.s32 s3, s9;
	s6 =	sadd.s32 @!p0 $0x88, s6;
	s7 =	simm.s32 @p2 $0x1082  }
0x22: {  	[simem:s7], [sflag:s8] =	dma.local @!p0 [hbm:s6], $0xF7A  }
0x23: {  	s9 =	sor.u32 $0xD0000000, s2;
	s6 =	simm.s32 $0x108;
	_ =	swait.ge @!p0 [sflag:s8], $0x0  }
0x24: {  	s3 =	sadd.s32 $0x88, s3;
	s6 =	simm.s32 @!p1 $0x1082;
	[sflag:s4] =	ssyncset.s32 $0xFFFFF086  }
0x25: {  	[simem:s6], [sflag:s4] =	dma.local [hbm:s3], $0xF7A  }
0x26: {  	[smem:$0x3F8D] =	sst s1;
	(tag) =	ssettag s2;
	_ =	strace s9  }
0x27: {  	s1 =	sld [smem:$0x3F9D]  }
0x28: {  	s2 =	sld [smem:$0x3F9E]  }
0x29: {  	s4 =	sld [smem:$0x3FA0]  }
0x2a: {  	p0 =	seq.s32 s5, $0x0;
	s5 =	sld [smem:$0x3FA1]  }
0x2b: {  	s6 =	sld [smem:$0x3FA2]  }
0x2c: {  	s7 =	sld [smem:$0x3FA3]  }
0x2d: {  	s3 =	simm.s32 $0x108;
	s8 =	sld [smem:$0x3FA4]  }
0x2e: {  	s3 =	simm.s32 @!p0 $0x1082;
	s9 =	sld [smem:$0x3FA5]  }
0x2f: {  	lr =	sadd.s32 s0, s3;
	s0 =	sld [smem:$0x3F9C]  }
0x30: {  	s3 =	sld [smem:$0x3F9F]  }
0x31: {  	[smem:$0x3FA8] =	sst s10  }
0x32: {  	s10 =	sld [smem:$0x3FA6];
	_ =	sdelay $0x3  }
0x33: {  	p0 =	seq.s32 s10, $0x1;
	s10 =	sld [smem:$0x3FA8];
	_ =	sdelay $0x3  }
0x34: {  	[smem:$0x3FA8] =	sst s10  }
0x35: {  	s10 =	sld [smem:$0x3FA7];
	_ =	sdelay $0x3  }
0x36: {  	p1 =	seq.s32 s10, $0x1;
	s10 =	sld [smem:$0x3FA8];
	_ =	sdelay $0x3  }
0x37: {  	[smem:$0x3FA8] =	sst s10  }
0x38: {  	s10 =	sld [smem:$0x3FA9]  }
0x39: {  	_ = 	snop;
	(pc) =	sbr.ind lr, $3  }
0x3a: {  	_ = 	snop  }
0x3b: {  	_ = 	snop  }
0x3c: {  	p2 =	seq.s32 s10, $0x1;
	s10 =	sld [smem:$0x3FA8]  }
0x3d: {  	_ =	shalt  }
0x3e: {  	_ =	shalt  }
0x3f: {  	_ =	shalt  }
0x40: {  	_ =	shalt  }
0x41: {  	_ =	shalt  }
0x42: {  	_ =	shalt  }
0x43: {  	_ =	shalt  }
0x44: {  	_ =	shalt  }
0x45: {  	_ =	shalt  }
0x46: {  	_ =	shalt  }
0x47: {  	_ =	shalt  }
0x48: {  	_ =	shalt  }
0x49: {  	_ =	shalt  }
0x4a: {  	_ =	shalt  }
0x4b: {  	_ =	shalt  }
0x4c: {  	_ =	shalt  }
0x4d: {  	_ =	shalt  }
0x4e: {  	_ =	shalt  }
0x4f: {  	_ =	shalt  }
0x50: {  	_ =	shalt  }
0x51: {  	_ =	shalt  }
0x52: {  	_ =	shalt  }
0x53: {  	_ =	shalt  }
0x54: {  	_ =	shalt  }
0x55: {  	_ =	shalt  }
0x56: {  	_ =	shalt  }
0x57: {  	_ =	shalt  }
0x58: {  	_ =	shalt  }
0x59: {  	_ =	shalt  }
0x5a: {  	_ =	shalt  }
0x5b: {  	_ =	shalt  }
0x5c: {  	_ =	shalt  }
0x5d: {  	_ =	shalt  }
0x5e: {  	_ =	shalt  }
0x5f: {  	_ =	shalt  }
0x60: {  	_ =	shalt  }
0x61: {  	_ =	shalt  }
0x62: {  	_ =	shalt  }
0x63: {  	_ =	shalt  }
0x64: {  	_ =	shalt  }
0x65: {  	_ =	shalt  }
0x66: {  	_ =	shalt  }
0x67: {  	_ =	shalt  }
0x68: {  	_ =	shalt  }
0x69: {  	_ =	shalt  }
0x6a: {  	_ =	shalt  }
0x6b: {  	_ =	shalt  }
0x6c: {  	_ =	shalt  }
0x6d: {  	_ =	shalt  }
0x6e: {  	_ =	shalt  }
0x6f: {  	_ =	shalt  }
0x70: {  	_ =	shalt  }
0x71: {  	_ =	shalt  }
0x72: {  	_ =	shalt  }
0x73: {  	_ =	shalt  }
0x74: {  	_ =	shalt  }
0x75: {  	_ =	shalt  }
0x76: {  	_ =	shalt  }
0x77: {  	_ =	shalt  }
0x78: {  	_ =	shalt  }
0x79: {  	_ =	shalt  }
0x7a: {  	_ =	shalt  }
0x7b: {  	_ =	shalt  }
0x7c: {  	_ =	shalt  }
0x7d: {  	_ =	shalt  }
0x7e: {  	_ =	shalt  }
0x7f: {  	_ =	shalt  }
0x80: {  	_ =	shalt  }
0x81: {  	_ =	shalt  }
0x82: {  	_ =	shalt  }
0x83: {  	_ =	shalt  }
0x84: {  	_ =	shalt  }
0x85: {  	_ =	shalt  }
0x86: {  	_ =	shalt  }
0x87: {  	_ =	shalt  }
.Lfunc_end0:
.L_simem_size_0:
called_computation_lowered:
.L_overlay_start_0:
0x88: {  	s2 =	sld [smem:$0x3FD9]  }
0x89: {  	s3 =	sld [smem:$0x3FFE];
	_ =	sdelay $0x1  }
0x8a: {  	s1 =	srdreg.scid  }
0x8b: {  	s0 =	sand.u32 $0x1, s1  }
0x8c: {  	s17 =	sshll.u32 s0, $0xA;
	s2 =	sadd.s32 s3, s2  }
0x8d: {  	s2 =	sadd.s32 s2, s17  }
0x8e: {  	[smem:$0x3FB4] =	sst s2  }
0x8f: {  	_ = 	snop  }
0x90: {  	s2 =	sld [smem:$0x3FC9];
	(tm) =	ssettm $0x1  }
0x91: {  	s18 =	sld [smem:$0x3FFB];
	_ =	sdelay $0x3  }
0x92: {  	_ =	strace s18  }
0x93: {  	s3 =	sld [smem:$0x3FFC];
	_ =	sdelay $0x3  }
0x94: {  	_ =	strace s3  }
0x95: {  	s3 =	sld [smem:$0x3FFD];
	_ =	sdelay $0x3  }
0x96: {  	_ =	strace s3  }
0x97: {  	_ =	strace $0x8FFFFFFF  }
0x98: {  	s19 =	sld [smem:$0x3FDB];
	_ =	sdelay $0x1  }
0x99: {  	s4 =	simm.s32 $_scs_section_size  }
0x9a: {  	s5 =	simm.s32 $_size__tile_overlayer_lowered;
	s6 =	simm.s32 $_tile_overlayer_lowered  }
0x9b: {  	s22 =	simm.s32 $0x1BFF;
	s21 =	sshll.u32 s6, $0x1;
	s3 =	sadd.s32 s4, s19  }
0x9c: {  	s7 =	simm.s32 $0x0;
	s20 =	sshll.u32 s5, $0x1;
	s5 =	sadd.s32 s21, s3  }
0x9d: {  	[timem:s7], [sflag:s22] =	dma.local [hbm:s5], s20  }
0x9e: {  	_ =	swait.ge [sflag:s22], s20  }
0x9f: {  	s4 =	ssub.s32 $0x0, s20;
	[sflag:s22] =	ssyncset.done $0x0  }
0xa0: {  	[sflag:s22] =	ssyncadd.s32 s4;
	_ =	sdelay $0x1  }
0xa1: {  	s23 =	simm.s32 $0x1B8B  }
0xa2: {  	_ =	swait.ge [sflag:s23], $0x1  }
0xa3: {  	[sflag:s23] =	ssyncset.done $0x0  }
0xa4: {  	s25 =	simm.s32 $0x1B8E;
	s24 =	sld [smem:$0x3FFE];
	[sflag:s23] =	ssyncadd.s32 $0xFFFFFFFF  }
0xa5: {  	s26 =	simm.s32 $execute0_lowered;
	[smem:$0x3FD2] =	sst s25  }
0xa6: {  	s5 =	sshll.u32 s26, $0x1;
	_ =	strace $0x80000046;
	[dreg:$0x1] =	wrdreg $0xFFFFFFFF  }
0xa7: {  	s28 =	simm.s32 $_size_execute0_lowered;
	s3 =	sadd.s32 s3, s5;
	[dreg:$0x0] =	wrdreg $0x0  }
0xa8: {  	s5 =	sshll.u32 s28, $0x1;
	[dreg:$0x2] =	wrdreg s3  }
0xa9: {  	[dreg:$0x3] =	wrdreg s5  }
0xaa: {  	[dreg:$0x4] =	wrdreg $0xC0  }
0xab: {  	_ =	task [dreg:s7], $0x5FFFF  }
0xac: {  	[dreg:$0x1] =	wrdreg $0xFFFFFFFF  }
0xad: {  	[dreg:$0x0] =	wrdreg $0x60  }
0xae: {  	[dreg:$0x2] =	wrdreg s24  }
0xaf: {  	[dreg:$0x3] =	wrdreg s2  }
0xb0: {  	[dreg:$0x4] =	wrdreg $0x31800  }
0xb1: {  	[dreg:$0x5] =	wrdreg $0x9  }
0xb2: {  	_ =	task.clear_ibuf [dreg:s7], $0x6FFFF;
	_ =	strace $0x90000046  }
0xb3: {  	s29 =	simm.s32 $0x9;
	_ =	strace $0x80000048  }
0xb4: {  	_ =	swait.ge [sflag:s29], $0x1  }
0xb5: {  	[sflag:s29] =	ssyncadd.s32 $0xFFFFFFFF  }
0xb6: {  	_ =	strace $0x90000048  }
0xb7: {  	_ =	sfence  }
0xb8: {  	s30 =	sld [smem:$0x0];
	_ =	sdelay $0x2  }
0xb9: {  	s31 =	sshll.u32 s1, $0xD;
	s1 =	sshrl.u32 s1, $0x2  }
0xba: {  	s3 =	sand.u32 $0x4000, s31;
	s1 =	sadd.s32 s1, s30  }
0xbb: {  	s0 =	sor.u32 s3, s0;
	s1 =	sshll.u32 s1, $0x11  }
0xbc: {  	s0 =	sor.u32 s1, s0  }
0xbd: {  	s0 =	sadd.s32 $0x8F2B, s0  }
0xbe: {  	[sflag:s0] =	ssyncadd.remote.s32 $0x1  }
0xbf: {  	_ =	sfence.sel $0xFFFF  }
0xc0: {  	[dreg:$0x0] =	wrdreg $0xFFFFFFFF;
	(pc) =	sbr.abs _section_cstart, $3  }
0xc1: {  	[dreg:$0x1] =	wrdreg $0xFFFFFFFF  }
0xc2: {  	_ =	task.clear_ibuf [dreg:s7], $0x2FFFF;
	_ =	strace $0x9FFFFFFF  }
0xc3: {  	(tm) =	ssettm $0x7FFFFFFF  }
tec
execute0_lowered:
.L_overlay_start_1:
0x0: {  	(tag) =	ssettag $0x1  }
0x1: {  	s0 =	srdreg.scid;
	s1 =	rddreg [dreg:$0x0]  }
0x2: {  	s7 =	stileid.u32;
	s8 =	rddreg [dreg:$0x1]  }
0x3: {  	s9 =	rddreg [dreg:$0x2];
	s4 =	simm.s32 $0x0;
	s0 =	sand.u32 $0x1, s0  }
0x4: {  	s3 =	sshll.u32 s7, $0x3;
	[smem:$0x7FF] =	sst s4;
	s5 =	sadd.s32 $0x5C00, s1  }
0x5: {  	s11 =	sshll.u32 s7, $0x7;
	s12 =	sshll.u32 s7, $0x1C;
	s21 =	sshll.u32 s7, $0x18  }
0x6: {  	s23 =	sadd.s32 $0x800, s9;
	s24 =	sshll.u32 s7, $0x14;
	s26 =	sadd.s32 $0x1000, s9  }
0x7: {  	s13 =	sshll.u32 s7, $0x10;
	s15 =	sadd.s32 $0x1800, s9;
	s16 =	sshll.u32 s7, $0xC  }
0x8: {  	s18 =	sadd.s32 $0x2000, s9;
	_ =	strace $0x80000047;
	[dreg:$0x4] =	wrdreg s5  }
0x9: {  	s19 =	sshll.u32 s7, $0x8;
	s28 =	sadd.s32 $0x3000, s9;
	[dreg:$0x5] =	wrdreg s21  }
0xa: {  	s30 =	sadd.s32 $0x3800, s9;
	s31 =	sadd.s32 $0x100, s8;
	[dreg:$0x7] =	wrdreg s23  }
0xb: {  	s2 =	sshll.u32 s0, $0x7;
	s0 =	ssub.s32 $0x2, s0;
	[dreg:$0x8] =	wrdreg s24  }
0xc: {  	s6 =	sadd.s32 s11, s9;
	[dreg:$0xa] =	wrdreg s26;
	s21 =	sadd.s32 $0x2800, s9  }
0xd: {  	s5 =	simm.s32 $0x1000;
	s9 =	simm.s32 $0x0;
	s2 =	sor.u32 s3, s2  }
0xe: {  	s10 =	sshrl.u32 s0, $0x1;
	s22 =	sadd.s32 $0x800, s6;
	s25 =	sadd.s32 $0x1000, s6  }
0xf: {  	s14 =	sadd.s32 $0x1800, s6;
	s17 =	sadd.s32 $0x2000, s6;
	s20 =	sadd.s32 $0x2800, s6  }
0x10: {  	s26 =	sadd.s32 $0x3000, s6;
	s29 =	sadd.s32 $0x3800, s6;
	[dreg:$0x6] =	wrdreg s22  }
0x11: {  	s3 =	sshrl.u32 s2, $0x3;
	s0 =	ssub.s32 s0, s10;
	[dreg:$0x9] =	wrdreg s25  }
0x12: {  	s22 =	sor.u32 $0x1000, s2;
	s25 =	sshll.u32 s7, $0x4;
	s3 =	smul.u32 $0x300, s3  }
0x13: {  	v0 =	vlaneseq.u32;
	v4 =	vimm.s32 $0x0;
	vm0 =	vmmov $0xffff;
	s2 =	simm.s32 $0x2;
	s7 =	simm.s32 $0x1100;
	s24 =	smax.u32 s0, $0x1  }
0x14: {  	v2 =	vmul.u32 $0x81, v0;
	v3 =	vor.u32 $0x80000000, v0;
	v6 =	vshrl.u32 v0, $0x3;
	s0 =	simm.s32 $0x2980;
	s1 =	sadd.s32 s3, s1;
	s3 =	simm.s32 $0x2900  }
0x15: {  	v5 =	vand.u32 $0x7, v0;
	v1 =	vmov s12;
	v6 =	vmul.u32 $0x8, v6;
	s23 =	sadd.s32 $0x5E00, s1;
	s1 =	sadd.s32 $0x200, s8;
	s8 =	simm.s32 $0x1  }
.LBB2_1:
0x16: {  	s10 =	rddreg [dreg:$0x4]  }
0x17: {  	[tilespmem:s4], [sflag:$0x2] =	stream.linear.gather [hbm4b:s10+s4], $0x800, $0x38;
	[tilespmem:$0x3200] =	vst v63  }
0x18: {  	_ =	swait.ge [sflag:s2], $0x800  }
0x19: {  	[sflag:s2] =	ssyncset.done $0x0  }
0x1a: {  	s10 =	simm.s32 $0x0;
	[sflag:s2] =	ssyncadd.s32 $0xFFFFF800  }
0x1b: {  	s11 =	simm.s32 $0x40;
	v7 =	vld [tilespmem:s10+$0x0]  }
.LBB2_2:
0x1c: {  	_ =	sdelay $0x1  }
0x1d: {  	p0 =	sne.s32 s11, $0x1FC0  }
.Ltmp0:
0x1e: {  	_ = 	snop;
	(pc) =	sbr.rel @p0 .LBB2_2-.Ltmp0, $4  }
0x1f: {  	v8 =	vshra.s32 v7, $0x1F  }
0x20: {  	v9 =	vmov v7;
	v8 =	vor.u32 $0x80000000, v8  }
0x21: {  	s12 =	sshra.s32 s11, $0x2;
	v8 =	vxor.u32 v9, v8  }
0x22: {  	s11 =	sadd.s32 $0x40, s11;
	v7 =	vld [tilespmem:s12+$0x0];
	[tilespmem:s10+$0x800] =	vst v8;
	s10 =	smov.u32 s12  }
0x23: {  	_ =	sdelay $0x3  }
0x24: {  	v8 =	vshra.s32 v7, $0x1F  }
0x25: {  	v8 =	vor.u32 $0x80000000, v8  }
0x26: {  	v7 =	vxor.u32 v7, v8  }
0x27: {  	s11 =	simm.s32 $0x0;
	[tilespmem:s10+$0x800] =	vst v7  }
0x28: {  	v7 =	vimm.s32 $0x0;
	s10 =	simm.s32 $0x40;
	v8 =	vld [tilespmem:s11+$0x800]  }
.LBB2_4:
0x29: {  	_ =	sdelay $0x1  }
0x2a: {  	p0 =	sne.s32 s10, $0x1FC0  }
.Ltmp1:
0x2b: {  	_ = 	snop;
	(pc) =	sbr.rel @p0 .LBB2_4-.Ltmp1, $4  }
0x2c: {  	vm1 =	vge.u32 v8, v1  }
0x2d: {  	v9 =	vmpcnt.ones.xlane vm1  }
0x2e: {  	s11 =	sshra.s32 s10, $0x2  }
0x2f: {  	s10 =	sadd.s32 $0x40, s10;
	v8 =	vld [tilespmem:s11+$0x800];
	v7 =	vadd.s32 v7, v9  }
0x30: {  	_ =	sdelay $0x3  }
0x31: {  	vm1 =	vge.u32 v8, v1  }
0x32: {  	v8 =	vmpcnt.ones.xlane vm1;
	_ =	sdelay $0x1  }
0x33: {  	v7 =	vadd.s32 v7, v8  }
0x34: {  	[tilespmem:$0x2900] =	vst v7  }
0x35: {  	[spmem:s6] =	stream.linear.scatter [tilespmem:s3], [sflag:$0x2], $0x80, $0x38;
	[tilespmem:$0x3200] =	vst v63  }
0x36: {  	_ =	swait.ge [sflag:s2], $0x80  }
0x37: {  	[sflag:s2] =	ssyncset.done $0x0  }
0x38: {  	[sflag:s2] =	ssyncadd.s32 $0xFFFFFF80  }
0x39: {  	[bflag:$0x0] =	sbarrier.arrive $0xFFFF  }
0x3a: {  	s10 =	rddreg [dreg:$0x2]  }
0x3b: {  	[tilespmem:s0], [sflag:$0x2] =	stream.linear.gather [spmem:s10], $0x800, $0x38;
	[tilespmem:$0x3200] =	vst v63  }
0x3c: {  	_ =	swait.ge [sflag:s2], $0x800  }
0x3d: {  	[sflag:s2] =	ssyncset.done $0x0  }
0x3e: {  	[sflag:s2] =	ssyncadd.s32 $0xFFFFF800  }
0x3f: {  	v7 =	vld.idx.msk [tilespmem:v2+s0+$0x0], $0xffff;
	_ =	sdelay $0x4  }
0x40: {  	vm1 =	vgt.s32 v7, $0xFF  }
0x41: {  	v7 =	vnsel vm1, $0x80000000, v3  }
0x42: {  	(xrf0) =	vmax.scan.msk.u32 $0xffff, v7;
	_ =	sdelay $0x5  }
0x43: {  	v7, _, _ =	vpop (xrf0)  }
0x44: {  	(v2sf) =	vpush v7, $0xF;
	_ =	sdelay $0xe  }
0x45: {  	s12 =	spop (v2sf)  }
0x46: {  	s11 =	rddreg [dreg:$0x5];
	s10 =	sshll.u32 s12, $0x1C  }
0x47: {  	s12 =	simm.s32 $0x0;
	s11 =	sor.u32 s11, s10  }
0x48: {  	v7 =	vimm.s32 $0x0;
	v9 =	vld [tilespmem:s12+$0x800];
	v8 =	vmov s11;
	s11 =	simm.s32 $0x40  }
.LBB2_6:
0x49: {  	_ =	sdelay $0x1  }
0x4a: {  	p0 =	sne.s32 s11, $0x1FC0  }
.Ltmp2:
0x4b: {  	_ = 	snop;
	(pc) =	sbr.rel @p0 .LBB2_6-.Ltmp2, $4  }
0x4c: {  	vm1 =	vge.u32 v9, v8  }
0x4d: {  	v10 =	vmpcnt.ones.xlane vm1  }
0x4e: {  	s12 =	sshra.s32 s11, $0x2  }
0x4f: {  	s11 =	sadd.s32 $0x40, s11;
	v9 =	vld [tilespmem:s12+$0x800];
	v7 =	vadd.s32 v7, v10  }
0x50: {  	_ =	sdelay $0x3  }
0x51: {  	vm1 =	vge.u32 v9, v8  }
0x52: {  	v8 =	vmpcnt.ones.xlane vm1;
	_ =	sdelay $0x1  }
0x53: {  	v7 =	vadd.s32 v7, v8  }
0x54: {  	s11 =	rddreg [dreg:$0x6];
	[tilespmem:$0x2900] =	vst v7  }
0x55: {  	[spmem:s11] =	stream.linear.scatter [tilespmem:s3], [sflag:$0x2], $0x80, $0x38;
	[tilespmem:$0x3200] =	vst v63  }
0x56: {  	_ =	swait.ge [sflag:s2], $0x80  }
0x57: {  	[sflag:s2] =	ssyncset.done $0x0  }
0x58: {  	[sflag:s2] =	ssyncadd.s32 $0xFFFFFF80  }
0x59: {  	[bflag:$0x0] =	sbarrier.arrive $0xFFFF  }
0x5a: {  	s12 =	rddreg [dreg:$0x7]  }
0x5b: {  	[tilespmem:s0], [sflag:$0x2] =	stream.linear.gather [spmem:s12], $0x800, $0x38;
	[tilespmem:$0x3200] =	vst v63  }
0x5c: {  	_ =	swait.ge [sflag:s2], $0x800  }
0x5d: {  	[sflag:s2] =	ssyncset.done $0x0  }
0x5e: {  	[sflag:s2] =	ssyncadd.s32 $0xFFFFF800  }
0x5f: {  	v7 =	vld.idx.msk [tilespmem:v2+s0+$0x0], $0xffff;
	_ =	sdelay $0x4  }
0x60: {  	vm1 =	vgt.s32 v7, $0xFF  }
0x61: {  	v7 =	vnsel vm1, $0x80000000, v3  }
0x62: {  	(xrf0) =	vmax.scan.msk.u32 $0xffff, v7;
	_ =	sdelay $0x5  }
0x63: {  	v7, _, _ =	vpop (xrf0)  }
0x64: {  	(v2sf) =	vpush v7, $0xF;
	_ =	sdelay $0xe  }
0x65: {  	s12 =	spop (v2sf)  }
0x66: {  	s11 =	sshll.u32 s12, $0x18  }
0x67: {  	s12 =	rddreg [dreg:$0x8];
	s10 =	sadd.s32 s10, s11  }
0x68: {  	s11 =	sadd.s32 s12, s10;
	s12 =	simm.s32 $0x0  }
0x69: {  	v7 =	vimm.s32 $0x0;
	v8 =	vmov s11;
	s11 =	simm.s32 $0x40;
	v9 =	vld [tilespmem:s12+$0x800]  }
.LBB2_8:
0x6a: {  	_ =	sdelay $0x1  }
0x6b: {  	p0 =	sne.s32 s11, $0x1FC0  }
.Ltmp3:
0x6c: {  	_ = 	snop;
	(pc) =	sbr.rel @p0 .LBB2_8-.Ltmp3, $4  }
0x6d: {  	vm1 =	vge.u32 v9, v8  }
0x6e: {  	v10 =	vmpcnt.ones.xlane vm1  }
0x6f: {  	s12 =	sshra.s32 s11, $0x2  }
0x70: {  	s11 =	sadd.s32 $0x40, s11;
	v9 =	vld [tilespmem:s12+$0x800];
	v7 =	vadd.s32 v7, v10  }
0x71: {  	_ =	sdelay $0x3  }
0x72: {  	vm1 =	vge.u32 v9, v8  }
0x73: {  	v8 =	vmpcnt.ones.xlane vm1;
	_ =	sdelay $0x1  }
0x74: {  	v7 =	vadd.s32 v7, v8  }
0x75: {  	s11 =	rddreg [dreg:$0x9];
	[tilespmem:$0x2900] =	vst v7  }
0x76: {  	[spmem:s11] =	stream.linear.scatter [tilespmem:s3], [sflag:$0x2], $0x80, $0x38;
	[tilespmem:$0x3200] =	vst v63  }
0x77: {  	_ =	swait.ge [sflag:s2], $0x80  }
0x78: {  	[sflag:s2] =	ssyncset.done $0x0  }
0x79: {  	[sflag:s2] =	ssyncadd.s32 $0xFFFFFF80  }
0x7a: {  	[bflag:$0x0] =	sbarrier.arrive $0xFFFF  }
0x7b: {  	s12 =	rddreg [dreg:$0xa]  }
0x7c: {  	[tilespmem:s0], [sflag:$0x2] =	stream.linear.gather [spmem:s12], $0x800, $0x38;
	[tilespmem:$0x3200] =	vst v63  }
0x7d: {  	_ =	swait.ge [sflag:s2], $0x800  }
0x7e: {  	[sflag:s2] =	ssyncset.done $0x0  }
0x7f: {  	[sflag:s2] =	ssyncadd.s32 $0xFFFFF800  }
0x80: {  	v7 =	vld.idx.msk [tilespmem:v2+s0+$0x0], $0xffff;
	_ =	sdelay $0x4  }
0x81: {  	vm1 =	vgt.s32 v7, $0xFF  }
0x82: {  	v7 =	vnsel vm1, $0x80000000, v3  }
0x83: {  	(xrf0) =	vmax.scan.msk.u32 $0xffff, v7;
	_ =	sdelay $0x5  }
0x84: {  	v7, _, _ =	vpop (xrf0)  }
0x85: {  	(v2sf) =	vpush v7, $0xF;
	_ =	sdelay $0xe  }
0x86: {  	s12 =	spop (v2sf)  }
0x87: {  	s11 =	sshll.u32 s12, $0x14  }
0x88: {  	s10 =	sadd.s32 s10, s11  }
0x89: {  	s12 =	simm.s32 $0x0;
	s11 =	sadd.s32 s13, s10  }
0x8a: {  	v7 =	vimm.s32 $0x0;
	v9 =	vld [tilespmem:s12+$0x800];
	v8 =	vmov s11;
	s11 =	simm.s32 $0x40  }
.LBB2_10:
0x8b: {  	_ =	sdelay $0x1  }
0x8c: {  	p0 =	sne.s32 s11, $0x1FC0  }
.Ltmp4:
0x8d: {  	_ = 	snop;
	(pc) =	sbr.rel @p0 .LBB2_10-.Ltmp4, $4  }
0x8e: {  	vm1 =	vge.u32 v9, v8  }
0x8f: {  	v10 =	vmpcnt.ones.xlane vm1  }
0x90: {  	s12 =	sshra.s32 s11, $0x2  }
0x91: {  	s11 =	sadd.s32 $0x40, s11;
	v9 =	vld [tilespmem:s12+$0x800];
	v7 =	vadd.s32 v7, v10  }
0x92: {  	_ =	sdelay $0x3  }
0x93: {  	vm1 =	vge.u32 v9, v8  }
0x94: {  	v8 =	vmpcnt.ones.xlane vm1;
	_ =	sdelay $0x1  }
0x95: {  	v7 =	vadd.s32 v7, v8  }
0x96: {  	[tilespmem:$0x2900] =	vst v7  }
0x97: {  	[spmem:s14] =	stream.linear.scatter [tilespmem:s3], [sflag:$0x2], $0x80, $0x38;
	[tilespmem:$0x3200] =	vst v63  }
0x98: {  	_ =	swait.ge [sflag:s2], $0x80  }
0x99: {  	[sflag:s2] =	ssyncset.done $0x0  }
0x9a: {  	[sflag:s2] =	ssyncadd.s32 $0xFFFFFF80  }
0x9b: {  	[bflag:$0x0] =	sbarrier.arrive $0xFFFF  }
0x9c: {  	[tilespmem:s0], [sflag:$0x2] =	stream.linear.gather [spmem:s15], $0x800, $0x38;
	[tilespmem:$0x3200] =	vst v63  }
0x9d: {  	_ =	swait.ge [sflag:s2], $0x800  }
0x9e: {  	[sflag:s2] =	ssyncset.done $0x0  }
0x9f: {  	[sflag:s2] =	ssyncadd.s32 $0xFFFFF800  }
0xa0: {  	v7 =	vld.idx.msk [tilespmem:v2+s0+$0x0], $0xffff;
	_ =	sdelay $0x4  }
0xa1: {  	vm1 =	vgt.s32 v7, $0xFF  }
0xa2: {  	v7 =	vnsel vm1, $0x80000000, v3  }
0xa3: {  	(xrf0) =	vmax.scan.msk.u32 $0xffff, v7;
	_ =	sdelay $0x5  }
0xa4: {  	v7, _, _ =	vpop (xrf0)  }
0xa5: {  	(v2sf) =	vpush v7, $0xF;
	_ =	sdelay $0xe  }
0xa6: {  	s11 =	spop (v2sf)  }
0xa7: {  	s11 =	sshll.u32 s11, $0x10  }
0xa8: {  	s10 =	sadd.s32 s10, s11  }
0xa9: {  	s12 =	simm.s32 $0x0;
	s11 =	sadd.s32 s16, s10  }
0xaa: {  	v9 =	vld [tilespmem:s12+$0x800];
	v7 =	vimm.s32 $0x0;
	v8 =	vmov s11;
	s11 =	simm.s32 $0x40  }
.LBB2_12:
0xab: {  	_ =	sdelay $0x1  }
0xac: {  	p0 =	sne.s32 s11, $0x1FC0  }
.Ltmp5:
0xad: {  	_ = 	snop;
	(pc) =	sbr.rel @p0 .LBB2_12-.Ltmp5, $4  }
0xae: {  	vm1 =	vge.u32 v9, v8  }
0xaf: {  	v10 =	vmpcnt.ones.xlane vm1  }
0xb0: {  	s12 =	sshra.s32 s11, $0x2  }
0xb1: {  	s11 =	sadd.s32 $0x40, s11;
	v9 =	vld [tilespmem:s12+$0x800];
	v7 =	vadd.s32 v7, v10  }
0xb2: {  	_ =	sdelay $0x3  }
0xb3: {  	vm1 =	vge.u32 v9, v8  }
0xb4: {  	v8 =	vmpcnt.ones.xlane vm1;
	_ =	sdelay $0x1  }
0xb5: {  	v7 =	vadd.s32 v7, v8  }
0xb6: {  	[tilespmem:$0x2900] =	vst v7  }
0xb7: {  	[spmem:s17] =	stream.linear.scatter [tilespmem:s3], [sflag:$0x2], $0x80, $0x38;
	[tilespmem:$0x3200] =	vst v63  }
0xb8: {  	_ =	swait.ge [sflag:s2], $0x80  }
0xb9: {  	[sflag:s2] =	ssyncset.done $0x0  }
0xba: {  	[sflag:s2] =	ssyncadd.s32 $0xFFFFFF80  }
0xbb: {  	[bflag:$0x0] =	sbarrier.arrive $0xFFFF  }
0xbc: {  	[tilespmem:s0], [sflag:$0x2] =	stream.linear.gather [spmem:s18], $0x800, $0x38;
	[tilespmem:$0x3200] =	vst v63  }
0xbd: {  	_ =	swait.ge [sflag:s2], $0x800  }
0xbe: {  	[sflag:s2] =	ssyncset.done $0x0  }
0xbf: {  	[sflag:s2] =	ssyncadd.s32 $0xFFFFF800  }
0xc0: {  	v7 =	vld.idx.msk [tilespmem:v2+s0+$0x0], $0xffff;
	_ =	sdelay $0x4  }
0xc1: {  	vm1 =	vgt.s32 v7, $0xFF  }
0xc2: {  	v7 =	vnsel vm1, $0x80000000, v3  }
0xc3: {  	(xrf0) =	vmax.scan.msk.u32 $0xffff, v7;
	_ =	sdelay $0x5  }
0xc4: {  	v7, _, _ =	vpop (xrf0)  }
0xc5: {  	(v2sf) =	vpush v7, $0xF;
	_ =	sdelay $0xe  }
0xc6: {  	s11 =	spop (v2sf)  }
0xc7: {  	s11 =	sshll.u32 s11, $0xC  }
0xc8: {  	s10 =	sadd.s32 s10, s11  }
0xc9: {  	s12 =	simm.s32 $0x0;
	s11 =	sadd.s32 s19, s10  }
0xca: {  	v9 =	vld [tilespmem:s12+$0x800];
	v7 =	vimm.s32 $0x0;
	v8 =	vmov s11;
	s11 =	simm.s32 $0x40  }
.LBB2_14:
0xcb: {  	_ =	sdelay $0x1  }
0xcc: {  	p0 =	sne.s32 s11, $0x1FC0  }
.Ltmp6:
0xcd: {  	_ = 	snop;
	(pc) =	sbr.rel @p0 .LBB2_14-.Ltmp6, $4  }
0xce: {  	vm1 =	vge.u32 v9, v8  }
0xcf: {  	v10 =	vmpcnt.ones.xlane vm1  }
0xd0: {  	s12 =	sshra.s32 s11, $0x2  }
0xd1: {  	s11 =	sadd.s32 $0x40, s11;
	v9 =	vld [tilespmem:s12+$0x800];
	v7 =	vadd.s32 v7, v10  }
0xd2: {  	_ =	sdelay $0x3  }
0xd3: {  	vm1 =	vge.u32 v9, v8  }
0xd4: {  	v8 =	vmpcnt.ones.xlane vm1;
	_ =	sdelay $0x1  }
0xd5: {  	v7 =	vadd.s32 v7, v8  }
0xd6: {  	[tilespmem:$0x2900] =	vst v7  }
0xd7: {  	[spmem:s20] =	stream.linear.scatter [tilespmem:s3], [sflag:$0x2], $0x80, $0x38;
	[tilespmem:$0x3200] =	vst v63  }
0xd8: {  	_ =	swait.ge [sflag:s2], $0x80  }
0xd9: {  	[sflag:s2] =	ssyncset.done $0x0  }
0xda: {  	[sflag:s2] =	ssyncadd.s32 $0xFFFFFF80  }
0xdb: {  	[bflag:$0x0] =	sbarrier.arrive $0xFFFF  }
0xdc: {  	[tilespmem:s0], [sflag:$0x2] =	stream.linear.gather [spmem:s21], $0x800, $0x38;
	[tilespmem:$0x3200] =	vst v63  }
0xdd: {  	_ =	swait.ge [sflag:s2], $0x800  }
0xde: {  	[sflag:s2] =	ssyncset.done $0x0  }
0xdf: {  	[sflag:s2] =	ssyncadd.s32 $0xFFFFF800  }
0xe0: {  	v7 =	vld.idx.msk [tilespmem:v2+s0+$0x0], $0xffff;
	_ =	sdelay $0x4  }
0xe1: {  	vm1 =	vgt.s32 v7, $0xFF  }
0xe2: {  	v7 =	vnsel vm1, $0x80000000, v3  }
0xe3: {  	(xrf0) =	vmax.scan.msk.u32 $0xffff, v7;
	_ =	sdelay $0x5  }
0xe4: {  	v7, _, _ =	vpop (xrf0)  }
0xe5: {  	(v2sf) =	vpush v7, $0xF;
	_ =	sdelay $0xe  }
0xe6: {  	s11 =	spop (v2sf)  }
0xe7: {  	s11 =	sshll.u32 s11, $0x8  }
0xe8: {  	s10 =	sadd.s32 s10, s11  }
0xe9: {  	s12 =	simm.s32 $0x0;
	s11 =	sadd.s32 s25, s10  }
0xea: {  	v9 =	vld [tilespmem:s12+$0x800];
	v7 =	vimm.s32 $0x0;
	v8 =	vmov s11;
	s11 =	simm.s32 $0x40  }
.LBB2_16:
0xeb: {  	_ =	sdelay $0x1  }
0xec: {  	p0 =	sne.s32 s11, $0x1FC0  }
.Ltmp7:
0xed: {  	_ = 	snop;
	(pc) =	sbr.rel @p0 .LBB2_16-.Ltmp7, $4  }
0xee: {  	vm1 =	vge.u32 v9, v8  }
0xef: {  	v10 =	vmpcnt.ones.xlane vm1  }
0xf0: {  	s12 =	sshra.s32 s11, $0x2  }
0xf1: {  	s11 =	sadd.s32 $0x40, s11;
	v9 =	vld [tilespmem:s12+$0x800];
	v7 =	vadd.s32 v7, v10  }
0xf2: {  	_ =	sdelay $0x3  }
0xf3: {  	vm1 =	vge.u32 v9, v8  }
0xf4: {  	v8 =	vmpcnt.ones.xlane vm1;
	_ =	sdelay $0x1  }
0xf5: {  	v7 =	vadd.s32 v7, v8  }
0xf6: {  	[tilespmem:$0x2900] =	vst v7  }
0xf7: {  	[spmem:s26] =	stream.linear.scatter [tilespmem:s3], [sflag:$0x2], $0x80, $0x38;
	[tilespmem:$0x3200] =	vst v63  }
0xf8: {  	_ =	swait.ge [sflag:s2], $0x80  }
0xf9: {  	[sflag:s2] =	ssyncset.done $0x0  }
0xfa: {  	[sflag:s2] =	ssyncadd.s32 $0xFFFFFF80  }
0xfb: {  	[bflag:$0x0] =	sbarrier.arrive $0xFFFF  }
0xfc: {  	[tilespmem:s0], [sflag:$0x2] =	stream.linear.gather [spmem:s28], $0x800, $0x38;
	[tilespmem:$0x3200] =	vst v63  }
0xfd: {  	_ =	swait.ge [sflag:s2], $0x800  }
0xfe: {  	[sflag:s2] =	ssyncset.done $0x0  }
0xff: {  	[sflag:s2] =	ssyncadd.s32 $0xFFFFF800  }
0x100: {  	v7 =	vld.idx.msk [tilespmem:v2+s0+$0x0], $0xffff;
	_ =	sdelay $0x4  }
0x101: {  	vm1 =	vgt.s32 v7, $0xFF  }
0x102: {  	v7 =	vnsel vm1, $0x80000000, v3  }
0x103: {  	(xrf0) =	vmax.scan.msk.u32 $0xffff, v7;
	_ =	sdelay $0x5  }
0x104: {  	v7, _, _ =	vpop (xrf0)  }
0x105: {  	(v2sf) =	vpush v7, $0xF;
	_ =	sdelay $0xe  }
0x106: {  	s11 =	spop (v2sf)  }
0x107: {  	s11 =	sshll.u32 s11, $0x4  }
0x108: {  	s12 =	stileid.u32;
	s10 =	sadd.s32 s10, s11  }
0x109: {  	s11 =	sadd.s32 s12, s10;
	s12 =	simm.s32 $0x0  }
0x10a: {  	v7 =	vimm.s32 $0x0;
	v8 =	vmov s11;
	s11 =	simm.s32 $0x40;
	v9 =	vld [tilespmem:s12+$0x800]  }
.LBB2_18:
0x10b: {  	_ =	sdelay $0x1  }
0x10c: {  	p0 =	sne.s32 s11, $0x1FC0  }
.Ltmp8:
0x10d: {  	_ = 	snop;
	(pc) =	sbr.rel @p0 .LBB2_18-.Ltmp8, $4  }
0x10e: {  	vm1 =	vge.u32 v9, v8  }
0x10f: {  	v10 =	vmpcnt.ones.xlane vm1  }
0x110: {  	s12 =	sshra.s32 s11, $0x2  }
0x111: {  	s11 =	sadd.s32 $0x40, s11;
	v9 =	vld [tilespmem:s12+$0x800];
	v7 =	vadd.s32 v7, v10  }
0x112: {  	_ =	sdelay $0x3  }
0x113: {  	vm1 =	vge.u32 v9, v8  }
0x114: {  	v8 =	vmpcnt.ones.xlane vm1;
	_ =	sdelay $0x1  }
0x115: {  	v7 =	vadd.s32 v7, v8  }
0x116: {  	[tilespmem:$0x2900] =	vst v7  }
0x117: {  	[spmem:s29] =	stream.linear.scatter [tilespmem:s3], [sflag:$0x2], $0x80, $0x38;
	[tilespmem:$0x3200] =	vst v63  }
0x118: {  	_ =	swait.ge [sflag:s2], $0x80  }
0x119: {  	[sflag:s2] =	ssyncset.done $0x0  }
0x11a: {  	[sflag:s2] =	ssyncadd.s32 $0xFFFFFF80  }
0x11b: {  	[bflag:$0x0] =	sbarrier.arrive $0xFFFF  }
0x11c: {  	[tilespmem:s0], [sflag:$0x2] =	stream.linear.gather [spmem:s30], $0x800, $0x38;
	[tilespmem:$0x3200] =	vst v63  }
0x11d: {  	_ =	swait.ge [sflag:s2], $0x800  }
0x11e: {  	[sflag:s2] =	ssyncset.done $0x0  }
0x11f: {  	[sflag:s2] =	ssyncadd.s32 $0xFFFFF800  }
0x120: {  	v7 =	vld.idx.msk [tilespmem:v2+s0+$0x0], $0xffff;
	_ =	sdelay $0x4  }
0x121: {  	vm1 =	vgt.s32 v7, $0xFF  }
0x122: {  	v7 =	vnsel vm1, $0x80000000, v3  }
0x123: {  	(xrf0) =	vmax.scan.msk.u32 $0xffff, v7;
	_ =	sdelay $0x5  }
0x124: {  	v7, _, _ =	vpop (xrf0)  }
0x125: {  	(v2sf) =	vpush v7, $0xF;
	_ =	sdelay $0xe  }
0x126: {  	s11 =	spop (v2sf)  }
0x127: {  	s10 =	sadd.s32 s11, s10  }
0x128: {  	s12 =	simm.s32 $0x0;
	s10 =	sadd.s32 $0x80000000, s10  }
0x129: {  	v8 =	vimm.s32 $0x0;
	v9 =	vld [tilespmem:s12+$0x800];
	v7 =	vmov s10;
	s10 =	simm.s32 $0x40  }
.LBB2_20:
0x12a: {  	_ =	sdelay $0x1  }
0x12b: {  	p0 =	sne.s32 s10, $0x1FC0  }
.Ltmp9:
0x12c: {  	_ = 	snop;
	(pc) =	sbr.rel @p0 .LBB2_20-.Ltmp9, $4  }
0x12d: {  	vm1 =	vgt.u32 v9, v7  }
0x12e: {  	v10 =	vmpcnt.ones.xlane vm1  }
0x12f: {  	s11 =	sshra.s32 s10, $0x2  }
0x130: {  	s10 =	sadd.s32 $0x40, s10;
	v9 =	vld [tilespmem:s11+$0x800];
	v8 =	vadd.s32 v8, v10  }
0x131: {  	_ =	sdelay $0x3  }
0x132: {  	vm1 =	vgt.u32 v9, v7  }
0x133: {  	v9 =	vmpcnt.ones.xlane vm1;
	_ =	sdelay $0x1  }
0x134: {  	v10 =	vimm.s32 $0x0;
	s11 =	simm.s32 $0x800;
	v11 =	vimm.s32 $0x0;
	v8 =	vadd.s32 v8, v9  }
0x135: {  	s10 =	simm.s32 $0x0;
	s12 =	simm.s32 $0x10;
	v12 =	vimm.s32 $0x0;
	v13 =	vld [tilespmem:s11+$0x0];
	v9 =	vimm.s32 $0x0;
	v8 =	vsub.s32 $0x100, v8  }
.LBB2_22:
0x136: {  	p0 =	sne.s32 s12, $0x7F0;
	_ =	sdelay $0x3  }
0x137: {  	vm1 =	veq.s32 v13, v7  }
0x138: {  	v14 =	vsel vm1, $0x1, v4;
	v15 =	vmpcnt.ones.xlane vm1  }
0x139: {  	(xrf0) =	vadd.scan.msk.s32 $0xffff, v14  }
0x13a: {  	v10 =	vadd.s32 v10, v15;
	_ =	sdelay $0x4  }
0x13b: {  	v14, _, _ =	vpop (xrf0)  }
0x13c: {  	v14 =	vadd.s32 v11, v14;
	v11 =	vmov v10  }
0x13d: {  	vm2 =	vle.s32 v14, v8  }
0x13e: {  	vm3 =	vgt.u32 v13, v7;
	vm1 =	vmand vm1, vm2  }
0x13f: {  	vm1 =	vmor vm3, vm1  }
0x140: {  	v13 =	vsel vm1, $0x1, v4;
	v14 =	vmpcnt.ones.xlane vm1  }
0x141: {  	(xrf0) =	vadd.scan.msk.s32 $0xffff, v13  }
0x142: {  	v12 =	vadd.s32 v12, v14;
	_ =	sdelay $0x4  }
0x143: {  	v13, _, _ =	vpop (xrf0)  }
0x144: {  	v13 =	vadd.s32 v13, v9;
	v9 =	vmov v12  }
0x145: {  	v13 =	vadd.s32 $0xFFFFFFFF, v13;
	_ =	sdelay $0x1  }
.Ltmp10:
0x146: {  	(pc) =	sbr.rel @p0 .LBB2_22-.Ltmp10, $4  }
0x147: {  	_ = 	snop  }
0x148: {  	v14 =	vor.u32 s10, v0;
	s10 =	smov.u32 s12  }
0x149: {  	s11 =	sadd.s32 $0x10, s11;
	[tilespmem:v13+s5+$0x0] =	vst.idx.msk vm1, v14  }
0x14a: {  	s12 =	sadd.s32 $0x10, s12;
	v13 =	vld [tilespmem:s11+$0x0]  }
0x14b: {  	_ =	sdelay $0x3  }
0x14c: {  	vm1 =	veq.s32 v13, v7  }
0x14d: {  	v10 =	vsel vm1, $0x1, v4  }
0x14e: {  	(xrf0) =	vadd.scan.msk.s32 $0xffff, v10;
	_ =	sdelay $0x5  }
0x14f: {  	v10, _, _ =	vpop (xrf0)  }
0x150: {  	v10 =	vadd.s32 v11, v10  }
0x151: {  	vm2 =	vle.s32 v10, v8  }
0x152: {  	vm3 =	vgt.u32 v13, v7;
	vm1 =	vmand vm1, vm2  }
0x153: {  	vm1 =	vmor vm3, vm1  }
0x154: {  	v7 =	vsel vm1, $0x1, v4  }
0x155: {  	(xrf0) =	vadd.scan.msk.s32 $0xffff, v7;
	_ =	sdelay $0x5  }
0x156: {  	v7, _, _ =	vpop (xrf0)  }
0x157: {  	v7 =	vadd.s32 v7, v9  }
0x158: {  	v7 =	vadd.s32 $0xFFFFFFFF, v7;
	_ =	sdelay $0x3  }
0x159: {  	v8 =	vor.u32 s10, v0  }
0x15a: {  	[tilespmem:v7+s5+$0x0] =	vst.idx.msk vm1, v8  }
0x15b: {  	v7 =	vld.msk [tilespmem:s22+$0x0], $0xff;
	_ =	sdelay $0x4  }
0x15c: {  	v8 =	vshrl.u32 v7, $0x3  }
0x15d: {  	v8 =	vmul.u32 $0x30, v8  }
0x15e: {  	v7 =	vand.u32 $0x7, v7  }
0x15f: {  	v7 =	vor.u32 v7, v8  }
0x160: {  	v7 =	vperm.xlane v7, v5;
	_ =	sdelay $0x1  }
0x161: {  	v7 =	vadd.s32 v6, v7;
	_ =	sdelay $0x3  }
0x162: {  	s12 =	rddreg [dreg:$0x1]  }
0x163: {  	[tilespmem:s7], [sflag:$0x1] =	stream.indirect_vreg.gather [hbm4b:s12+s4], $0x80, v7, vm0, $0xb8;
	[tilespmem:$0x3200] =	vst v63  }
0x164: {  	s11 =	simm.s32 $0x1900  }
0x165: {  	[tilespmem:s11], [sflag:$0x1] =	stream.indirect_vreg.gather [hbm4b:s31+s4], $0x80, v7, vm0, $0xb8;
	[tilespmem:$0x3200] =	vst v63  }
0x166: {  	s12 =	simm.s32 $0x2100  }
0x167: {  	[tilespmem:s12], [sflag:$0x1] =	stream.indirect_vreg.gather [hbm4b:s1+s4], $0x80, v7, vm0, $0xb8;
	[tilespmem:$0x3200] =	vst v63  }
0x168: {  	s9 =	sadd.s32 $0x1, s9;
	_ =	swait.ge [sflag:s8], $0x1800  }
0x169: {  	p0 =	sne.s32 s9, s24;
	[sflag:s8] =	ssyncset.done $0x0  }
.Ltmp11:
0x16a: {  	[sflag:s8] =	ssyncadd.s32 $0xFFFFE800;
	(pc) =	sbr.rel @p0 .LBB2_1-.Ltmp11, $4  }
0x16b: {  	[hbm4b:s23+s4] =	stream.linear.scatter [tilespmem:s7], [sflag:$0x2], $0x1800, $0x38;
	[tilespmem:$0x3200] =	vst v63  }
0x16c: {  	_ =	swait.ge [sflag:s2], $0x1800  }
0x16d: {  	[sflag:s2] =	ssyncset.done $0x0  }
0x16e: {  	[sflag:s2] =	ssyncadd.s32 $0xFFFFE800  }
0x16f: {  	_ =	sfence.sel $0x180000  }
0x170: {  	[bflag:$0x0] =	sbarrier.arrive $0xFFFF  }
0x171: {  	_ =	strace $0x90000047  }
0x172: {  	s0 =	stileid.u32;
	[bflag:$0x2] =	sbarrier.arrive $0xFFFF  }
0x173: {  	p0 =	sne.s32 s0, $0x0;
	s0 =	rddreg [dreg:$0x3]  }
0x174: {  	s0 =	sadd.s32 @!p0 $0x100000, s0  }
0x175: {  	[sflag:s0] =	ssyncadd.tile.s32 @!p0 $0x1;
	_ =	shalt  }
.Lfunc_end2:
_tile_overlayer_lowered:
.L_overlay_start_2:
0x176: {  	(tag) =	ssettag $0x2  }
0x177: {  	s0 =	rddreg [dreg:$0x0];
	s2 =	stileid.u32  }
0x178: {  	s1 =	rddreg [dreg:$0x1];
	p0 =	sne.s32 s2, $0x0  }
0x179: {  	s3 =	rddreg [dreg:$0x2];
	[bflag:$0x3] =	sbarrier.arrive $0xFFFF;
	s2 =	simm.s32 @!p0 $0x1C02  }
0x17a: {  	[timem:s3], [sflag:s2] =	dma.local @!p0 [hbm:s0], s1  }
0x17b: {  	s0 =	simm.s32 @!p0 $0x2  }
0x17c: {  	_ =	swait.ge @!p0 [sflag:s0], s1  }
0x17d: {  	s1 =	ssub.s32 @!p0 $0x0, s1;
	[sflag:s0] =	ssyncset.done @!p0 $0x0  }
0x17e: {  	[sflag:s0] =	ssyncadd.s32 @!p0 s1  }
0x17f: {  	[bflag:$0x3] =	sbarrier.arrive $0xFFFF  }
0x180: {  	_ =	shalt  }

</sc_bundles>
